<compile_context>
chip_gen: v7x
topology: tpu7x:2x2x1
jax: 0.10.2.dev20260603
libtpu: 0.0.44.dev20260713+nightly
codegen_flags: <defaults>
</compile_context>

<pallas_src>
import functools

import jax
import jax.numpy as jnp
from jax import lax
from jax.experimental import pallas as pl
from jax.experimental.pallas import tpu as pltpu
from jax.experimental.pallas import tpu_sc as plsc

N = 10000
E = 320000
D = 128

NC = 2
NS = 16
NW = NC * NS

C = 128
NCH = -(-E // (NW * C))
EP = NW * NCH * C

LPR = D // 16
RPT = 624
TAIL = N - NS * RPT

_mesh = plsc.VectorSubcoreMesh(core_axis_name="c", subcore_axis_name="s")


@functools.partial(
    pl.kernel,
    mesh=_mesh,
    out_type=jax.ShapeDtypeStruct((NC, N, D), jnp.float32),
    scratch_types=[
        pltpu.VMEM((NCH, C), jnp.int32),
        pltpu.VMEM((NCH, C), jnp.int32),
        pltpu.VMEM((NCH, C), jnp.float32),
        pltpu.VMEM((C, D), jnp.float32),
        pltpu.VMEM_SHARED((N, D), jnp.float32),
        pltpu.SemaphoreType.DMA,
    ],
)
def _scatter_kernel(feat, col3, row3, val3, out, colbuf, rowbuf, valbuf,
                    rbuf, acc, sem):
    c = lax.axis_index("c")
    s = lax.axis_index("s")
    wid = s * NC + c
    zero16 = jnp.zeros((16,), jnp.float32)

    def z_body(r, carry):
        for k in range(LPR):
            rbuf[r, pl.ds(k * 16, 16)] = zero16
        return carry
    lax.fori_loop(0, C, z_body, 0)
    base = s * RPT
    rem = RPT % C
    for t in range(RPT // C):
        pltpu.sync_copy(rbuf, acc.at[pl.ds(base + t * C, C)])
    pltpu.sync_copy(rbuf.at[pl.ds(0, rem)],
                    acc.at[pl.ds(base + (RPT // C) * C, rem)])

    @pl.when(s == NS - 1)
    def _zero_tail():
        pltpu.sync_copy(rbuf.at[pl.ds(0, TAIL)], acc.at[pl.ds(NS * RPT, TAIL)])
    plsc.subcore_barrier()

    pltpu.sync_copy(col3.at[wid], colbuf)
    pltpu.sync_copy(row3.at[wid], rowbuf)
    pltpu.sync_copy(val3.at[wid], valbuf)

    def chunk_body(j, carry):
        pltpu.async_copy(feat.at[colbuf.at[j]], rbuf, sem).wait()

        def mul_body(g, carry2):
            vv = valbuf[j, pl.ds(g * 16, 16)]
            for u in range(16):
                v = vv[u]
                e = g * 16 + u
                for k in range(LPR):
                    rbuf[e, pl.ds(k * 16, 16)] = rbuf[e, pl.ds(k * 16, 16)] * v
            return carry2
        lax.fori_loop(0, C // 16, mul_body, 0)

        pltpu.sync_copy(rbuf, acc.at[rowbuf.at[j]], add=True)
        return carry
    lax.fori_loop(0, NCH, chunk_body, 0)
    plsc.subcore_barrier()

    pltpu.sync_copy(acc.at[pl.ds(base, RPT)], out.at[c, pl.ds(base, RPT)])

    @pl.when(s == NS - 1)
    def _write_tail():
        pltpu.sync_copy(acc.at[pl.ds(NS * RPT, TAIL)],
                        out.at[c, pl.ds(NS * RPT, TAIL)])


def _combine_body(p0, p1, f, o):
    o[...] = p0[0] + p1[0] + f[...]


_BLK = 1000


def _combine(partials, features):
    return pl.pallas_call(
        _combine_body,
        grid=(N // _BLK,),
        in_specs=[
            pl.BlockSpec((1, _BLK, D), lambda i: (0, i, 0)),
            pl.BlockSpec((1, _BLK, D), lambda i: (1, i, 0)),
            pl.BlockSpec((_BLK, D), lambda i: (i, 0)),
        ],
        out_specs=pl.BlockSpec((_BLK, D), lambda i: (i, 0)),
        out_shape=jax.ShapeDtypeStruct((N, D), jnp.float32),
    )(partials, partials, features)


def kernel(features, lap_indices, lap_values):
    pad = EP - E
    row = jnp.pad(lap_indices[0], (0, pad)).reshape(NW, NCH, C)
    col = jnp.pad(lap_indices[1], (0, pad)).reshape(NW, NCH, C)
    val = jnp.pad(lap_values, (0, pad)).reshape(NW, NCH, C)
    partials = _scatter_kernel(features, col, row, val)
    return _combine(partials, features)

# --- scband reference (transcript-rebuilt; emitter-appended) ---
"""Pipeline reference for scband-gplayer-41051297415859 (READ-ONLY COPY).

The authoritative reference and input builder live on the scoring server;
editing this copy changes nothing except your own understanding.
"""

import jax, jax.numpy as jnp
import numpy as np

N = 10000
E = 320000
D = 128

def setup_inputs(seed: int = 0) -> dict:
    key = jax.random.key(seed)
    k1, k2, k3 = jax.random.split(key, 3)
    features = jax.random.normal(k1, (N, D), dtype=jnp.float32)
    lap_indices = jax.random.randint(k2, (2, E), 0, N, dtype=jnp.int32)
    lap_values = jax.random.uniform(k3, (E,), dtype=jnp.float32)
    return {"features": features, "lap_indices": lap_indices, "lap_values": lap_values}

def reference(features, lap_indices, lap_values):
    # L1 = laplacianMat + selfLoop(identity);  out = L1 @ features
    # sparse.mm(lap, features) via gather on col indices + scatter-add on row indices,
    # identity (self-loop) contribution added as '+ features'.
    row = lap_indices[0]
    col = lap_indices[1]
    gathered = jnp.take(features, col, axis=0) * lap_values[:, None]
    out = jnp.zeros_like(features).at[row].add(gathered)
    return out + features

if __name__ == "__main__":
    import jax
    _d = setup_inputs()
    print(jax.jit(kernel)(*tuple(_d.values())))

</pallas_src>

<mosaic_0001>
#map = affine_map<(d0, d1) -> (0, 0)>
#map1 = affine_map<(d0, d1) -> (0, 0, 0)>
module attributes {stable_mosaic.version = 14 : i64} {
  func.func @_scatter_kernel(%arg0: i32, %arg1: i32, %arg2: memref<10000x128xf32, #tpu.memory_space<hbm>>, %arg3: memref<32x79x128xi32, #tpu.memory_space<hbm>>, %arg4: memref<32x79x128xi32, #tpu.memory_space<hbm>>, %arg5: memref<32x79x128xf32, #tpu.memory_space<hbm>>, %arg6: memref<2x10000x128xf32, #tpu.memory_space<hbm>>, %arg7: memref<79x128xi32, #tpu.memory_space<vmem>>, %arg8: memref<79x128xi32, #tpu.memory_space<vmem>>, %arg9: memref<79x128xf32, #tpu.memory_space<vmem>>, %arg10: memref<128x128xf32, #tpu.memory_space<vmem>>, %arg11: memref<10000x128xf32, #tpu.memory_space<vmem_shared>>, %arg12: memref<!tpu.dma_semaphore, #tpu.memory_space<semaphore_mem>>) attributes {dimension_semantics = [#tpu.dimension_semantics<core_parallel>, #tpu.dimension_semantics<subcore_parallel>], iteration_bounds = array<i64: 2, 16>, scalar_prefetch = 0 : i64, scratch_operands = 6 : i64, tpu.core_type = #tpu.core_type<sc_vector_subcore>, window_params = [{transform_indices = #map}, {transform_indices = #map1}, {transform_indices = #map1}, {transform_indices = #map1}, {transform_indices = #map1}]} {
    %mul3A = arith.constant 2 : i32
    %mul3A_0 = arith.muli %arg1, %mul3A : i32
    %add3A = arith.addi %mul3A_0, %arg0 : i32
    %broadcast_in_dim3A = arith.constant 0.000000e+00 : f32
    %broadcast_in_dim3A_1 = vector.broadcast %broadcast_in_dim3A : f32 to vector<16xf32>
    %scan3A = arith.constant 0 : i32
    %scan3A_2 = arith.constant 0 : i32
    %scan3A_3 = arith.constant 128 : i32
    %scan3A_4 = arith.addi %scan3A_2, %scan3A_3 : i32
    %scan3A_5 = arith.constant 1 : i32
    scf.for %scan3A_33 = %scan3A_2 to %scan3A_4 step %scan3A_5  : i32 {
      %swap3A = arith.index_cast %scan3A_33 : i32 to index
      %swap3A_34 = arith.constant 0 : index
      %swap3A_35 = tpu.vector_load %arg10[%swap3A, %swap3A_34] {strides = array<i32>} : memref<128x128xf32, #tpu.memory_space<vmem>>, vector<1x16xf32>,
      %swap3A_36 = vector.shape_cast %swap3A_35 : vector<1x16xf32> to vector<16xf32>
      %swap3A_37 = vector.shape_cast %broadcast_in_dim3A_1 : vector<16xf32> to vector<1x16xf32>
      tpu.vector_store %arg10[%swap3A, %swap3A_34], %swap3A_37 {strides = array<i32>} : memref<128x128xf32, #tpu.memory_space<vmem>>, vector<1x16xf32>,
      %swap3A_38 = arith.index_cast %scan3A_33 : i32 to index
      %swap3A_39 = arith.constant 16 : index
      %swap3A_40 = tpu.vector_load %arg10[%swap3A_38, %swap3A_39] {strides = array<i32>} : memref<128x128xf32, #tpu.memory_space<vmem>>, vector<1x16xf32>,
      %swap3A_41 = vector.shape_cast %swap3A_40 : vector<1x16xf32> to vector<16xf32>
      %swap3A_42 = vector.shape_cast %broadcast_in_dim3A_1 : vector<16xf32> to vector<1x16xf32>
      tpu.vector_store %arg10[%swap3A_38, %swap3A_39], %swap3A_42 {strides = array<i32>} : memref<128x128xf32, #tpu.memory_space<vmem>>, vector<1x16xf32>,
      %swap3A_43 = arith.index_cast %scan3A_33 : i32 to index
      %swap3A_44 = arith.constant 32 : index
      %swap3A_45 = tpu.vector_load %arg10[%swap3A_43, %swap3A_44] {strides = array<i32>} : memref<128x128xf32, #tpu.memory_space<vmem>>, vector<1x16xf32>,
      %swap3A_46 = vector.shape_cast %swap3A_45 : vector<1x16xf32> to vector<16xf32>
      %swap3A_47 = vector.shape_cast %broadcast_in_dim3A_1 : vector<16xf32> to vector<1x16xf32>
      tpu.vector_store %arg10[%swap3A_43, %swap3A_44], %swap3A_47 {strides = array<i32>} : memref<128x128xf32, #tpu.memory_space<vmem>>, vector<1x16xf32>,
      %swap3A_48 = arith.index_cast %scan3A_33 : i32 to index
      %swap3A_49 = arith.constant 48 : index
      %swap3A_50 = tpu.vector_load %arg10[%swap3A_48, %swap3A_49] {strides = array<i32>} : memref<128x128xf32, #tpu.memory_space<vmem>>, vector<1x16xf32>,
      %swap3A_51 = vector.shape_cast %swap3A_50 : vector<1x16xf32> to vector<16xf32>
      %swap3A_52 = vector.shape_cast %broadcast_in_dim3A_1 : vector<16xf32> to vector<1x16xf32>
      tpu.vector_store %arg10[%swap3A_48, %swap3A_49], %swap3A_52 {strides = array<i32>} : memref<128x128xf32, #tpu.memory_space<vmem>>, vector<1x16xf32>,
      %swap3A_53 = arith.index_cast %scan3A_33 : i32 to index
      %swap3A_54 = arith.constant 64 : index
      %swap3A_55 = tpu.vector_load %arg10[%swap3A_53, %swap3A_54] {strides = array<i32>} : memref<128x128xf32, #tpu.memory_space<vmem>>, vector<1x16xf32>,
      %swap3A_56 = vector.shape_cast %swap3A_55 : vector<1x16xf32> to vector<16xf32>
      %swap3A_57 = vector.shape_cast %broadcast_in_dim3A_1 : vector<16xf32> to vector<1x16xf32>
      tpu.vector_store %arg10[%swap3A_53, %swap3A_54], %swap3A_57 {strides = array<i32>} : memref<128x128xf32, #tpu.memory_space<vmem>>, vector<1x16xf32>,
      %swap3A_58 = arith.index_cast %scan3A_33 : i32 to index
      %swap3A_59 = arith.constant 80 : index
      %swap3A_60 = tpu.vector_load %arg10[%swap3A_58, %swap3A_59] {strides = array<i32>} : memref<128x128xf32, #tpu.memory_space<vmem>>, vector<1x16xf32>,
      %swap3A_61 = vector.shape_cast %swap3A_60 : vector<1x16xf32> to vector<16xf32>
      %swap3A_62 = vector.shape_cast %broadcast_in_dim3A_1 : vector<16xf32> to vector<1x16xf32>
      tpu.vector_store %arg10[%swap3A_58, %swap3A_59], %swap3A_62 {strides = array<i32>} : memref<128x128xf32, #tpu.memory_space<vmem>>, vector<1x16xf32>,
      %swap3A_63 = arith.index_cast %scan3A_33 : i32 to index
      %swap3A_64 = arith.constant 96 : index
      %swap3A_65 = tpu.vector_load %arg10[%swap3A_63, %swap3A_64] {strides = array<i32>} : memref<128x128xf32, #tpu.memory_space<vmem>>, vector<1x16xf32>,
      %swap3A_66 = vector.shape_cast %swap3A_65 : vector<1x16xf32> to vector<16xf32>
      %swap3A_67 = vector.shape_cast %broadcast_in_dim3A_1 : vector<16xf32> to vector<1x16xf32>
      tpu.vector_store %arg10[%swap3A_63, %swap3A_64], %swap3A_67 {strides = array<i32>} : memref<128x128xf32, #tpu.memory_space<vmem>>, vector<1x16xf32>,
      %swap3A_68 = arith.index_cast %scan3A_33 : i32 to index
      %swap3A_69 = arith.constant 112 : index
      %swap3A_70 = tpu.vector_load %arg10[%swap3A_68, %swap3A_69] {strides = array<i32>} : memref<128x128xf32, #tpu.memory_space<vmem>>, vector<1x16xf32>,
      %swap3A_71 = vector.shape_cast %swap3A_70 : vector<1x16xf32> to vector<16xf32>
      %swap3A_72 = vector.shape_cast %broadcast_in_dim3A_1 : vector<16xf32> to vector<1x16xf32>
      tpu.vector_store %arg10[%swap3A_68, %swap3A_69], %swap3A_72 {strides = array<i32>} : memref<128x128xf32, #tpu.memory_space<vmem>>, vector<1x16xf32>,
    }
    %scan3A_6 = arith.constant 128 : i32
    %mul3A_7 = arith.constant 624 : i32
    %mul3A_8 = arith.muli %arg1, %mul3A_7 : i32
    %add3A_9 = arith.constant 0 : i32
    %add3A_10 = arith.addi %mul3A_8, %add3A_9 : i32
    "tpu.region"() ({
      %run_scoped3A = tpu.sem_alloc : memref<!tpu.dma_semaphore, #tpu.memory_space<semaphore_mem>>
      %dma_start3A = arith.constant 0 : i32
      %dma_start3A_33 = tpu.memref_slice %arg11[%add3A_10, %dma_start3A] : memref<10000x128xf32, #tpu.memory_space<vmem_shared>> -> memref<128x128xf32, #tpu.memory_space<vmem_shared>>
      %dma_start3A_34 = arith.constant 0 : i32
      %dma_start3A_35 = tpu.memref_slice %arg11[%add3A_10, %dma_start3A_34] : memref<10000x128xf32, #tpu.memory_space<vmem_shared>> -> memref<128x128xf32, #tpu.memory_space<vmem_shared>>
      tpu.enqueue_dma source(%arg10 : memref<128x128xf32, #tpu.memory_space<vmem>>) target(%dma_start3A_35 : memref<128x128xf32, #tpu.memory_space<vmem_shared>>) target_semaphore(%run_scoped3A : memref<!tpu.dma_semaphore, #tpu.memory_space<semaphore_mem>>)
      %dma_wait3A = arith.constant 0 : i32
      %dma_wait3A_36 = tpu.memref_slice %arg11[%add3A_10, %dma_wait3A] : memref<10000x128xf32, #tpu.memory_space<vmem_shared>> -> memref<128x128xf32, #tpu.memory_space<vmem_shared>>
      %dma_wait3A_37 = arith.constant 0 : i32
      %dma_wait3A_38 = tpu.memref_slice %arg11[%add3A_10, %dma_wait3A_37] : memref<10000x128xf32, #tpu.memory_space<vmem_shared>> -> memref<128x128xf32, #tpu.memory_space<vmem_shared>>
      tpu.wait_dma2 semaphore(%run_scoped3A : memref<!tpu.dma_semaphore, #tpu.memory_space<semaphore_mem>>) src(%arg10 : memref<128x128xf32, #tpu.memory_space<vmem>>) dst(%dma_wait3A_38 : memref<128x128xf32, #tpu.memory_space<vmem_shared>>)
      tpu.yield
    }) : () -> ()
    %add3A_11 = arith.constant 128 : i32
    %add3A_12 = arith.addi %mul3A_8, %add3A_11 : i32
    "tpu.region"() ({
      %run_scoped3A = tpu.sem_alloc : memref<!tpu.dma_semaphore, #tpu.memory_space<semaphore_mem>>
      %dma_start3A = arith.constant 0 : i32
      %dma_start3A_33 = tpu.memref_slice %arg11[%add3A_12, %dma_start3A] : memref<10000x128xf32, #tpu.memory_space<vmem_shared>> -> memref<128x128xf32, #tpu.memory_space<vmem_shared>>
      %dma_start3A_34 = arith.constant 0 : i32
      %dma_start3A_35 = tpu.memref_slice %arg11[%add3A_12, %dma_start3A_34] : memref<10000x128xf32, #tpu.memory_space<vmem_shared>> -> memref<128x128xf32, #tpu.memory_space<vmem_shared>>
      tpu.enqueue_dma source(%arg10 : memref<128x128xf32, #tpu.memory_space<vmem>>) target(%dma_start3A_35 : memref<128x128xf32, #tpu.memory_space<vmem_shared>>) target_semaphore(%run_scoped3A : memref<!tpu.dma_semaphore, #tpu.memory_space<semaphore_mem>>)
      %dma_wait3A = arith.constant 0 : i32
      %dma_wait3A_36 = tpu.memref_slice %arg11[%add3A_12, %dma_wait3A] : memref<10000x128xf32, #tpu.memory_space<vmem_shared>> -> memref<128x128xf32, #tpu.memory_space<vmem_shared>>
      %dma_wait3A_37 = arith.constant 0 : i32
      %dma_wait3A_38 = tpu.memref_slice %arg11[%add3A_12, %dma_wait3A_37] : memref<10000x128xf32, #tpu.memory_space<vmem_shared>> -> memref<128x128xf32, #tpu.memory_space<vmem_shared>>
      tpu.wait_dma2 semaphore(%run_scoped3A : memref<!tpu.dma_semaphore, #tpu.memory_space<semaphore_mem>>) src(%arg10 : memref<128x128xf32, #tpu.memory_space<vmem>>) dst(%dma_wait3A_38 : memref<128x128xf32, #tpu.memory_space<vmem_shared>>)
      tpu.yield
    }) : () -> ()
    %add3A_13 = arith.constant 256 : i32
    %add3A_14 = arith.addi %mul3A_8, %add3A_13 : i32
    "tpu.region"() ({
      %run_scoped3A = tpu.sem_alloc : memref<!tpu.dma_semaphore, #tpu.memory_space<semaphore_mem>>
      %dma_start3A = arith.constant 0 : i32
      %dma_start3A_33 = tpu.memref_slice %arg11[%add3A_14, %dma_start3A] : memref<10000x128xf32, #tpu.memory_space<vmem_shared>> -> memref<128x128xf32, #tpu.memory_space<vmem_shared>>
      %dma_start3A_34 = arith.constant 0 : i32
      %dma_start3A_35 = tpu.memref_slice %arg11[%add3A_14, %dma_start3A_34] : memref<10000x128xf32, #tpu.memory_space<vmem_shared>> -> memref<128x128xf32, #tpu.memory_space<vmem_shared>>
      tpu.enqueue_dma source(%arg10 : memref<128x128xf32, #tpu.memory_space<vmem>>) target(%dma_start3A_35 : memref<128x128xf32, #tpu.memory_space<vmem_shared>>) target_semaphore(%run_scoped3A : memref<!tpu.dma_semaphore, #tpu.memory_space<semaphore_mem>>)
      %dma_wait3A = arith.constant 0 : i32
      %dma_wait3A_36 = tpu.memref_slice %arg11[%add3A_14, %dma_wait3A] : memref<10000x128xf32, #tpu.memory_space<vmem_shared>> -> memref<128x128xf32, #tpu.memory_space<vmem_shared>>
      %dma_wait3A_37 = arith.constant 0 : i32
      %dma_wait3A_38 = tpu.memref_slice %arg11[%add3A_14, %dma_wait3A_37] : memref<10000x128xf32, #tpu.memory_space<vmem_shared>> -> memref<128x128xf32, #tpu.memory_space<vmem_shared>>
      tpu.wait_dma2 semaphore(%run_scoped3A : memref<!tpu.dma_semaphore, #tpu.memory_space<semaphore_mem>>) src(%arg10 : memref<128x128xf32, #tpu.memory_space<vmem>>) dst(%dma_wait3A_38 : memref<128x128xf32, #tpu.memory_space<vmem_shared>>)
      tpu.yield
    }) : () -> ()
    %add3A_15 = arith.constant 384 : i32
    %add3A_16 = arith.addi %mul3A_8, %add3A_15 : i32
    "tpu.region"() ({
      %run_scoped3A = tpu.sem_alloc : memref<!tpu.dma_semaphore, #tpu.memory_space<semaphore_mem>>
      %dma_start3A = arith.constant 0 : i32
      %dma_start3A_33 = tpu.memref_slice %arg11[%add3A_16, %dma_start3A] : memref<10000x128xf32, #tpu.memory_space<vmem_shared>> -> memref<128x128xf32, #tpu.memory_space<vmem_shared>>
      %dma_start3A_34 = arith.constant 0 : i32
      %dma_start3A_35 = tpu.memref_slice %arg11[%add3A_16, %dma_start3A_34] : memref<10000x128xf32, #tpu.memory_space<vmem_shared>> -> memref<128x128xf32, #tpu.memory_space<vmem_shared>>
      tpu.enqueue_dma source(%arg10 : memref<128x128xf32, #tpu.memory_space<vmem>>) target(%dma_start3A_35 : memref<128x128xf32, #tpu.memory_space<vmem_shared>>) target_semaphore(%run_scoped3A : memref<!tpu.dma_semaphore, #tpu.memory_space<semaphore_mem>>)
      %dma_wait3A = arith.constant 0 : i32
      %dma_wait3A_36 = tpu.memref_slice %arg11[%add3A_16, %dma_wait3A] : memref<10000x128xf32, #tpu.memory_space<vmem_shared>> -> memref<128x128xf32, #tpu.memory_space<vmem_shared>>
      %dma_wait3A_37 = arith.constant 0 : i32
      %dma_wait3A_38 = tpu.memref_slice %arg11[%add3A_16, %dma_wait3A_37] : memref<10000x128xf32, #tpu.memory_space<vmem_shared>> -> memref<128x128xf32, #tpu.memory_space<vmem_shared>>
      tpu.wait_dma2 semaphore(%run_scoped3A : memref<!tpu.dma_semaphore, #tpu.memory_space<semaphore_mem>>) src(%arg10 : memref<128x128xf32, #tpu.memory_space<vmem>>) dst(%dma_wait3A_38 : memref<128x128xf32, #tpu.memory_space<vmem_shared>>)
      tpu.yield
    }) : () -> ()
    %add3A_17 = arith.constant 512 : i32
    %add3A_18 = arith.addi %mul3A_8, %add3A_17 : i32
    "tpu.region"() ({
      %run_scoped3A = tpu.sem_alloc : memref<!tpu.dma_semaphore, #tpu.memory_space<semaphore_mem>>
      %dma_start3A = arith.constant 0 : i32
      %dma_start3A_33 = arith.constant 0 : i32
      %dma_start3A_34 = tpu.memref_slice %arg10[%dma_start3A, %dma_start3A_33] : memref<128x128xf32, #tpu.memory_space<vmem>> -> memref<112x128xf32, #tpu.memory_space<vmem>>
      %dma_start3A_35 = arith.constant 0 : i32
      %dma_start3A_36 = tpu.memref_slice %arg11[%add3A_18, %dma_start3A_35] : memref<10000x128xf32, #tpu.memory_space<vmem_shared>> -> memref<112x128xf32, #tpu.memory_space<vmem_shared>>
      %dma_start3A_37 = arith.constant 0 : i32
      %dma_start3A_38 = tpu.memref_slice %arg11[%add3A_18, %dma_start3A_37] : memref<10000x128xf32, #tpu.memory_space<vmem_shared>> -> memref<112x128xf32, #tpu.memory_space<vmem_shared>>
      %dma_start3A_39 = arith.constant 0 : i32
      %dma_start3A_40 = arith.constant 0 : i32
      %dma_start3A_41 = tpu.memref_slice %arg10[%dma_start3A_39, %dma_start3A_40] : memref<128x128xf32, #tpu.memory_space<vmem>> -> memref<112x128xf32, #tpu.memory_space<vmem>>
      tpu.enqueue_dma source(%dma_start3A_41 : memref<112x128xf32, #tpu.memory_space<vmem>>) target(%dma_start3A_38 : memref<112x128xf32, #tpu.memory_space<vmem_shared>>) target_semaphore(%run_scoped3A : memref<!tpu.dma_semaphore, #tpu.memory_space<semaphore_mem>>)
      %dma_wait3A = arith.constant 0 : i32
      %dma_wait3A_42 = arith.constant 0 : i32
      %dma_wait3A_43 = tpu.memref_slice %arg10[%dma_wait3A, %dma_wait3A_42] : memref<128x128xf32, #tpu.memory_space<vmem>> -> memref<112x128xf32, #tpu.memory_space<vmem>>
      %dma_wait3A_44 = arith.constant 0 : i32
      %dma_wait3A_45 = tpu.memref_slice %arg11[%add3A_18, %dma_wait3A_44] : memref<10000x128xf32, #tpu.memory_space<vmem_shared>> -> memref<112x128xf32, #tpu.memory_space<vmem_shared>>
      %dma_wait3A_46 = arith.constant 0 : i32
      %dma_wait3A_47 = tpu.memref_slice %arg11[%add3A_18, %dma_wait3A_46] : memref<10000x128xf32, #tpu.memory_space<vmem_shared>> -> memref<112x128xf32, #tpu.memory_space<vmem_shared>>
      %dma_wait3A_48 = arith.constant 0 : i32
      %dma_wait3A_49 = arith.constant 0 : i32
      %dma_wait3A_50 = tpu.memref_slice %arg10[%dma_wait3A_48, %dma_wait3A_49] : memref<128x128xf32, #tpu.memory_space<vmem>> -> memref<112x128xf32, #tpu.memory_space<vmem>>
      tpu.wait_dma2 semaphore(%run_scoped3A : memref<!tpu.dma_semaphore, #tpu.memory_space<semaphore_mem>>) src(%dma_wait3A_50 : memref<112x128xf32, #tpu.memory_space<vmem>>) dst(%dma_wait3A_47 : memref<112x128xf32, #tpu.memory_space<vmem_shared>>)
      tpu.yield
    }) : () -> ()
    %eq3A = arith.constant 15 : i32
    %eq3A_19 = arith.cmpi eq, %arg1, %eq3A : i32
    %convert_element_type3A = arith.extui %eq3A_19 : i1 to i32
    %cond3A = arith.constant 0 : i32
    %cond3A_20 = arith.cmpi ne, %convert_element_type3A, %cond3A : i32
    scf.if %cond3A_20 {
      "tpu.region"() ({
        %run_scoped3A = tpu.sem_alloc : memref<!tpu.dma_semaphore, #tpu.memory_space<semaphore_mem>>
        %dma_start3A = arith.constant 0 : i32
        %dma_start3A_33 = arith.constant 0 : i32
        %dma_start3A_34 = tpu.memref_slice %arg10[%dma_start3A, %dma_start3A_33] : memref<128x128xf32, #tpu.memory_space<vmem>> -> memref<16x128xf32, #tpu.memory_space<vmem>>
        %dma_start3A_35 = arith.constant 9984 : i32
        %dma_start3A_36 = arith.constant 0 : i32
        %dma_start3A_37 = tpu.memref_slice %arg11[%dma_start3A_35, %dma_start3A_36] : memref<10000x128xf32, #tpu.memory_space<vmem_shared>> -> memref<16x128xf32, #tpu.memory_space<vmem_shared>>
        %dma_start3A_38 = arith.constant 9984 : i32
        %dma_start3A_39 = arith.constant 0 : i32
        %dma_start3A_40 = tpu.memref_slice %arg11[%dma_start3A_38, %dma_start3A_39] : memref<10000x128xf32, #tpu.memory_space<vmem_shared>> -> memref<16x128xf32, #tpu.memory_space<vmem_shared>>
        %dma_start3A_41 = arith.constant 0 : i32
        %dma_start3A_42 = arith.constant 0 : i32
        %dma_start3A_43 = tpu.memref_slice %arg10[%dma_start3A_41, %dma_start3A_42] : memref<128x128xf32, #tpu.memory_space<vmem>> -> memref<16x128xf32, #tpu.memory_space<vmem>>
        tpu.enqueue_dma source(%dma_start3A_43 : memref<16x128xf32, #tpu.memory_space<vmem>>) target(%dma_start3A_40 : memref<16x128xf32, #tpu.memory_space<vmem_shared>>) target_semaphore(%run_scoped3A : memref<!tpu.dma_semaphore, #tpu.memory_space<semaphore_mem>>)
        %dma_wait3A = arith.constant 0 : i32
        %dma_wait3A_44 = arith.constant 0 : i32
        %dma_wait3A_45 = tpu.memref_slice %arg10[%dma_wait3A, %dma_wait3A_44] : memref<128x128xf32, #tpu.memory_space<vmem>> -> memref<16x128xf32, #tpu.memory_space<vmem>>
        %dma_wait3A_46 = arith.constant 9984 : i32
        %dma_wait3A_47 = arith.constant 0 : i32
        %dma_wait3A_48 = tpu.memref_slice %arg11[%dma_wait3A_46, %dma_wait3A_47] : memref<10000x128xf32, #tpu.memory_space<vmem_shared>> -> memref<16x128xf32, #tpu.memory_space<vmem_shared>>
        %dma_wait3A_49 = arith.constant 9984 : i32
        %dma_wait3A_50 = arith.constant 0 : i32
        %dma_wait3A_51 = tpu.memref_slice %arg11[%dma_wait3A_49, %dma_wait3A_50] : memref<10000x128xf32, #tpu.memory_space<vmem_shared>> -> memref<16x128xf32, #tpu.memory_space<vmem_shared>>
        %dma_wait3A_52 = arith.constant 0 : i32
        %dma_wait3A_53 = arith.constant 0 : i32
        %dma_wait3A_54 = tpu.memref_slice %arg10[%dma_wait3A_52, %dma_wait3A_53] : memref<128x128xf32, #tpu.memory_space<vmem>> -> memref<16x128xf32, #tpu.memory_space<vmem>>
        tpu.wait_dma2 semaphore(%run_scoped3A : memref<!tpu.dma_semaphore, #tpu.memory_space<semaphore_mem>>) src(%dma_wait3A_54 : memref<16x128xf32, #tpu.memory_space<vmem>>) dst(%dma_wait3A_51 : memref<16x128xf32, #tpu.memory_space<vmem_shared>>)
        tpu.yield
      }) : () -> ()
    } else {
    }
    %barrier3A = arith.constant 0 : index
    tpu.barrier barrier_id(%barrier3A)
    "tpu.region"() ({
      %run_scoped3A = tpu.sem_alloc : memref<!tpu.dma_semaphore, #tpu.memory_space<semaphore_mem>>
      %dma_start3A = arith.constant 0 : i32
      %dma_start3A_33 = arith.constant 0 : i32
      %dma_start3A_34 = tpu.memref_slice %arg3[%add3A, %dma_start3A, %dma_start3A_33] : memref<32x79x128xi32, #tpu.memory_space<hbm>> -> memref<1x79x128xi32, #tpu.memory_space<hbm>>
      %dma_start3A_35 = tpu.memref_squeeze %dma_start3A_34 : memref<1x79x128xi32, #tpu.memory_space<hbm>> -> memref<79x128xi32, #tpu.memory_space<hbm>>
      %dma_start3A_36 = arith.constant 0 : i32
      %dma_start3A_37 = arith.constant 0 : i32
      %dma_start3A_38 = tpu.memref_slice %arg3[%add3A, %dma_start3A_36, %dma_start3A_37] : memref<32x79x128xi32, #tpu.memory_space<hbm>> -> memref<1x79x128xi32, #tpu.memory_space<hbm>>
      %dma_start3A_39 = tpu.memref_squeeze %dma_start3A_38 : memref<1x79x128xi32, #tpu.memory_space<hbm>> -> memref<79x128xi32, #tpu.memory_space<hbm>>
      tpu.enqueue_dma source(%dma_start3A_39 : memref<79x128xi32, #tpu.memory_space<hbm>>) target(%arg7 : memref<79x128xi32, #tpu.memory_space<vmem>>) target_semaphore(%run_scoped3A : memref<!tpu.dma_semaphore, #tpu.memory_space<semaphore_mem>>)
      %dma_wait3A = arith.constant 0 : i32
      %dma_wait3A_40 = arith.constant 0 : i32
      %dma_wait3A_41 = tpu.memref_slice %arg3[%add3A, %dma_wait3A, %dma_wait3A_40] : memref<32x79x128xi32, #tpu.memory_space<hbm>> -> memref<1x79x128xi32, #tpu.memory_space<hbm>>
      %dma_wait3A_42 = tpu.memref_squeeze %dma_wait3A_41 : memref<1x79x128xi32, #tpu.memory_space<hbm>> -> memref<79x128xi32, #tpu.memory_space<hbm>>
      %dma_wait3A_43 = arith.constant 0 : i32
      %dma_wait3A_44 = arith.constant 0 : i32
      %dma_wait3A_45 = tpu.memref_slice %arg3[%add3A, %dma_wait3A_43, %dma_wait3A_44] : memref<32x79x128xi32, #tpu.memory_space<hbm>> -> memref<1x79x128xi32, #tpu.memory_space<hbm>>
      %dma_wait3A_46 = tpu.memref_squeeze %dma_wait3A_45 : memref<1x79x128xi32, #tpu.memory_space<hbm>> -> memref<79x128xi32, #tpu.memory_space<hbm>>
      tpu.wait_dma2 semaphore(%run_scoped3A : memref<!tpu.dma_semaphore, #tpu.memory_space<semaphore_mem>>) src(%dma_wait3A_46 : memref<79x128xi32, #tpu.memory_space<hbm>>) dst(%arg7 : memref<79x128xi32, #tpu.memory_space<vmem>>)
      tpu.yield
    }) : () -> ()
    "tpu.region"() ({
      %run_scoped3A = tpu.sem_alloc : memref<!tpu.dma_semaphore, #tpu.memory_space<semaphore_mem>>
      %dma_start3A = arith.constant 0 : i32
      %dma_start3A_33 = arith.constant 0 : i32
      %dma_start3A_34 = tpu.memref_slice %arg4[%add3A, %dma_start3A, %dma_start3A_33] : memref<32x79x128xi32, #tpu.memory_space<hbm>> -> memref<1x79x128xi32, #tpu.memory_space<hbm>>
      %dma_start3A_35 = tpu.memref_squeeze %dma_start3A_34 : memref<1x79x128xi32, #tpu.memory_space<hbm>> -> memref<79x128xi32, #tpu.memory_space<hbm>>
      %dma_start3A_36 = arith.constant 0 : i32
      %dma_start3A_37 = arith.constant 0 : i32
      %dma_start3A_38 = tpu.memref_slice %arg4[%add3A, %dma_start3A_36, %dma_start3A_37] : memref<32x79x128xi32, #tpu.memory_space<hbm>> -> memref<1x79x128xi32, #tpu.memory_space<hbm>>
      %dma_start3A_39 = tpu.memref_squeeze %dma_start3A_38 : memref<1x79x128xi32, #tpu.memory_space<hbm>> -> memref<79x128xi32, #tpu.memory_space<hbm>>
      tpu.enqueue_dma source(%dma_start3A_39 : memref<79x128xi32, #tpu.memory_space<hbm>>) target(%arg8 : memref<79x128xi32, #tpu.memory_space<vmem>>) target_semaphore(%run_scoped3A : memref<!tpu.dma_semaphore, #tpu.memory_space<semaphore_mem>>)
      %dma_wait3A = arith.constant 0 : i32
      %dma_wait3A_40 = arith.constant 0 : i32
      %dma_wait3A_41 = tpu.memref_slice %arg4[%add3A, %dma_wait3A, %dma_wait3A_40] : memref<32x79x128xi32, #tpu.memory_space<hbm>> -> memref<1x79x128xi32, #tpu.memory_space<hbm>>
      %dma_wait3A_42 = tpu.memref_squeeze %dma_wait3A_41 : memref<1x79x128xi32, #tpu.memory_space<hbm>> -> memref<79x128xi32, #tpu.memory_space<hbm>>
      %dma_wait3A_43 = arith.constant 0 : i32
      %dma_wait3A_44 = arith.constant 0 : i32
      %dma_wait3A_45 = tpu.memref_slice %arg4[%add3A, %dma_wait3A_43, %dma_wait3A_44] : memref<32x79x128xi32, #tpu.memory_space<hbm>> -> memref<1x79x128xi32, #tpu.memory_space<hbm>>
      %dma_wait3A_46 = tpu.memref_squeeze %dma_wait3A_45 : memref<1x79x128xi32, #tpu.memory_space<hbm>> -> memref<79x128xi32, #tpu.memory_space<hbm>>
      tpu.wait_dma2 semaphore(%run_scoped3A : memref<!tpu.dma_semaphore, #tpu.memory_space<semaphore_mem>>) src(%dma_wait3A_46 : memref<79x128xi32, #tpu.memory_space<hbm>>) dst(%arg8 : memref<79x128xi32, #tpu.memory_space<vmem>>)
      tpu.yield
    }) : () -> ()
    "tpu.region"() ({
      %run_scoped3A = tpu.sem_alloc : memref<!tpu.dma_semaphore, #tpu.memory_space<semaphore_mem>>
      %dma_start3A = arith.constant 0 : i32
      %dma_start3A_33 = arith.constant 0 : i32
      %dma_start3A_34 = tpu.memref_slice %arg5[%add3A, %dma_start3A, %dma_start3A_33] : memref<32x79x128xf32, #tpu.memory_space<hbm>> -> memref<1x79x128xf32, #tpu.memory_space<hbm>>
      %dma_start3A_35 = tpu.memref_squeeze %dma_start3A_34 : memref<1x79x128xf32, #tpu.memory_space<hbm>> -> memref<79x128xf32, #tpu.memory_space<hbm>>
      %dma_start3A_36 = arith.constant 0 : i32
      %dma_start3A_37 = arith.constant 0 : i32
      %dma_start3A_38 = tpu.memref_slice %arg5[%add3A, %dma_start3A_36, %dma_start3A_37] : memref<32x79x128xf32, #tpu.memory_space<hbm>> -> memref<1x79x128xf32, #tpu.memory_space<hbm>>
      %dma_start3A_39 = tpu.memref_squeeze %dma_start3A_38 : memref<1x79x128xf32, #tpu.memory_space<hbm>> -> memref<79x128xf32, #tpu.memory_space<hbm>>
      tpu.enqueue_dma source(%dma_start3A_39 : memref<79x128xf32, #tpu.memory_space<hbm>>) target(%arg9 : memref<79x128xf32, #tpu.memory_space<vmem>>) target_semaphore(%run_scoped3A : memref<!tpu.dma_semaphore, #tpu.memory_space<semaphore_mem>>)
      %dma_wait3A = arith.constant 0 : i32
      %dma_wait3A_40 = arith.constant 0 : i32
      %dma_wait3A_41 = tpu.memref_slice %arg5[%add3A, %dma_wait3A, %dma_wait3A_40] : memref<32x79x128xf32, #tpu.memory_space<hbm>> -> memref<1x79x128xf32, #tpu.memory_space<hbm>>
      %dma_wait3A_42 = tpu.memref_squeeze %dma_wait3A_41 : memref<1x79x128xf32, #tpu.memory_space<hbm>> -> memref<79x128xf32, #tpu.memory_space<hbm>>
      %dma_wait3A_43 = arith.constant 0 : i32
      %dma_wait3A_44 = arith.constant 0 : i32
      %dma_wait3A_45 = tpu.memref_slice %arg5[%add3A, %dma_wait3A_43, %dma_wait3A_44] : memref<32x79x128xf32, #tpu.memory_space<hbm>> -> memref<1x79x128xf32, #tpu.memory_space<hbm>>
      %dma_wait3A_46 = tpu.memref_squeeze %dma_wait3A_45 : memref<1x79x128xf32, #tpu.memory_space<hbm>> -> memref<79x128xf32, #tpu.memory_space<hbm>>
      tpu.wait_dma2 semaphore(%run_scoped3A : memref<!tpu.dma_semaphore, #tpu.memory_space<semaphore_mem>>) src(%dma_wait3A_46 : memref<79x128xf32, #tpu.memory_space<hbm>>) dst(%arg9 : memref<79x128xf32, #tpu.memory_space<vmem>>)
      tpu.yield
    }) : () -> ()
    %scan3A_21 = arith.constant 0 : i32
    %scan3A_22 = arith.constant 0 : i32
    %scan3A_23 = arith.constant 79 : i32
    %scan3A_24 = arith.addi %scan3A_22, %scan3A_23 : i32
    %scan3A_25 = arith.constant 1 : i32
    scf.for %scan3A_33 = %scan3A_22 to %scan3A_24 step %scan3A_25  : i32 {
      %dma_start3A = arith.constant 0 : i32
      %dma_start3A_34 = tpu.memref_slice %arg7[%scan3A_33, %dma_start3A] : memref<79x128xi32, #tpu.memory_space<vmem>> -> memref<1x128xi32, #tpu.memory_space<vmem>>
      %dma_start3A_35 = tpu.memref_squeeze %dma_start3A_34 : memref<1x128xi32, #tpu.memory_space<vmem>> -> memref<128xi32, #tpu.memory_space<vmem>>
      %dma_start3A_36 = arith.constant 0 : i32
      %dma_start3A_37 = arith.constant 0 : i32
      %dma_start3A_38 = tpu.memref_slice %arg2[%dma_start3A_36, %dma_start3A_37] : memref<10000x128xf32, #tpu.memory_space<hbm>> -> memref<10000x128xf32, #tpu.memory_space<hbm>>
      tpu.enqueue_indirect_dma source(%dma_start3A_38 : memref<10000x128xf32, #tpu.memory_space<hbm>>) target(%arg10 : memref<128x128xf32, #tpu.memory_space<vmem>>) offsets(%dma_start3A_35 : memref<128xi32, #tpu.memory_space<vmem>>) semaphore(%arg12 : memref<!tpu.dma_semaphore, #tpu.memory_space<semaphore_mem>>)
      %dma_wait3A = arith.constant 0 : i32
      %dma_wait3A_39 = tpu.memref_slice %arg7[%scan3A_33, %dma_wait3A] : memref<79x128xi32, #tpu.memory_space<vmem>> -> memref<1x128xi32, #tpu.memory_space<vmem>>
      %dma_wait3A_40 = tpu.memref_squeeze %dma_wait3A_39 : memref<1x128xi32, #tpu.memory_space<vmem>> -> memref<128xi32, #tpu.memory_space<vmem>>
      %dma_wait3A_41 = arith.constant 0 : i32
      %dma_wait3A_42 = arith.constant 0 : i32
      %dma_wait3A_43 = tpu.memref_slice %arg2[%dma_wait3A_41, %dma_wait3A_42] : memref<10000x128xf32, #tpu.memory_space<hbm>> -> memref<10000x128xf32, #tpu.memory_space<hbm>>
      tpu.wait_indirect_dma semaphore(%arg12 : memref<!tpu.dma_semaphore, #tpu.memory_space<semaphore_mem>>) src(%dma_wait3A_43 : memref<10000x128xf32, #tpu.memory_space<hbm>>) dst(%arg10 : memref<128x128xf32, #tpu.memory_space<vmem>>)
      %scan3A_44 = arith.constant 0 : i32
      %scan3A_45 = arith.constant 0 : i32
      %scan3A_46 = arith.constant 8 : i32
      %scan3A_47 = arith.addi %scan3A_45, %scan3A_46 : i32
      %scan3A_48 = arith.constant 1 : i32
      scf.for %scan3A_50 = %scan3A_45 to %scan3A_47 step %scan3A_48  : i32 {
        %mul3A_51 = arith.constant 16 : i32
        %mul3A_52 = arith.muli %scan3A_50, %mul3A_51 : i32
        %get3A = arith.index_cast %scan3A_33 : i32 to index
        %get3A_53 = arith.index_cast %mul3A_52 : i32 to index
        %get3A_54 = tpu.vector_load %arg9[%get3A, %get3A_53] {strides = array<i32>} : memref<79x128xf32, #tpu.memory_space<vmem>>, vector<1x16xf32>,
        %get3A_55 = vector.shape_cast %get3A_54 : vector<1x16xf32> to vector<16xf32>
        %slice3A = vector.extract_strided_slice %get3A_55 {offsets = [0], sizes = [1], strides = [1]} : vector<16xf32> to vector<1xf32>
        %squeeze3A = vector.extract %slice3A[0] : f32 from vector<1xf32>
        %mul3A_56 = arith.constant 16 : i32
        %mul3A_57 = arith.muli %scan3A_50, %mul3A_56 : i32
        %add3A_58 = arith.constant 0 : i32
        %add3A_59 = arith.addi %mul3A_57, %add3A_58 : i32
        %get3A_60 = arith.index_cast %add3A_59 : i32 to index
        %get3A_61 = arith.constant 0 : index
        %get3A_62 = tpu.vector_load %arg10[%get3A_60, %get3A_61] {strides = array<i32>} : memref<128x128xf32, #tpu.memory_space<vmem>>, vector<1x16xf32>,
        %get3A_63 = vector.shape_cast %get3A_62 : vector<1x16xf32> to vector<16xf32>
        %mul3A_64 = vector.broadcast %squeeze3A : f32 to vector<16xf32>
        %mul3A_65 = arith.mulf %get3A_63, %mul3A_64 : vector<16xf32>
        %swap3A = arith.index_cast %add3A_59 : i32 to index
        %swap3A_66 = arith.constant 0 : index
        %swap3A_67 = tpu.vector_load %arg10[%swap3A, %swap3A_66] {strides = array<i32>} : memref<128x128xf32, #tpu.memory_space<vmem>>, vector<1x16xf32>,
        %swap3A_68 = vector.shape_cast %swap3A_67 : vector<1x16xf32> to vector<16xf32>
        %swap3A_69 = vector.shape_cast %mul3A_65 : vector<16xf32> to vector<1x16xf32>
        tpu.vector_store %arg10[%swap3A, %swap3A_66], %swap3A_69 {strides = array<i32>} : memref<128x128xf32, #tpu.memory_space<vmem>>, vector<1x16xf32>,
        %get3A_70 = arith.index_cast %add3A_59 : i32 to index
        %get3A_71 = arith.constant 16 : index
        %get3A_72 = tpu.vector_load %arg10[%get3A_70, %get3A_71] {strides = array<i32>} : memref<128x128xf32, #tpu.memory_space<vmem>>, vector<1x16xf32>,
        %get3A_73 = vector.shape_cast %get3A_72 : vector<1x16xf32> to vector<16xf32>
        %mul3A_74 = vector.broadcast %squeeze3A : f32 to vector<16xf32>
        %mul3A_75 = arith.mulf %get3A_73, %mul3A_74 : vector<16xf32>
        %swap3A_76 = arith.index_cast %add3A_59 : i32 to index
        %swap3A_77 = arith.constant 16 : index
        %swap3A_78 = tpu.vector_load %arg10[%swap3A_76, %swap3A_77] {strides = array<i32>} : memref<128x128xf32, #tpu.memory_space<vmem>>, vector<1x16xf32>,
        %swap3A_79 = vector.shape_cast %swap3A_78 : vector<1x16xf32> to vector<16xf32>
        %swap3A_80 = vector.shape_cast %mul3A_75 : vector<16xf32> to vector<1x16xf32>
        tpu.vector_store %arg10[%swap3A_76, %swap3A_77], %swap3A_80 {strides = array<i32>} : memref<128x128xf32, #tpu.memory_space<vmem>>, vector<1x16xf32>,
        %get3A_81 = arith.index_cast %add3A_59 : i32 to index
        %get3A_82 = arith.constant 32 : index
        %get3A_83 = tpu.vector_load %arg10[%get3A_81, %get3A_82] {strides = array<i32>} : memref<128x128xf32, #tpu.memory_space<vmem>>, vector<1x16xf32>,
        %get3A_84 = vector.shape_cast %get3A_83 : vector<1x16xf32> to vector<16xf32>
        %mul3A_85 = vector.broadcast %squeeze3A : f32 to vector<16xf32>
        %mul3A_86 = arith.mulf %get3A_84, %mul3A_85 : vector<16xf32>
        %swap3A_87 = arith.index_cast %add3A_59 : i32 to index
        %swap3A_88 = arith.constant 32 : index
        %swap3A_89 = tpu.vector_load %arg10[%swap3A_87, %swap3A_88] {strides = array<i32>} : memref<128x128xf32, #tpu.memory_space<vmem>>, vector<1x16xf32>,
        %swap3A_90 = vector.shape_cast %swap3A_89 : vector<1x16xf32> to vector<16xf32>
        %swap3A_91 = vector.shape_cast %mul3A_86 : vector<16xf32> to vector<1x16xf32>
        tpu.vector_store %arg10[%swap3A_87, %swap3A_88], %swap3A_91 {strides = array<i32>} : memref<128x128xf32, #tpu.memory_space<vmem>>, vector<1x16xf32>,
        %get3A_92 = arith.index_cast %add3A_59 : i32 to index
        %get3A_93 = arith.constant 48 : index
        %get3A_94 = tpu.vector_load %arg10[%get3A_92, %get3A_93] {strides = array<i32>} : memref<128x128xf32, #tpu.memory_space<vmem>>, vector<1x16xf32>,
        %get3A_95 = vector.shape_cast %get3A_94 : vector<1x16xf32> to vector<16xf32>
        %mul3A_96 = vector.broadcast %squeeze3A : f32 to vector<16xf32>
        %mul3A_97 = arith.mulf %get3A_95, %mul3A_96 : vector<16xf32>
        %swap3A_98 = arith.index_cast %add3A_59 : i32 to index
        %swap3A_99 = arith.constant 48 : index
        %swap3A_100 = tpu.vector_load %arg10[%swap3A_98, %swap3A_99] {strides = array<i32>} : memref<128x128xf32, #tpu.memory_space<vmem>>, vector<1x16xf32>,
        %swap3A_101 = vector.shape_cast %swap3A_100 : vector<1x16xf32> to vector<16xf32>
        %swap3A_102 = vector.shape_cast %mul3A_97 : vector<16xf32> to vector<1x16xf32>
        tpu.vector_store %arg10[%swap3A_98, %swap3A_99], %swap3A_102 {strides = array<i32>} : memref<128x128xf32, #tpu.memory_space<vmem>>, vector<1x16xf32>,
        %get3A_103 = arith.index_cast %add3A_59 : i32 to index
        %get3A_104 = arith.constant 64 : index
        %get3A_105 = tpu.vector_load %arg10[%get3A_103, %get3A_104] {strides = array<i32>} : memref<128x128xf32, #tpu.memory_space<vmem>>, vector<1x16xf32>,
        %get3A_106 = vector.shape_cast %get3A_105 : vector<1x16xf32> to vector<16xf32>
        %mul3A_107 = vector.broadcast %squeeze3A : f32 to vector<16xf32>
        %mul3A_108 = arith.mulf %get3A_106, %mul3A_107 : vector<16xf32>
        %swap3A_109 = arith.index_cast %add3A_59 : i32 to index
        %swap3A_110 = arith.constant 64 : index
        %swap3A_111 = tpu.vector_load %arg10[%swap3A_109, %swap3A_110] {strides = array<i32>} : memref<128x128xf32, #tpu.memory_space<vmem>>, vector<1x16xf32>,
        %swap3A_112 = vector.shape_cast %swap3A_111 : vector<1x16xf32> to vector<16xf32>
        %swap3A_113 = vector.shape_cast %mul3A_108 : vector<16xf32> to vector<1x16xf32>
        tpu.vector_store %arg10[%swap3A_109, %swap3A_110], %swap3A_113 {strides = array<i32>} : memref<128x128xf32, #tpu.memory_space<vmem>>, vector<1x16xf32>,
        %get3A_114 = arith.index_cast %add3A_59 : i32 to index
        %get3A_115 = arith.constant 80 : index
        %get3A_116 = tpu.vector_load %arg10[%get3A_114, %get3A_115] {strides = array<i32>} : memref<128x128xf32, #tpu.memory_space<vmem>>, vector<1x16xf32>,
        %get3A_117 = vector.shape_cast %get3A_116 : vector<1x16xf32> to vector<16xf32>
        %mul3A_118 = vector.broadcast %squeeze3A : f32 to vector<16xf32>
        %mul3A_119 = arith.mulf %get3A_117, %mul3A_118 : vector<16xf32>
        %swap3A_120 = arith.index_cast %add3A_59 : i32 to index
        %swap3A_121 = arith.constant 80 : index
        %swap3A_122 = tpu.vector_load %arg10[%swap3A_120, %swap3A_121] {strides = array<i32>} : memref<128x128xf32, #tpu.memory_space<vmem>>, vector<1x16xf32>,
        %swap3A_123 = vector.shape_cast %swap3A_122 : vector<1x16xf32> to vector<16xf32>
        %swap3A_124 = vector.shape_cast %mul3A_119 : vector<16xf32> to vector<1x16xf32>
        tpu.vector_store %arg10[%swap3A_120, %swap3A_121], %swap3A_124 {strides = array<i32>} : memref<128x128xf32, #tpu.memory_space<vmem>>, vector<1x16xf32>,
        %get3A_125 = arith.index_cast %add3A_59 : i32 to index
        %get3A_126 = arith.constant 96 : index
        %get3A_127 = tpu.vector_load %arg10[%get3A_125, %get3A_126] {strides = array<i32>} : memref<128x128xf32, #tpu.memory_space<vmem>>, vector<1x16xf32>,
        %get3A_128 = vector.shape_cast %get3A_127 : vector<1x16xf32> to vector<16xf32>
        %mul3A_129 = vector.broadcast %squeeze3A : f32 to vector<16xf32>
        %mul3A_130 = arith.mulf %get3A_128, %mul3A_129 : vector<16xf32>
        %swap3A_131 = arith.index_cast %add3A_59 : i32 to index
        %swap3A_132 = arith.constant 96 : index
        %swap3A_133 = tpu.vector_load %arg10[%swap3A_131, %swap3A_132] {strides = array<i32>} : memref<128x128xf32, #tpu.memory_space<vmem>>, vector<1x16xf32>,
        %swap3A_134 = vector.shape_cast %swap3A_133 : vector<1x16xf32> to vector<16xf32>
        %swap3A_135 = vector.shape_cast %mul3A_130 : vector<16xf32> to vector<1x16xf32>
        tpu.vector_store %arg10[%swap3A_131, %swap3A_132], %swap3A_135 {strides = array<i32>} : memref<128x128xf32, #tpu.memory_space<vmem>>, vector<1x16xf32>,
        %get3A_136 = arith.index_cast %add3A_59 : i32 to index
        %get3A_137 = arith.constant 112 : index
        %get3A_138 = tpu.vector_load %arg10[%get3A_136, %get3A_137] {strides = array<i32>} : memref<128x128xf32, #tpu.memory_space<vmem>>, vector<1x16xf32>,
        %get3A_139 = vector.shape_cast %get3A_138 : vector<1x16xf32> to vector<16xf32>
        %mul3A_140 = vector.broadcast %squeeze3A : f32 to vector<16xf32>
        %mul3A_141 = arith.mulf %get3A_139, %mul3A_140 : vector<16xf32>
        %swap3A_142 = arith.index_cast %add3A_59 : i32 to index
        %swap3A_143 = arith.constant 112 : index
        %swap3A_144 = tpu.vector_load %arg10[%swap3A_142, %swap3A_143] {strides = array<i32>} : memref<128x128xf32, #tpu.memory_space<vmem>>, vector<1x16xf32>,
        %swap3A_145 = vector.shape_cast %swap3A_144 : vector<1x16xf32> to vector<16xf32>
        %swap3A_146 = vector.shape_cast %mul3A_141 : vector<16xf32> to vector<1x16xf32>
        tpu.vector_store %arg10[%swap3A_142, %swap3A_143], %swap3A_146 {strides = array<i32>} : memref<128x128xf32, #tpu.memory_space<vmem>>, vector<1x16xf32>,
        %slice3A_147 = vector.extract_strided_slice %get3A_55 {offsets = [1], sizes = [1], strides = [1]} : vector<16xf32> to vector<1xf32>
        %squeeze3A_148 = vector.extract %slice3A_147[0] : f32 from vector<1xf32>
        %mul3A_149 = arith.constant 16 : i32
        %mul3A_150 = arith.muli %scan3A_50, %mul3A_149 : i32
        %add3A_151 = arith.constant 1 : i32
        %add3A_152 = arith.addi %mul3A_150, %add3A_151 : i32
        %get3A_153 = arith.index_cast %add3A_152 : i32 to index
        %get3A_154 = arith.constant 0 : index
        %get3A_155 = tpu.vector_load %arg10[%get3A_153, %get3A_154] {strides = array<i32>} : memref<128x128xf32, #tpu.memory_space<vmem>>, vector<1x16xf32>,
        %get3A_156 = vector.shape_cast %get3A_155 : vector<1x16xf32> to vector<16xf32>
        %mul3A_157 = vector.broadcast %squeeze3A_148 : f32 to vector<16xf32>
        %mul3A_158 = arith.mulf %get3A_156, %mul3A_157 : vector<16xf32>
        %swap3A_159 = arith.index_cast %add3A_152 : i32 to index
        %swap3A_160 = arith.constant 0 : index
        %swap3A_161 = tpu.vector_load %arg10[%swap3A_159, %swap3A_160] {strides = array<i32>} : memref<128x128xf32, #tpu.memory_space<vmem>>, vector<1x16xf32>,
        %swap3A_162 = vector.shape_cast %swap3A_161 : vector<1x16xf32> to vector<16xf32>
        %swap3A_163 = vector.shape_cast %mul3A_158 : vector<16xf32> to vector<1x16xf32>
        tpu.vector_store %arg10[%swap3A_159, %swap3A_160], %swap3A_163 {strides = array<i32>} : memref<128x128xf32, #tpu.memory_space<vmem>>, vector<1x16xf32>,
        %get3A_164 = arith.index_cast %add3A_152 : i32 to index
        %get3A_165 = arith.constant 16 : index
        %get3A_166 = tpu.vector_load %arg10[%get3A_164, %get3A_165] {strides = array<i32>} : memref<128x128xf32, #tpu.memory_space<vmem>>, vector<1x16xf32>,
        %get3A_167 = vector.shape_cast %get3A_166 : vector<1x16xf32> to vector<16xf32>
        %mul3A_168 = vector.broadcast %squeeze3A_148 : f32 to vector<16xf32>
        %mul3A_169 = arith.mulf %get3A_167, %mul3A_168 : vector<16xf32>
        %swap3A_170 = arith.index_cast %add3A_152 : i32 to index
        %swap3A_171 = arith.constant 16 : index
        %swap3A_172 = tpu.vector_load %arg10[%swap3A_170, %swap3A_171] {strides = array<i32>} : memref<128x128xf32, #tpu.memory_space<vmem>>, vector<1x16xf32>,
        %swap3A_173 = vector.shape_cast %swap3A_172 : vector<1x16xf32> to vector<16xf32>
        %swap3A_174 = vector.shape_cast %mul3A_169 : vector<16xf32> to vector<1x16xf32>
        tpu.vector_store %arg10[%swap3A_170, %swap3A_171], %swap3A_174 {strides = array<i32>} : memref<128x128xf32, #tpu.memory_space<vmem>>, vector<1x16xf32>,
        %get3A_175 = arith.index_cast %add3A_152 : i32 to index
        %get3A_176 = arith.constant 32 : index
        %get3A_177 = tpu.vector_load %arg10[%get3A_175, %get3A_176] {strides = array<i32>} : memref<128x128xf32, #tpu.memory_space<vmem>>, vector<1x16xf32>,
        %get3A_178 = vector.shape_cast %get3A_177 : vector<1x16xf32> to vector<16xf32>
        %mul3A_179 = vector.broadcast %squeeze3A_148 : f32 to vector<16xf32>
        %mul3A_180 = arith.mulf %get3A_178, %mul3A_179 : vector<16xf32>
        %swap3A_181 = arith.index_cast %add3A_152 : i32 to index
        %swap3A_182 = arith.constant 32 : index
        %swap3A_183 = tpu.vector_load %arg10[%swap3A_181, %swap3A_182] {strides = array<i32>} : memref<128x128xf32, #tpu.memory_space<vmem>>, vector<1x16xf32>,
        %swap3A_184 = vector.shape_cast %swap3A_183 : vector<1x16xf32> to vector<16xf32>
        %swap3A_185 = vector.shape_cast %mul3A_180 : vector<16xf32> to vector<1x16xf32>
        tpu.vector_store %arg10[%swap3A_181, %swap3A_182], %swap3A_185 {strides = array<i32>} : memref<128x128xf32, #tpu.memory_space<vmem>>, vector<1x16xf32>,
        %get3A_186 = arith.index_cast %add3A_152 : i32 to index
        %get3A_187 = arith.constant 48 : index
        %get3A_188 = tpu.vector_load %arg10[%get3A_186, %get3A_187] {strides = array<i32>} : memref<128x128xf32, #tpu.memory_space<vmem>>, vector<1x16xf32>,
        %get3A_189 = vector.shape_cast %get3A_188 : vector<1x16xf32> to vector<16xf32>
        %mul3A_190 = vector.broadcast %squeeze3A_148 : f32 to vector<16xf32>
        %mul3A_191 = arith.mulf %get3A_189, %mul3A_190 : vector<16xf32>
        %swap3A_192 = arith.index_cast %add3A_152 : i32 to index
        %swap3A_193 = arith.constant 48 : index
        %swap3A_194 = tpu.vector_load %arg10[%swap3A_192, %swap3A_193] {strides = array<i32>} : memref<128x128xf32, #tpu.memory_space<vmem>>, vector<1x16xf32>,
        %swap3A_195 = vector.shape_cast %swap3A_194 : vector<1x16xf32> to vector<16xf32>
        %swap3A_196 = vector.shape_cast %mul3A_191 : vector<16xf32> to vector<1x16xf32>
        tpu.vector_store %arg10[%swap3A_192, %swap3A_193], %swap3A_196 {strides = array<i32>} : memref<128x128xf32, #tpu.memory_space<vmem>>, vector<1x16xf32>,
        %get3A_197 = arith.index_cast %add3A_152 : i32 to index
        %get3A_198 = arith.constant 64 : index
        %get3A_199 = tpu.vector_load %arg10[%get3A_197, %get3A_198] {strides = array<i32>} : memref<128x128xf32, #tpu.memory_space<vmem>>, vector<1x16xf32>,
        %get3A_200 = vector.shape_cast %get3A_199 : vector<1x16xf32> to vector<16xf32>
        %mul3A_201 = vector.broadcast %squeeze3A_148 : f32 to vector<16xf32>
        %mul3A_202 = arith.mulf %get3A_200, %mul3A_201 : vector<16xf32>
        %swap3A_203 = arith.index_cast %add3A_152 : i32 to index
        %swap3A_204 = arith.constant 64 : index
        %swap3A_205 = tpu.vector_load %arg10[%swap3A_203, %swap3A_204] {strides = array<i32>} : memref<128x128xf32, #tpu.memory_space<vmem>>, vector<1x16xf32>,
        %swap3A_206 = vector.shape_cast %swap3A_205 : vector<1x16xf32> to vector<16xf32>
        %swap3A_207 = vector.shape_cast %mul3A_202 : vector<16xf32> to vector<1x16xf32>
        tpu.vector_store %arg10[%swap3A_203, %swap3A_204], %swap3A_207 {strides = array<i32>} : memref<128x128xf32, #tpu.memory_space<vmem>>, vector<1x16xf32>,
        %get3A_208 = arith.index_cast %add3A_152 : i32 to index
        %get3A_209 = arith.constant 80 : index
        %get3A_210 = tpu.vector_load %arg10[%get3A_208, %get3A_209] {strides = array<i32>} : memref<128x128xf32, #tpu.memory_space<vmem>>, vector<1x16xf32>,
        %get3A_211 = vector.shape_cast %get3A_210 : vector<1x16xf32> to vector<16xf32>
        %mul3A_212 = vector.broadcast %squeeze3A_148 : f32 to vector<16xf32>
        %mul3A_213 = arith.mulf %get3A_211, %mul3A_212 : vector<16xf32>
        %swap3A_214 = arith.index_cast %add3A_152 : i32 to index
        %swap3A_215 = arith.constant 80 : index
        %swap3A_216 = tpu.vector_load %arg10[%swap3A_214, %swap3A_215] {strides = array<i32>} : memref<128x128xf32, #tpu.memory_space<vmem>>, vector<1x16xf32>,
        %swap3A_217 = vector.shape_cast %swap3A_216 : vector<1x16xf32> to vector<16xf32>
        %swap3A_218 = vector.shape_cast %mul3A_213 : vector<16xf32> to vector<1x16xf32>
        tpu.vector_store %arg10[%swap3A_214, %swap3A_215], %swap3A_218 {strides = array<i32>} : memref<128x128xf32, #tpu.memory_space<vmem>>, vector<1x16xf32>,
        %get3A_219 = arith.index_cast %add3A_152 : i32 to index
        %get3A_220 = arith.constant 96 : index
        %get3A_221 = tpu.vector_load %arg10[%get3A_219, %get3A_220] {strides = array<i32>} : memref<128x128xf32, #tpu.memory_space<vmem>>, vector<1x16xf32>,
        %get3A_222 = vector.shape_cast %get3A_221 : vector<1x16xf32> to vector<16xf32>
        %mul3A_223 = vector.broadcast %squeeze3A_148 : f32 to vector<16xf32>
        %mul3A_224 = arith.mulf %get3A_222, %mul3A_223 : vector<16xf32>
        %swap3A_225 = arith.index_cast %add3A_152 : i32 to index
        %swap3A_226 = arith.constant 96 : index
        %swap3A_227 = tpu.vector_load %arg10[%swap3A_225, %swap3A_226] {strides = array<i32>} : memref<128x128xf32, #tpu.memory_space<vmem>>, vector<1x16xf32>,
        %swap3A_228 = vector.shape_cast %swap3A_227 : vector<1x16xf32> to vector<16xf32>
        %swap3A_229 = vector.shape_cast %mul3A_224 : vector<16xf32> to vector<1x16xf32>
        tpu.vector_store %arg10[%swap3A_225, %swap3A_226], %swap3A_229 {strides = array<i32>} : memref<128x128xf32, #tpu.memory_space<vmem>>, vector<1x16xf32>,
        %get3A_230 = arith.index_cast %add3A_152 : i32 to index
        %get3A_231 = arith.constant 112 : index
        %get3A_232 = tpu.vector_load %arg10[%get3A_230, %get3A_231] {strides = array<i32>} : memref<128x128xf32, #tpu.memory_space<vmem>>, vector<1x16xf32>,
        %get3A_233 = vector.shape_cast %get3A_232 : vector<1x16xf32> to vector<16xf32>
        %mul3A_234 = vector.broadcast %squeeze3A_148 : f32 to vector<16xf32>
        %mul3A_235 = arith.mulf %get3A_233, %mul3A_234 : vector<16xf32>
        %swap3A_236 = arith.index_cast %add3A_152 : i32 to index
        %swap3A_237 = arith.constant 112 : index
        %swap3A_238 = tpu.vector_load %arg10[%swap3A_236, %swap3A_237] {strides = array<i32>} : memref<128x128xf32, #tpu.memory_space<vmem>>, vector<1x16xf32>,
        %swap3A_239 = vector.shape_cast %swap3A_238 : vector<1x16xf32> to vector<16xf32>
        %swap3A_240 = vector.shape_cast %mul3A_235 : vector<16xf32> to vector<1x16xf32>
        tpu.vector_store %arg10[%swap3A_236, %swap3A_237], %swap3A_240 {strides = array<i32>} : memref<128x128xf32, #tpu.memory_space<vmem>>, vector<1x16xf32>,
        %slice3A_241 = vector.extract_strided_slice %get3A_55 {offsets = [2], sizes = [1], strides = [1]} : vector<16xf32> to vector<1xf32>
        %squeeze3A_242 = vector.extract %slice3A_241[0] : f32 from vector<1xf32>
        %mul3A_243 = arith.constant 16 : i32
        %mul3A_244 = arith.muli %scan3A_50, %mul3A_243 : i32
        %add3A_245 = arith.constant 2 : i32
        %add3A_246 = arith.addi %mul3A_244, %add3A_245 : i32
        %get3A_247 = arith.index_cast %add3A_246 : i32 to index
        %get3A_248 = arith.constant 0 : index
        %get3A_249 = tpu.vector_load %arg10[%get3A_247, %get3A_248] {strides = array<i32>} : memref<128x128xf32, #tpu.memory_space<vmem>>, vector<1x16xf32>,
        %get3A_250 = vector.shape_cast %get3A_249 : vector<1x16xf32> to vector<16xf32>
        %mul3A_251 = vector.broadcast %squeeze3A_242 : f32 to vector<16xf32>
        %mul3A_252 = arith.mulf %get3A_250, %mul3A_251 : vector<16xf32>
        %swap3A_253 = arith.index_cast %add3A_246 : i32 to index
        %swap3A_254 = arith.constant 0 : index
        %swap3A_255 = tpu.vector_load %arg10[%swap3A_253, %swap3A_254] {strides = array<i32>} : memref<128x128xf32, #tpu.memory_space<vmem>>, vector<1x16xf32>,
        %swap3A_256 = vector.shape_cast %swap3A_255 : vector<1x16xf32> to vector<16xf32>
        %swap3A_257 = vector.shape_cast %mul3A_252 : vector<16xf32> to vector<1x16xf32>
        tpu.vector_store %arg10[%swap3A_253, %swap3A_254], %swap3A_257 {strides = array<i32>} : memref<128x128xf32, #tpu.memory_space<vmem>>, vector<1x16xf32>,
        %get3A_258 = arith.index_cast %add3A_246 : i32 to index
        %get3A_259 = arith.constant 16 : index
        %get3A_260 = tpu.vector_load %arg10[%get3A_258, %get3A_259] {strides = array<i32>} : memref<128x128xf32, #tpu.memory_space<vmem>>, vector<1x16xf32>,
        %get3A_261 = vector.shape_cast %get3A_260 : vector<1x16xf32> to vector<16xf32>
        %mul3A_262 = vector.broadcast %squeeze3A_242 : f32 to vector<16xf32>
        %mul3A_263 = arith.mulf %get3A_261, %mul3A_262 : vector<16xf32>
        %swap3A_264 = arith.index_cast %add3A_246 : i32 to index
        %swap3A_265 = arith.constant 16 : index
        %swap3A_266 = tpu.vector_load %arg10[%swap3A_264, %swap3A_265] {strides = array<i32>} : memref<128x128xf32, #tpu.memory_space<vmem>>, vector<1x16xf32>,
        %swap3A_267 = vector.shape_cast %swap3A_266 : vector<1x16xf32> to vector<16xf32>
        %swap3A_268 = vector.shape_cast %mul3A_263 : vector<16xf32> to vector<1x16xf32>
        tpu.vector_store %arg10[%swap3A_264, %swap3A_265], %swap3A_268 {strides = array<i32>} : memref<128x128xf32, #tpu.memory_space<vmem>>, vector<1x16xf32>,
        %get3A_269 = arith.index_cast %add3A_246 : i32 to index
        %get3A_270 = arith.constant 32 : index
        %get3A_271 = tpu.vector_load %arg10[%get3A_269, %get3A_270] {strides = array<i32>} : memref<128x128xf32, #tpu.memory_space<vmem>>, vector<1x16xf32>,
        %get3A_272 = vector.shape_cast %get3A_271 : vector<1x16xf32> to vector<16xf32>
        %mul3A_273 = vector.broadcast %squeeze3A_242 : f32 to vector<16xf32>
        %mul3A_274 = arith.mulf %get3A_272, %mul3A_273 : vector<16xf32>
        %swap3A_275 = arith.index_cast %add3A_246 : i32 to index
        %swap3A_276 = arith.constant 32 : index
        %swap3A_277 = tpu.vector_load %arg10[%swap3A_275, %swap3A_276] {strides = array<i32>} : memref<128x128xf32, #tpu.memory_space<vmem>>, vector<1x16xf32>,
        %swap3A_278 = vector.shape_cast %swap3A_277 : vector<1x16xf32> to vector<16xf32>
        %swap3A_279 = vector.shape_cast %mul3A_274 : vector<16xf32> to vector<1x16xf32>
        tpu.vector_store %arg10[%swap3A_275, %swap3A_276], %swap3A_279 {strides = array<i32>} : memref<128x128xf32, #tpu.memory_space<vmem>>, vector<1x16xf32>,
        %get3A_280 = arith.index_cast %add3A_246 : i32 to index
        %get3A_281 = arith.constant 48 : index
        %get3A_282 = tpu.vector_load %arg10[%get3A_280, %get3A_281] {strides = array<i32>} : memref<128x128xf32, #tpu.memory_space<vmem>>, vector<1x16xf32>,
        %get3A_283 = vector.shape_cast %get3A_282 : vector<1x16xf32> to vector<16xf32>
        %mul3A_284 = vector.broadcast %squeeze3A_242 : f32 to vector<16xf32>
        %mul3A_285 = arith.mulf %get3A_283, %mul3A_284 : vector<16xf32>
        %swap3A_286 = arith.index_cast %add3A_246 : i32 to index
        %swap3A_287 = arith.constant 48 : index
        %swap3A_288 = tpu.vector_load %arg10[%swap3A_286, %swap3A_287] {strides = array<i32>} : memref<128x128xf32, #tpu.memory_space<vmem>>, vector<1x16xf32>,
        %swap3A_289 = vector.shape_cast %swap3A_288 : vector<1x16xf32> to vector<16xf32>
        %swap3A_290 = vector.shape_cast %mul3A_285 : vector<16xf32> to vector<1x16xf32>
        tpu.vector_store %arg10[%swap3A_286, %swap3A_287], %swap3A_290 {strides = array<i32>} : memref<128x128xf32, #tpu.memory_space<vmem>>, vector<1x16xf32>,
        %get3A_291 = arith.index_cast %add3A_246 : i32 to index
        %get3A_292 = arith.constant 64 : index
        %get3A_293 = tpu.vector_load %arg10[%get3A_291, %get3A_292] {strides = array<i32>} : memref<128x128xf32, #tpu.memory_space<vmem>>, vector<1x16xf32>,
        %get3A_294 = vector.shape_cast %get3A_293 : vector<1x16xf32> to vector<16xf32>
        %mul3A_295 = vector.broadcast %squeeze3A_242 : f32 to vector<16xf32>
        %mul3A_296 = arith.mulf %get3A_294, %mul3A_295 : vector<16xf32>
        %swap3A_297 = arith.index_cast %add3A_246 : i32 to index
        %swap3A_298 = arith.constant 64 : index
        %swap3A_299 = tpu.vector_load %arg10[%swap3A_297, %swap3A_298] {strides = array<i32>} : memref<128x128xf32, #tpu.memory_space<vmem>>, vector<1x16xf32>,
        %swap3A_300 = vector.shape_cast %swap3A_299 : vector<1x16xf32> to vector<16xf32>
        %swap3A_301 = vector.shape_cast %mul3A_296 : vector<16xf32> to vector<1x16xf32>
        tpu.vector_store %arg10[%swap3A_297, %swap3A_298], %swap3A_301 {strides = array<i32>} : memref<128x128xf32, #tpu.memory_space<vmem>>, vector<1x16xf32>,
        %get3A_302 = arith.index_cast %add3A_246 : i32 to index
        %get3A_303 = arith.constant 80 : index
        %get3A_304 = tpu.vector_load %arg10[%get3A_302, %get3A_303] {strides = array<i32>} : memref<128x128xf32, #tpu.memory_space<vmem>>, vector<1x16xf32>,
        %get3A_305 = vector.shape_cast %get3A_304 : vector<1x16xf32> to vector<16xf32>
        %mul3A_306 = vector.broadcast %squeeze3A_242 : f32 to vector<16xf32>
        %mul3A_307 = arith.mulf %get3A_305, %mul3A_306 : vector<16xf32>
        %swap3A_308 = arith.index_cast %add3A_246 : i32 to index
        %swap3A_309 = arith.constant 80 : index
        %swap3A_310 = tpu.vector_load %arg10[%swap3A_308, %swap3A_309] {strides = array<i32>} : memref<128x128xf32, #tpu.memory_space<vmem>>, vector<1x16xf32>,
        %swap3A_311 = vector.shape_cast %swap3A_310 : vector<1x16xf32> to vector<16xf32>
        %swap3A_312 = vector.shape_cast %mul3A_307 : vector<16xf32> to vector<1x16xf32>
        tpu.vector_store %arg10[%swap3A_308, %swap3A_309], %swap3A_312 {strides = array<i32>} : memref<128x128xf32, #tpu.memory_space<vmem>>, vector<1x16xf32>,
        %get3A_313 = arith.index_cast %add3A_246 : i32 to index
        %get3A_314 = arith.constant 96 : index
        %get3A_315 = tpu.vector_load %arg10[%get3A_313, %get3A_314] {strides = array<i32>} : memref<128x128xf32, #tpu.memory_space<vmem>>, vector<1x16xf32>,
        %get3A_316 = vector.shape_cast %get3A_315 : vector<1x16xf32> to vector<16xf32>
        %mul3A_317 = vector.broadcast %squeeze3A_242 : f32 to vector<16xf32>
        %mul3A_318 = arith.mulf %get3A_316, %mul3A_317 : vector<16xf32>
        %swap3A_319 = arith.index_cast %add3A_246 : i32 to index
        %swap3A_320 = arith.constant 96 : index
        %swap3A_321 = tpu.vector_load %arg10[%swap3A_319, %swap3A_320] {strides = array<i32>} : memref<128x128xf32, #tpu.memory_space<vmem>>, vector<1x16xf32>,
        %swap3A_322 = vector.shape_cast %swap3A_321 : vector<1x16xf32> to vector<16xf32>
        %swap3A_323 = vector.shape_cast %mul3A_318 : vector<16xf32> to vector<1x16xf32>
        tpu.vector_store %arg10[%swap3A_319, %swap3A_320], %swap3A_323 {strides = array<i32>} : memref<128x128xf32, #tpu.memory_space<vmem>>, vector<1x16xf32>,
        %get3A_324 = arith.index_cast %add3A_246 : i32 to index
        %get3A_325 = arith.constant 112 : index
        %get3A_326 = tpu.vector_load %arg10[%get3A_324, %get3A_325] {strides = array<i32>} : memref<128x128xf32, #tpu.memory_space<vmem>>, vector<1x16xf32>,
        %get3A_327 = vector.shape_cast %get3A_326 : vector<1x16xf32> to vector<16xf32>
        %mul3A_328 = vector.broadcast %squeeze3A_242 : f32 to vector<16xf32>
        %mul3A_329 = arith.mulf %get3A_327, %mul3A_328 : vector<16xf32>
        %swap3A_330 = arith.index_cast %add3A_246 : i32 to index
        %swap3A_331 = arith.constant 112 : index
        %swap3A_332 = tpu.vector_load %arg10[%swap3A_330, %swap3A_331] {strides = array<i32>} : memref<128x128xf32, #tpu.memory_space<vmem>>, vector<1x16xf32>,
        %swap3A_333 = vector.shape_cast %swap3A_332 : vector<1x16xf32> to vector<16xf32>
        %swap3A_334 = vector.shape_cast %mul3A_329 : vector<16xf32> to vector<1x16xf32>
        tpu.vector_store %arg10[%swap3A_330, %swap3A_331], %swap3A_334 {strides = array<i32>} : memref<128x128xf32, #tpu.memory_space<vmem>>, vector<1x16xf32>,
        %slice3A_335 = vector.extract_strided_slice %get3A_55 {offsets = [3], sizes = [1], strides = [1]} : vector<16xf32> to vector<1xf32>
        %squeeze3A_336 = vector.extract %slice3A_335[0] : f32 from vector<1xf32>
        %mul3A_337 = arith.constant 16 : i32
        %mul3A_338 = arith.muli %scan3A_50, %mul3A_337 : i32
        %add3A_339 = arith.constant 3 : i32
        %add3A_340 = arith.addi %mul3A_338, %add3A_339 : i32
        %get3A_341 = arith.index_cast %add3A_340 : i32 to index
        %get3A_342 = arith.constant 0 : index
        %get3A_343 = tpu.vector_load %arg10[%get3A_341, %get3A_342] {strides = array<i32>} : memref<128x128xf32, #tpu.memory_space<vmem>>, vector<1x16xf32>,
        %get3A_344 = vector.shape_cast %get3A_343 : vector<1x16xf32> to vector<16xf32>
        %mul3A_345 = vector.broadcast %squeeze3A_336 : f32 to vector<16xf32>
        %mul3A_346 = arith.mulf %get3A_344, %mul3A_345 : vector<16xf32>
        %swap3A_347 = arith.index_cast %add3A_340 : i32 to index
        %swap3A_348 = arith.constant 0 : index
        %swap3A_349 = tpu.vector_load %arg10[%swap3A_347, %swap3A_348] {strides = array<i32>} : memref<128x128xf32, #tpu.memory_space<vmem>>, vector<1x16xf32>,
        %swap3A_350 = vector.shape_cast %swap3A_349 : vector<1x16xf32> to vector<16xf32>
        %swap3A_351 = vector.shape_cast %mul3A_346 : vector<16xf32> to vector<1x16xf32>
        tpu.vector_store %arg10[%swap3A_347, %swap3A_348], %swap3A_351 {strides = array<i32>} : memref<128x128xf32, #tpu.memory_space<vmem>>, vector<1x16xf32>,
        %get3A_352 = arith.index_cast %add3A_340 : i32 to index
        %get3A_353 = arith.constant 16 : index
        %get3A_354 = tpu.vector_load %arg10[%get3A_352, %get3A_353] {strides = array<i32>} : memref<128x128xf32, #tpu.memory_space<vmem>>, vector<1x16xf32>,
        %get3A_355 = vector.shape_cast %get3A_354 : vector<1x16xf32> to vector<16xf32>
        %mul3A_356 = vector.broadcast %squeeze3A_336 : f32 to vector<16xf32>
        %mul3A_357 = arith.mulf %get3A_355, %mul3A_356 : vector<16xf32>
        %swap3A_358 = arith.index_cast %add3A_340 : i32 to index
        %swap3A_359 = arith.constant 16 : index
        %swap3A_360 = tpu.vector_load %arg10[%swap3A_358, %swap3A_359] {strides = array<i32>} : memref<128x128xf32, #tpu.memory_space<vmem>>, vector<1x16xf32>,
        %swap3A_361 = vector.shape_cast %swap3A_360 : vector<1x16xf32> to vector<16xf32>
        %swap3A_362 = vector.shape_cast %mul3A_357 : vector<16xf32> to vector<1x16xf32>
        tpu.vector_store %arg10[%swap3A_358, %swap3A_359], %swap3A_362 {strides = array<i32>} : memref<128x128xf32, #tpu.memory_space<vmem>>, vector<1x16xf32>,
        %get3A_363 = arith.index_cast %add3A_340 : i32 to index
        %get3A_364 = arith.constant 32 : index
        %get3A_365 = tpu.vector_load %arg10[%get3A_363, %get3A_364] {strides = array<i32>} : memref<128x128xf32, #tpu.memory_space<vmem>>, vector<1x16xf32>,
        %get3A_366 = vector.shape_cast %get3A_365 : vector<1x16xf32> to vector<16xf32>
        %mul3A_367 = vector.broadcast %squeeze3A_336 : f32 to vector<16xf32>
        %mul3A_368 = arith.mulf %get3A_366, %mul3A_367 : vector<16xf32>
        %swap3A_369 = arith.index_cast %add3A_340 : i32 to index
        %swap3A_370 = arith.constant 32 : index
        %swap3A_371 = tpu.vector_load %arg10[%swap3A_369, %swap3A_370] {strides = array<i32>} : memref<128x128xf32, #tpu.memory_space<vmem>>, vector<1x16xf32>,
        %swap3A_372 = vector.shape_cast %swap3A_371 : vector<1x16xf32> to vector<16xf32>
        %swap3A_373 = vector.shape_cast %mul3A_368 : vector<16xf32> to vector<1x16xf32>
        tpu.vector_store %arg10[%swap3A_369, %swap3A_370], %swap3A_373 {strides = array<i32>} : memref<128x128xf32, #tpu.memory_space<vmem>>, vector<1x16xf32>,
        %get3A_374 = arith.index_cast %add3A_340 : i32 to index
        %get3A_375 = arith.constant 48 : index
        %get3A_376 = tpu.vector_load %arg10[%get3A_374, %get3A_375] {strides = array<i32>} : memref<128x128xf32, #tpu.memory_space<vmem>>, vector<1x16xf32>,
        %get3A_377 = vector.shape_cast %get3A_376 : vector<1x16xf32> to vector<16xf32>
        %mul3A_378 = vector.broadcast %squeeze3A_336 : f32 to vector<16xf32>
        %mul3A_379 = arith.mulf %get3A_377, %mul3A_378 : vector<16xf32>
        %swap3A_380 = arith.index_cast %add3A_340 : i32 to index
        %swap3A_381 = arith.constant 48 : index
        %swap3A_382 = tpu.vector_load %arg10[%swap3A_380, %swap3A_381] {strides = array<i32>} : memref<128x128xf32, #tpu.memory_space<vmem>>, vector<1x16xf32>,
        %swap3A_383 = vector.shape_cast %swap3A_382 : vector<1x16xf32> to vector<16xf32>
        %swap3A_384 = vector.shape_cast %mul3A_379 : vector<16xf32> to vector<1x16xf32>
        tpu.vector_store %arg10[%swap3A_380, %swap3A_381], %swap3A_384 {strides = array<i32>} : memref<128x128xf32, #tpu.memory_space<vmem>>, vector<1x16xf32>,
        %get3A_385 = arith.index_cast %add3A_340 : i32 to index
        %get3A_386 = arith.constant 64 : index
        %get3A_387 = tpu.vector_load %arg10[%get3A_385, %get3A_386] {strides = array<i32>} : memref<128x128xf32, #tpu.memory_space<vmem>>, vector<1x16xf32>,
        %get3A_388 = vector.shape_cast %get3A_387 : vector<1x16xf32> to vector<16xf32>
        %mul3A_389 = vector.broadcast %squeeze3A_336 : f32 to vector<16xf32>
        %mul3A_390 = arith.mulf %get3A_388, %mul3A_389 : vector<16xf32>
        %swap3A_391 = arith.index_cast %add3A_340 : i32 to index
        %swap3A_392 = arith.constant 64 : index
        %swap3A_393 = tpu.vector_load %arg10[%swap3A_391, %swap3A_392] {strides = array<i32>} : memref<128x128xf32, #tpu.memory_space<vmem>>, vector<1x16xf32>,
        %swap3A_394 = vector.shape_cast %swap3A_393 : vector<1x16xf32> to vector<16xf32>
        %swap3A_395 = vector.shape_cast %mul3A_390 : vector<16xf32> to vector<1x16xf32>
        tpu.vector_store %arg10[%swap3A_391, %swap3A_392], %swap3A_395 {strides = array<i32>} : memref<128x128xf32, #tpu.memory_space<vmem>>, vector<1x16xf32>,
        %get3A_396 = arith.index_cast %add3A_340 : i32 to index
        %get3A_397 = arith.constant 80 : index
        %get3A_398 = tpu.vector_load %arg10[%get3A_396, %get3A_397] {strides = array<i32>} : memref<128x128xf32, #tpu.memory_space<vmem>>, vector<1x16xf32>,
        %get3A_399 = vector.shape_cast %get3A_398 : vector<1x16xf32> to vector<16xf32>
        %mul3A_400 = vector.broadcast %squeeze3A_336 : f32 to vector<16xf32>
        %mul3A_401 = arith.mulf %get3A_399, %mul3A_400 : vector<16xf32>
        %swap3A_402 = arith.index_cast %add3A_340 : i32 to index
        %swap3A_403 = arith.constant 80 : index
        %swap3A_404 = tpu.vector_load %arg10[%swap3A_402, %swap3A_403] {strides = array<i32>} : memref<128x128xf32, #tpu.memory_space<vmem>>, vector<1x16xf32>,
        %swap3A_405 = vector.shape_cast %swap3A_404 : vector<1x16xf32> to vector<16xf32>
        %swap3A_406 = vector.shape_cast %mul3A_401 : vector<16xf32> to vector<1x16xf32>
        tpu.vector_store %arg10[%swap3A_402, %swap3A_403], %swap3A_406 {strides = array<i32>} : memref<128x128xf32, #tpu.memory_space<vmem>>, vector<1x16xf32>,
        %get3A_407 = arith.index_cast %add3A_340 : i32 to index
        %get3A_408 = arith.constant 96 : index
        %get3A_409 = tpu.vector_load %arg10[%get3A_407, %get3A_408] {strides = array<i32>} : memref<128x128xf32, #tpu.memory_space<vmem>>, vector<1x16xf32>,
        %get3A_410 = vector.shape_cast %get3A_409 : vector<1x16xf32> to vector<16xf32>
        %mul3A_411 = vector.broadcast %squeeze3A_336 : f32 to vector<16xf32>
        %mul3A_412 = arith.mulf %get3A_410, %mul3A_411 : vector<16xf32>
        %swap3A_413 = arith.index_cast %add3A_340 : i32 to index
        %swap3A_414 = arith.constant 96 : index
        %swap3A_415 = tpu.vector_load %arg10[%swap3A_413, %swap3A_414] {strides = array<i32>} : memref<128x128xf32, #tpu.memory_space<vmem>>, vector<1x16xf32>,
        %swap3A_416 = vector.shape_cast %swap3A_415 : vector<1x16xf32> to vector<16xf32>
        %swap3A_417 = vector.shape_cast %mul3A_412 : vector<16xf32> to vector<1x16xf32>
        tpu.vector_store %arg10[%swap3A_413, %swap3A_414], %swap3A_417 {strides = array<i32>} : memref<128x128xf32, #tpu.memory_space<vmem>>, vector<1x16xf32>,
        %get3A_418 = arith.index_cast %add3A_340 : i32 to index
        %get3A_419 = arith.constant 112 : index
        %get3A_420 = tpu.vector_load %arg10[%get3A_418, %get3A_419] {strides = array<i32>} : memref<128x128xf32, #tpu.memory_space<vmem>>, vector<1x16xf32>,
        %get3A_421 = vector.shape_cast %get3A_420 : vector<1x16xf32> to vector<16xf32>
        %mul3A_422 = vector.broadcast %squeeze3A_336 : f32 to vector<16xf32>
        %mul3A_423 = arith.mulf %get3A_421, %mul3A_422 : vector<16xf32>
        %swap3A_424 = arith.index_cast %add3A_340 : i32 to index
        %swap3A_425 = arith.constant 112 : index
        %swap3A_426 = tpu.vector_load %arg10[%swap3A_424, %swap3A_425] {strides = array<i32>} : memref<128x128xf32, #tpu.memory_space<vmem>>, vector<1x16xf32>,
        %swap3A_427 = vector.shape_cast %swap3A_426 : vector<1x16xf32> to vector<16xf32>
        %swap3A_428 = vector.shape_cast %mul3A_423 : vector<16xf32> to vector<1x16xf32>
        tpu.vector_store %arg10[%swap3A_424, %swap3A_425], %swap3A_428 {strides = array<i32>} : memref<128x128xf32, #tpu.memory_space<vmem>>, vector<1x16xf32>,
        %slice3A_429 = vector.extract_strided_slice %get3A_55 {offsets = [4], sizes = [1], strides = [1]} : vector<16xf32> to vector<1xf32>
        %squeeze3A_430 = vector.extract %slice3A_429[0] : f32 from vector<1xf32>
        %mul3A_431 = arith.constant 16 : i32
        %mul3A_432 = arith.muli %scan3A_50, %mul3A_431 : i32
        %add3A_433 = arith.constant 4 : i32
        %add3A_434 = arith.addi %mul3A_432, %add3A_433 : i32
        %get3A_435 = arith.index_cast %add3A_434 : i32 to index
        %get3A_436 = arith.constant 0 : index
        %get3A_437 = tpu.vector_load %arg10[%get3A_435, %get3A_436] {strides = array<i32>} : memref<128x128xf32, #tpu.memory_space<vmem>>, vector<1x16xf32>,
        %get3A_438 = vector.shape_cast %get3A_437 : vector<1x16xf32> to vector<16xf32>
        %mul3A_439 = vector.broadcast %squeeze3A_430 : f32 to vector<16xf32>
        %mul3A_440 = arith.mulf %get3A_438, %mul3A_439 : vector<16xf32>
        %swap3A_441 = arith.index_cast %add3A_434 : i32 to index
        %swap3A_442 = arith.constant 0 : index
        %swap3A_443 = tpu.vector_load %arg10[%swap3A_441, %swap3A_442] {strides = array<i32>} : memref<128x128xf32, #tpu.memory_space<vmem>>, vector<1x16xf32>,
        %swap3A_444 = vector.shape_cast %swap3A_443 : vector<1x16xf32> to vector<16xf32>
        %swap3A_445 = vector.shape_cast %mul3A_440 : vector<16xf32> to vector<1x16xf32>
        tpu.vector_store %arg10[%swap3A_441, %swap3A_442], %swap3A_445 {strides = array<i32>} : memref<128x128xf32, #tpu.memory_space<vmem>>, vector<1x16xf32>,
        %get3A_446 = arith.index_cast %add3A_434 : i32 to index
        %get3A_447 = arith.constant 16 : index
        %get3A_448 = tpu.vector_load %arg10[%get3A_446, %get3A_447] {strides = array<i32>} : memref<128x128xf32, #tpu.memory_space<vmem>>, vector<1x16xf32>,
        %get3A_449 = vector.shape_cast %get3A_448 : vector<1x16xf32> to vector<16xf32>
        %mul3A_450 = vector.broadcast %squeeze3A_430 : f32 to vector<16xf32>
        %mul3A_451 = arith.mulf %get3A_449, %mul3A_450 : vector<16xf32>
        %swap3A_452 = arith.index_cast %add3A_434 : i32 to index
        %swap3A_453 = arith.constant 16 : index
        %swap3A_454 = tpu.vector_load %arg10[%swap3A_452, %swap3A_453] {strides = array<i32>} : memref<128x128xf32, #tpu.memory_space<vmem>>, vector<1x16xf32>,
        %swap3A_455 = vector.shape_cast %swap3A_454 : vector<1x16xf32> to vector<16xf32>
        %swap3A_456 = vector.shape_cast %mul3A_451 : vector<16xf32> to vector<1x16xf32>
        tpu.vector_store %arg10[%swap3A_452, %swap3A_453], %swap3A_456 {strides = array<i32>} : memref<128x128xf32, #tpu.memory_space<vmem>>, vector<1x16xf32>,
        %get3A_457 = arith.index_cast %add3A_434 : i32 to index
        %get3A_458 = arith.constant 32 : index
        %get3A_459 = tpu.vector_load %arg10[%get3A_457, %get3A_458] {strides = array<i32>} : memref<128x128xf32, #tpu.memory_space<vmem>>, vector<1x16xf32>,
        %get3A_460 = vector.shape_cast %get3A_459 : vector<1x16xf32> to vector<16xf32>
        %mul3A_461 = vector.broadcast %squeeze3A_430 : f32 to vector<16xf32>
        %mul3A_462 = arith.mulf %get3A_460, %mul3A_461 : vector<16xf32>
        %swap3A_463 = arith.index_cast %add3A_434 : i32 to index
        %swap3A_464 = arith.constant 32 : index
        %swap3A_465 = tpu.vector_load %arg10[%swap3A_463, %swap3A_464] {strides = array<i32>} : memref<128x128xf32, #tpu.memory_space<vmem>>, vector<1x16xf32>,
        %swap3A_466 = vector.shape_cast %swap3A_465 : vector<1x16xf32> to vector<16xf32>
        %swap3A_467 = vector.shape_cast %mul3A_462 : vector<16xf32> to vector<1x16xf32>
        tpu.vector_store %arg10[%swap3A_463, %swap3A_464], %swap3A_467 {strides = array<i32>} : memref<128x128xf32, #tpu.memory_space<vmem>>, vector<1x16xf32>,
        %get3A_468 = arith.index_cast %add3A_434 : i32 to index
        %get3A_469 = arith.constant 48 : index
        %get3A_470 = tpu.vector_load %arg10[%get3A_468, %get3A_469] {strides = array<i32>} : memref<128x128xf32, #tpu.memory_space<vmem>>, vector<1x16xf32>,
        %get3A_471 = vector.shape_cast %get3A_470 : vector<1x16xf32> to vector<16xf32>
        %mul3A_472 = vector.broadcast %squeeze3A_430 : f32 to vector<16xf32>
        %mul3A_473 = arith.mulf %get3A_471, %mul3A_472 : vector<16xf32>
        %swap3A_474 = arith.index_cast %add3A_434 : i32 to index
        %swap3A_475 = arith.constant 48 : index
        %swap3A_476 = tpu.vector_load %arg10[%swap3A_474, %swap3A_475] {strides = array<i32>} : memref<128x128xf32, #tpu.memory_space<vmem>>, vector<1x16xf32>,
        %swap3A_477 = vector.shape_cast %swap3A_476 : vector<1x16xf32> to vector<16xf32>
        %swap3A_478 = vector.shape_cast %mul3A_473 : vector<16xf32> to vector<1x16xf32>
        tpu.vector_store %arg10[%swap3A_474, %swap3A_475], %swap3A_478 {strides = array<i32>} : memref<128x128xf32, #tpu.memory_space<vmem>>, vector<1x16xf32>,
        %get3A_479 = arith.index_cast %add3A_434 : i32 to index
        %get3A_480 = arith.constant 64 : index
        %get3A_481 = tpu.vector_load %arg10[%get3A_479, %get3A_480] {strides = array<i32>} : memref<128x128xf32, #tpu.memory_space<vmem>>, vector<1x16xf32>,
        %get3A_482 = vector.shape_cast %get3A_481 : vector<1x16xf32> to vector<16xf32>
        %mul3A_483 = vector.broadcast %squeeze3A_430 : f32 to vector<16xf32>
        %mul3A_484 = arith.mulf %get3A_482, %mul3A_483 : vector<16xf32>
        %swap3A_485 = arith.index_cast %add3A_434 : i32 to index
        %swap3A_486 = arith.constant 64 : index
        %swap3A_487 = tpu.vector_load %arg10[%swap3A_485, %swap3A_486] {strides = array<i32>} : memref<128x128xf32, #tpu.memory_space<vmem>>, vector<1x16xf32>,
        %swap3A_488 = vector.shape_cast %swap3A_487 : vector<1x16xf32> to vector<16xf32>
        %swap3A_489 = vector.shape_cast %mul3A_484 : vector<16xf32> to vector<1x16xf32>
        tpu.vector_store %arg10[%swap3A_485, %swap3A_486], %swap3A_489 {strides = array<i32>} : memref<128x128xf32, #tpu.memory_space<vmem>>, vector<1x16xf32>,
        %get3A_490 = arith.index_cast %add3A_434 : i32 to index
        %get3A_491 = arith.constant 80 : index
        %get3A_492 = tpu.vector_load %arg10[%get3A_490, %get3A_491] {strides = array<i32>} : memref<128x128xf32, #tpu.memory_space<vmem>>, vector<1x16xf32>,
        %get3A_493 = vector.shape_cast %get3A_492 : vector<1x16xf32> to vector<16xf32>
        %mul3A_494 = vector.broadcast %squeeze3A_430 : f32 to vector<16xf32>
        %mul3A_495 = arith.mulf %get3A_493, %mul3A_494 : vector<16xf32>
        %swap3A_496 = arith.index_cast %add3A_434 : i32 to index
        %swap3A_497 = arith.constant 80 : index
        %swap3A_498 = tpu.vector_load %arg10[%swap3A_496, %swap3A_497] {strides = array<i32>} : memref<128x128xf32, #tpu.memory_space<vmem>>, vector<1x16xf32>,
        %swap3A_499 = vector.shape_cast %swap3A_498 : vector<1x16xf32> to vector<16xf32>
        %swap3A_500 = vector.shape_cast %mul3A_495 : vector<16xf32> to vector<1x16xf32>
        tpu.vector_store %arg10[%swap3A_496, %swap3A_497], %swap3A_500 {strides = array<i32>} : memref<128x128xf32, #tpu.memory_space<vmem>>, vector<1x16xf32>,
        %get3A_501 = arith.index_cast %add3A_434 : i32 to index
        %get3A_502 = arith.constant 96 : index
        %get3A_503 = tpu.vector_load %arg10[%get3A_501, %get3A_502] {strides = array<i32>} : memref<128x128xf32, #tpu.memory_space<vmem>>, vector<1x16xf32>,
        %get3A_504 = vector.shape_cast %get3A_503 : vector<1x16xf32> to vector<16xf32>
        %mul3A_505 = vector.broadcast %squeeze3A_430 : f32 to vector<16xf32>
        %mul3A_506 = arith.mulf %get3A_504, %mul3A_505 : vector<16xf32>
        %swap3A_507 = arith.index_cast %add3A_434 : i32 to index
        %swap3A_508 = arith.constant 96 : index
        %swap3A_509 = tpu.vector_load %arg10[%swap3A_507, %swap3A_508] {strides = array<i32>} : memref<128x128xf32, #tpu.memory_space<vmem>>, vector<1x16xf32>,
        %swap3A_510 = vector.shape_cast %swap3A_509 : vector<1x16xf32> to vector<16xf32>
        %swap3A_511 = vector.shape_cast %mul3A_506 : vector<16xf32> to vector<1x16xf32>
        tpu.vector_store %arg10[%swap3A_507, %swap3A_508], %swap3A_511 {strides = array<i32>} : memref<128x128xf32, #tpu.memory_space<vmem>>, vector<1x16xf32>,
        %get3A_512 = arith.index_cast %add3A_434 : i32 to index
        %get3A_513 = arith.constant 112 : index
        %get3A_514 = tpu.vector_load %arg10[%get3A_512, %get3A_513] {strides = array<i32>} : memref<128x128xf32, #tpu.memory_space<vmem>>, vector<1x16xf32>,
        %get3A_515 = vector.shape_cast %get3A_514 : vector<1x16xf32> to vector<16xf32>
        %mul3A_516 = vector.broadcast %squeeze3A_430 : f32 to vector<16xf32>
        %mul3A_517 = arith.mulf %get3A_515, %mul3A_516 : vector<16xf32>
        %swap3A_518 = arith.index_cast %add3A_434 : i32 to index
        %swap3A_519 = arith.constant 112 : index
        %swap3A_520 = tpu.vector_load %arg10[%swap3A_518, %swap3A_519] {strides = array<i32>} : memref<128x128xf32, #tpu.memory_space<vmem>>, vector<1x16xf32>,
        %swap3A_521 = vector.shape_cast %swap3A_520 : vector<1x16xf32> to vector<16xf32>
        %swap3A_522 = vector.shape_cast %mul3A_517 : vector<16xf32> to vector<1x16xf32>
        tpu.vector_store %arg10[%swap3A_518, %swap3A_519], %swap3A_522 {strides = array<i32>} : memref<128x128xf32, #tpu.memory_space<vmem>>, vector<1x16xf32>,
        %slice3A_523 = vector.extract_strided_slice %get3A_55 {offsets = [5], sizes = [1], strides = [1]} : vector<16xf32> to vector<1xf32>
        %squeeze3A_524 = vector.extract %slice3A_523[0] : f32 from vector<1xf32>
        %mul3A_525 = arith.constant 16 : i32
        %mul3A_526 = arith.muli %scan3A_50, %mul3A_525 : i32
        %add3A_527 = arith.constant 5 : i32
        %add3A_528 = arith.addi %mul3A_526, %add3A_527 : i32
        %get3A_529 = arith.index_cast %add3A_528 : i32 to index
        %get3A_530 = arith.constant 0 : index
        %get3A_531 = tpu.vector_load %arg10[%get3A_529, %get3A_530] {strides = array<i32>} : memref<128x128xf32, #tpu.memory_space<vmem>>, vector<1x16xf32>,
        %get3A_532 = vector.shape_cast %get3A_531 : vector<1x16xf32> to vector<16xf32>
        %mul3A_533 = vector.broadcast %squeeze3A_524 : f32 to vector<16xf32>
        %mul3A_534 = arith.mulf %get3A_532, %mul3A_533 : vector<16xf32>
        %swap3A_535 = arith.index_cast %add3A_528 : i32 to index
        %swap3A_536 = arith.constant 0 : index
        %swap3A_537 = tpu.vector_load %arg10[%swap3A_535, %swap3A_536] {strides = array<i32>} : memref<128x128xf32, #tpu.memory_space<vmem>>, vector<1x16xf32>,
        %swap3A_538 = vector.shape_cast %swap3A_537 : vector<1x16xf32> to vector<16xf32>
        %swap3A_539 = vector.shape_cast %mul3A_534 : vector<16xf32> to vector<1x16xf32>
        tpu.vector_store %arg10[%swap3A_535, %swap3A_536], %swap3A_539 {strides = array<i32>} : memref<128x128xf32, #tpu.memory_space<vmem>>, vector<1x16xf32>,
        %get3A_540 = arith.index_cast %add3A_528 : i32 to index
        %get3A_541 = arith.constant 16 : index
        %get3A_542 = tpu.vector_load %arg10[%get3A_540, %get3A_541] {strides = array<i32>} : memref<128x128xf32, #tpu.memory_space<vmem>>, vector<1x16xf32>,
        %get3A_543 = vector.shape_cast %get3A_542 : vector<1x16xf32> to vector<16xf32>
        %mul3A_544 = vector.broadcast %squeeze3A_524 : f32 to vector<16xf32>
        %mul3A_545 = arith.mulf %get3A_543, %mul3A_544 : vector<16xf32>
        %swap3A_546 = arith.index_cast %add3A_528 : i32 to index
        %swap3A_547 = arith.constant 16 : index
        %swap3A_548 = tpu.vector_load %arg10[%swap3A_546, %swap3A_547] {strides = array<i32>} : memref<128x128xf32, #tpu.memory_space<vmem>>, vector<1x16xf32>,
        %swap3A_549 = vector.shape_cast %swap3A_548 : vector<1x16xf32> to vector<16xf32>
        %swap3A_550 = vector.shape_cast %mul3A_545 : vector<16xf32> to vector<1x16xf32>
        tpu.vector_store %arg10[%swap3A_546, %swap3A_547], %swap3A_550 {strides = array<i32>} : memref<128x128xf32, #tpu.memory_space<vmem>>, vector<1x16xf32>,
        %get3A_551 = arith.index_cast %add3A_528 : i32 to index
        %get3A_552 = arith.constant 32 : index
        %get3A_553 = tpu.vector_load %arg10[%get3A_551, %get3A_552] {strides = array<i32>} : memref<128x128xf32, #tpu.memory_space<vmem>>, vector<1x16xf32>,
        %get3A_554 = vector.shape_cast %get3A_553 : vector<1x16xf32> to vector<16xf32>
        %mul3A_555 = vector.broadcast %squeeze3A_524 : f32 to vector<16xf32>
        %mul3A_556 = arith.mulf %get3A_554, %mul3A_555 : vector<16xf32>
        %swap3A_557 = arith.index_cast %add3A_528 : i32 to index
        %swap3A_558 = arith.constant 32 : index
        %swap3A_559 = tpu.vector_load %arg10[%swap3A_557, %swap3A_558] {strides = array<i32>} : memref<128x128xf32, #tpu.memory_space<vmem>>, vector<1x16xf32>,
        %swap3A_560 = vector.shape_cast %swap3A_559 : vector<1x16xf32> to vector<16xf32>
        %swap3A_561 = vector.shape_cast %mul3A_556 : vector<16xf32> to vector<1x16xf32>
        tpu.vector_store %arg10[%swap3A_557, %swap3A_558], %swap3A_561 {strides = array<i32>} : memref<128x128xf32, #tpu.memory_space<vmem>>, vector<1x16xf32>,
        %get3A_562 = arith.index_cast %add3A_528 : i32 to index
        %get3A_563 = arith.constant 48 : index
        %get3A_564 = tpu.vector_load %arg10[%get3A_562, %get3A_563] {strides = array<i32>} : memref<128x128xf32, #tpu.memory_space<vmem>>, vector<1x16xf32>,
        %get3A_565 = vector.shape_cast %get3A_564 : vector<1x16xf32> to vector<16xf32>
        %mul3A_566 = vector.broadcast %squeeze3A_524 : f32 to vector<16xf32>
        %mul3A_567 = arith.mulf %get3A_565, %mul3A_566 : vector<16xf32>
        %swap3A_568 = arith.index_cast %add3A_528 : i32 to index
        %swap3A_569 = arith.constant 48 : index
        %swap3A_570 = tpu.vector_load %arg10[%swap3A_568, %swap3A_569] {strides = array<i32>} : memref<128x128xf32, #tpu.memory_space<vmem>>, vector<1x16xf32>,
        %swap3A_571 = vector.shape_cast %swap3A_570 : vector<1x16xf32> to vector<16xf32>
        %swap3A_572 = vector.shape_cast %mul3A_567 : vector<16xf32> to vector<1x16xf32>
        tpu.vector_store %arg10[%swap3A_568, %swap3A_569], %swap3A_572 {strides = array<i32>} : memref<128x128xf32, #tpu.memory_space<vmem>>, vector<1x16xf32>,
        %get3A_573 = arith.index_cast %add3A_528 : i32 to index
        %get3A_574 = arith.constant 64 : index
        %get3A_575 = tpu.vector_load %arg10[%get3A_573, %get3A_574] {strides = array<i32>} : memref<128x128xf32, #tpu.memory_space<vmem>>, vector<1x16xf32>,
        %get3A_576 = vector.shape_cast %get3A_575 : vector<1x16xf32> to vector<16xf32>
        %mul3A_577 = vector.broadcast %squeeze3A_524 : f32 to vector<16xf32>
        %mul3A_578 = arith.mulf %get3A_576, %mul3A_577 : vector<16xf32>
        %swap3A_579 = arith.index_cast %add3A_528 : i32 to index
        %swap3A_580 = arith.constant 64 : index
        %swap3A_581 = tpu.vector_load %arg10[%swap3A_579, %swap3A_580] {strides = array<i32>} : memref<128x128xf32, #tpu.memory_space<vmem>>, vector<1x16xf32>,
        %swap3A_582 = vector.shape_cast %swap3A_581 : vector<1x16xf32> to vector<16xf32>
        %swap3A_583 = vector.shape_cast %mul3A_578 : vector<16xf32> to vector<1x16xf32>
        tpu.vector_store %arg10[%swap3A_579, %swap3A_580], %swap3A_583 {strides = array<i32>} : memref<128x128xf32, #tpu.memory_space<vmem>>, vector<1x16xf32>,
        %get3A_584 = arith.index_cast %add3A_528 : i32 to index
        %get3A_585 = arith.constant 80 : index
        %get3A_586 = tpu.vector_load %arg10[%get3A_584, %get3A_585] {strides = array<i32>} : memref<128x128xf32, #tpu.memory_space<vmem>>, vector<1x16xf32>,
        %get3A_587 = vector.shape_cast %get3A_586 : vector<1x16xf32> to vector<16xf32>
        %mul3A_588 = vector.broadcast %squeeze3A_524 : f32 to vector<16xf32>
        %mul3A_589 = arith.mulf %get3A_587, %mul3A_588 : vector<16xf32>
        %swap3A_590 = arith.index_cast %add3A_528 : i32 to index
        %swap3A_591 = arith.constant 80 : index
        %swap3A_592 = tpu.vector_load %arg10[%swap3A_590, %swap3A_591] {strides = array<i32>} : memref<128x128xf32, #tpu.memory_space<vmem>>, vector<1x16xf32>,
        %swap3A_593 = vector.shape_cast %swap3A_592 : vector<1x16xf32> to vector<16xf32>
        %swap3A_594 = vector.shape_cast %mul3A_589 : vector<16xf32> to vector<1x16xf32>
        tpu.vector_store %arg10[%swap3A_590, %swap3A_591], %swap3A_594 {strides = array<i32>} : memref<128x128xf32, #tpu.memory_space<vmem>>, vector<1x16xf32>,
        %get3A_595 = arith.index_cast %add3A_528 : i32 to index
        %get3A_596 = arith.constant 96 : index
        %get3A_597 = tpu.vector_load %arg10[%get3A_595, %get3A_596] {strides = array<i32>} : memref<128x128xf32, #tpu.memory_space<vmem>>, vector<1x16xf32>,
        %get3A_598 = vector.shape_cast %get3A_597 : vector<1x16xf32> to vector<16xf32>
        %mul3A_599 = vector.broadcast %squeeze3A_524 : f32 to vector<16xf32>
        %mul3A_600 = arith.mulf %get3A_598, %mul3A_599 : vector<16xf32>
        %swap3A_601 = arith.index_cast %add3A_528 : i32 to index
        %swap3A_602 = arith.constant 96 : index
        %swap3A_603 = tpu.vector_load %arg10[%swap3A_601, %swap3A_602] {strides = array<i32>} : memref<128x128xf32, #tpu.memory_space<vmem>>, vector<1x16xf32>,
        %swap3A_604 = vector.shape_cast %swap3A_603 : vector<1x16xf32> to vector<16xf32>
        %swap3A_605 = vector.shape_cast %mul3A_600 : vector<16xf32> to vector<1x16xf32>
        tpu.vector_store %arg10[%swap3A_601, %swap3A_602], %swap3A_605 {strides = array<i32>} : memref<128x128xf32, #tpu.memory_space<vmem>>, vector<1x16xf32>,
        %get3A_606 = arith.index_cast %add3A_528 : i32 to index
        %get3A_607 = arith.constant 112 : index
        %get3A_608 = tpu.vector_load %arg10[%get3A_606, %get3A_607] {strides = array<i32>} : memref<128x128xf32, #tpu.memory_space<vmem>>, vector<1x16xf32>,
        %get3A_609 = vector.shape_cast %get3A_608 : vector<1x16xf32> to vector<16xf32>
        %mul3A_610 = vector.broadcast %squeeze3A_524 : f32 to vector<16xf32>
        %mul3A_611 = arith.mulf %get3A_609, %mul3A_610 : vector<16xf32>
        %swap3A_612 = arith.index_cast %add3A_528 : i32 to index
        %swap3A_613 = arith.constant 112 : index
        %swap3A_614 = tpu.vector_load %arg10[%swap3A_612, %swap3A_613] {strides = array<i32>} : memref<128x128xf32, #tpu.memory_space<vmem>>, vector<1x16xf32>,
        %swap3A_615 = vector.shape_cast %swap3A_614 : vector<1x16xf32> to vector<16xf32>
        %swap3A_616 = vector.shape_cast %mul3A_611 : vector<16xf32> to vector<1x16xf32>
        tpu.vector_store %arg10[%swap3A_612, %swap3A_613], %swap3A_616 {strides = array<i32>} : memref<128x128xf32, #tpu.memory_space<vmem>>, vector<1x16xf32>,
        %slice3A_617 = vector.extract_strided_slice %get3A_55 {offsets = [6], sizes = [1], strides = [1]} : vector<16xf32> to vector<1xf32>
        %squeeze3A_618 = vector.extract %slice3A_617[0] : f32 from vector<1xf32>
        %mul3A_619 = arith.constant 16 : i32
        %mul3A_620 = arith.muli %scan3A_50, %mul3A_619 : i32
        %add3A_621 = arith.constant 6 : i32
        %add3A_622 = arith.addi %mul3A_620, %add3A_621 : i32
        %get3A_623 = arith.index_cast %add3A_622 : i32 to index
        %get3A_624 = arith.constant 0 : index
        %get3A_625 = tpu.vector_load %arg10[%get3A_623, %get3A_624] {strides = array<i32>} : memref<128x128xf32, #tpu.memory_space<vmem>>, vector<1x16xf32>,
        %get3A_626 = vector.shape_cast %get3A_625 : vector<1x16xf32> to vector<16xf32>
        %mul3A_627 = vector.broadcast %squeeze3A_618 : f32 to vector<16xf32>
        %mul3A_628 = arith.mulf %get3A_626, %mul3A_627 : vector<16xf32>
        %swap3A_629 = arith.index_cast %add3A_622 : i32 to index
        %swap3A_630 = arith.constant 0 : index
        %swap3A_631 = tpu.vector_load %arg10[%swap3A_629, %swap3A_630] {strides = array<i32>} : memref<128x128xf32, #tpu.memory_space<vmem>>, vector<1x16xf32>,
        %swap3A_632 = vector.shape_cast %swap3A_631 : vector<1x16xf32> to vector<16xf32>
        %swap3A_633 = vector.shape_cast %mul3A_628 : vector<16xf32> to vector<1x16xf32>
        tpu.vector_store %arg10[%swap3A_629, %swap3A_630], %swap3A_633 {strides = array<i32>} : memref<128x128xf32, #tpu.memory_space<vmem>>, vector<1x16xf32>,
        %get3A_634 = arith.index_cast %add3A_622 : i32 to index
        %get3A_635 = arith.constant 16 : index
        %get3A_636 = tpu.vector_load %arg10[%get3A_634, %get3A_635] {strides = array<i32>} : memref<128x128xf32, #tpu.memory_space<vmem>>, vector<1x16xf32>,
        %get3A_637 = vector.shape_cast %get3A_636 : vector<1x16xf32> to vector<16xf32>
        %mul3A_638 = vector.broadcast %squeeze3A_618 : f32 to vector<16xf32>
        %mul3A_639 = arith.mulf %get3A_637, %mul3A_638 : vector<16xf32>
        %swap3A_640 = arith.index_cast %add3A_622 : i32 to index
        %swap3A_641 = arith.constant 16 : index
        %swap3A_642 = tpu.vector_load %arg10[%swap3A_640, %swap3A_641] {strides = array<i32>} : memref<128x128xf32, #tpu.memory_space<vmem>>, vector<1x16xf32>,
        %swap3A_643 = vector.shape_cast %swap3A_642 : vector<1x16xf32> to vector<16xf32>
        %swap3A_644 = vector.shape_cast %mul3A_639 : vector<16xf32> to vector<1x16xf32>
        tpu.vector_store %arg10[%swap3A_640, %swap3A_641], %swap3A_644 {strides = array<i32>} : memref<128x128xf32, #tpu.memory_space<vmem>>, vector<1x16xf32>,
        %get3A_645 = arith.index_cast %add3A_622 : i32 to index
        %get3A_646 = arith.constant 32 : index
        %get3A_647 = tpu.vector_load %arg10[%get3A_645, %get3A_646] {strides = array<i32>} : memref<128x128xf32, #tpu.memory_space<vmem>>, vector<1x16xf32>,
        %get3A_648 = vector.shape_cast %get3A_647 : vector<1x16xf32> to vector<16xf32>
        %mul3A_649 = vector.broadcast %squeeze3A_618 : f32 to vector<16xf32>
        %mul3A_650 = arith.mulf %get3A_648, %mul3A_649 : vector<16xf32>
        %swap3A_651 = arith.index_cast %add3A_622 : i32 to index
        %swap3A_652 = arith.constant 32 : index
        %swap3A_653 = tpu.vector_load %arg10[%swap3A_651, %swap3A_652] {strides = array<i32>} : memref<128x128xf32, #tpu.memory_space<vmem>>, vector<1x16xf32>,
        %swap3A_654 = vector.shape_cast %swap3A_653 : vector<1x16xf32> to vector<16xf32>
        %swap3A_655 = vector.shape_cast %mul3A_650 : vector<16xf32> to vector<1x16xf32>
        tpu.vector_store %arg10[%swap3A_651, %swap3A_652], %swap3A_655 {strides = array<i32>} : memref<128x128xf32, #tpu.memory_space<vmem>>, vector<1x16xf32>,
        %get3A_656 = arith.index_cast %add3A_622 : i32 to index
        %get3A_657 = arith.constant 48 : index
        %get3A_658 = tpu.vector_load %arg10[%get3A_656, %get3A_657] {strides = array<i32>} : memref<128x128xf32, #tpu.memory_space<vmem>>, vector<1x16xf32>,
        %get3A_659 = vector.shape_cast %get3A_658 : vector<1x16xf32> to vector<16xf32>
        %mul3A_660 = vector.broadcast %squeeze3A_618 : f32 to vector<16xf32>
        %mul3A_661 = arith.mulf %get3A_659, %mul3A_660 : vector<16xf32>
        %swap3A_662 = arith.index_cast %add3A_622 : i32 to index
        %swap3A_663 = arith.constant 48 : index
        %swap3A_664 = tpu.vector_load %arg10[%swap3A_662, %swap3A_663] {strides = array<i32>} : memref<128x128xf32, #tpu.memory_space<vmem>>, vector<1x16xf32>,
        %swap3A_665 = vector.shape_cast %swap3A_664 : vector<1x16xf32> to vector<16xf32>
        %swap3A_666 = vector.shape_cast %mul3A_661 : vector<16xf32> to vector<1x16xf32>
        tpu.vector_store %arg10[%swap3A_662, %swap3A_663], %swap3A_666 {strides = array<i32>} : memref<128x128xf32, #tpu.memory_space<vmem>>, vector<1x16xf32>,
        %get3A_667 = arith.index_cast %add3A_622 : i32 to index
        %get3A_668 = arith.constant 64 : index
        %get3A_669 = tpu.vector_load %arg10[%get3A_667, %get3A_668] {strides = array<i32>} : memref<128x128xf32, #tpu.memory_space<vmem>>, vector<1x16xf32>,
        %get3A_670 = vector.shape_cast %get3A_669 : vector<1x16xf32> to vector<16xf32>
        %mul3A_671 = vector.broadcast %squeeze3A_618 : f32 to vector<16xf32>
        %mul3A_672 = arith.mulf %get3A_670, %mul3A_671 : vector<16xf32>
        %swap3A_673 = arith.index_cast %add3A_622 : i32 to index
        %swap3A_674 = arith.constant 64 : index
        %swap3A_675 = tpu.vector_load %arg10[%swap3A_673, %swap3A_674] {strides = array<i32>} : memref<128x128xf32, #tpu.memory_space<vmem>>, vector<1x16xf32>,
        %swap3A_676 = vector.shape_cast %swap3A_675 : vector<1x16xf32> to vector<16xf32>
        %swap3A_677 = vector.shape_cast %mul3A_672 : vector<16xf32> to vector<1x16xf32>
        tpu.vector_store %arg10[%swap3A_673, %swap3A_674], %swap3A_677 {strides = array<i32>} : memref<128x128xf32, #tpu.memory_space<vmem>>, vector<1x16xf32>,
        %get3A_678 = arith.index_cast %add3A_622 : i32 to index
        %get3A_679 = arith.constant 80 : index
        %get3A_680 = tpu.vector_load %arg10[%get3A_678, %get3A_679] {strides = array<i32>} : memref<128x128xf32, #tpu.memory_space<vmem>>, vector<1x16xf32>,
        %get3A_681 = vector.shape_cast %get3A_680 : vector<1x16xf32> to vector<16xf32>
        %mul3A_682 = vector.broadcast %squeeze3A_618 : f32 to vector<16xf32>
        %mul3A_683 = arith.mulf %get3A_681, %mul3A_682 : vector<16xf32>
        %swap3A_684 = arith.index_cast %add3A_622 : i32 to index
        %swap3A_685 = arith.constant 80 : index
        %swap3A_686 = tpu.vector_load %arg10[%swap3A_684, %swap3A_685] {strides = array<i32>} : memref<128x128xf32, #tpu.memory_space<vmem>>, vector<1x16xf32>,
        %swap3A_687 = vector.shape_cast %swap3A_686 : vector<1x16xf32> to vector<16xf32>
        %swap3A_688 = vector.shape_cast %mul3A_683 : vector<16xf32> to vector<1x16xf32>
        tpu.vector_store %arg10[%swap3A_684, %swap3A_685], %swap3A_688 {strides = array<i32>} : memref<128x128xf32, #tpu.memory_space<vmem>>, vector<1x16xf32>,
        %get3A_689 = arith.index_cast %add3A_622 : i32 to index
        %get3A_690 = arith.constant 96 : index
        %get3A_691 = tpu.vector_load %arg10[%get3A_689, %get3A_690] {strides = array<i32>} : memref<128x128xf32, #tpu.memory_space<vmem>>, vector<1x16xf32>,
        %get3A_692 = vector.shape_cast %get3A_691 : vector<1x16xf32> to vector<16xf32>
        %mul3A_693 = vector.broadcast %squeeze3A_618 : f32 to vector<16xf32>
        %mul3A_694 = arith.mulf %get3A_692, %mul3A_693 : vector<16xf32>
        %swap3A_695 = arith.index_cast %add3A_622 : i32 to index
        %swap3A_696 = arith.constant 96 : index
        %swap3A_697 = tpu.vector_load %arg10[%swap3A_695, %swap3A_696] {strides = array<i32>} : memref<128x128xf32, #tpu.memory_space<vmem>>, vector<1x16xf32>,
        %swap3A_698 = vector.shape_cast %swap3A_697 : vector<1x16xf32> to vector<16xf32>
        %swap3A_699 = vector.shape_cast %mul3A_694 : vector<16xf32> to vector<1x16xf32>
        tpu.vector_store %arg10[%swap3A_695, %swap3A_696], %swap3A_699 {strides = array<i32>} : memref<128x128xf32, #tpu.memory_space<vmem>>, vector<1x16xf32>,
        %get3A_700 = arith.index_cast %add3A_622 : i32 to index
        %get3A_701 = arith.constant 112 : index
        %get3A_702 = tpu.vector_load %arg10[%get3A_700, %get3A_701] {strides = array<i32>} : memref<128x128xf32, #tpu.memory_space<vmem>>, vector<1x16xf32>,
        %get3A_703 = vector.shape_cast %get3A_702 : vector<1x16xf32> to vector<16xf32>
        %mul3A_704 = vector.broadcast %squeeze3A_618 : f32 to vector<16xf32>
        %mul3A_705 = arith.mulf %get3A_703, %mul3A_704 : vector<16xf32>
        %swap3A_706 = arith.index_cast %add3A_622 : i32 to index
        %swap3A_707 = arith.constant 112 : index
        %swap3A_708 = tpu.vector_load %arg10[%swap3A_706, %swap3A_707] {strides = array<i32>} : memref<128x128xf32, #tpu.memory_space<vmem>>, vector<1x16xf32>,
        %swap3A_709 = vector.shape_cast %swap3A_708 : vector<1x16xf32> to vector<16xf32>
        %swap3A_710 = vector.shape_cast %mul3A_705 : vector<16xf32> to vector<1x16xf32>
        tpu.vector_store %arg10[%swap3A_706, %swap3A_707], %swap3A_710 {strides = array<i32>} : memref<128x128xf32, #tpu.memory_space<vmem>>, vector<1x16xf32>,
        %slice3A_711 = vector.extract_strided_slice %get3A_55 {offsets = [7], sizes = [1], strides = [1]} : vector<16xf32> to vector<1xf32>
        %squeeze3A_712 = vector.extract %slice3A_711[0] : f32 from vector<1xf32>
        %mul3A_713 = arith.constant 16 : i32
        %mul3A_714 = arith.muli %scan3A_50, %mul3A_713 : i32
        %add3A_715 = arith.constant 7 : i32
        %add3A_716 = arith.addi %mul3A_714, %add3A_715 : i32
        %get3A_717 = arith.index_cast %add3A_716 : i32 to index
        %get3A_718 = arith.constant 0 : index
        %get3A_719 = tpu.vector_load %arg10[%get3A_717, %get3A_718] {strides = array<i32>} : memref<128x128xf32, #tpu.memory_space<vmem>>, vector<1x16xf32>,
        %get3A_720 = vector.shape_cast %get3A_719 : vector<1x16xf32> to vector<16xf32>
        %mul3A_721 = vector.broadcast %squeeze3A_712 : f32 to vector<16xf32>
        %mul3A_722 = arith.mulf %get3A_720, %mul3A_721 : vector<16xf32>
        %swap3A_723 = arith.index_cast %add3A_716 : i32 to index
        %swap3A_724 = arith.constant 0 : index
        %swap3A_725 = tpu.vector_load %arg10[%swap3A_723, %swap3A_724] {strides = array<i32>} : memref<128x128xf32, #tpu.memory_space<vmem>>, vector<1x16xf32>,
        %swap3A_726 = vector.shape_cast %swap3A_725 : vector<1x16xf32> to vector<16xf32>
        %swap3A_727 = vector.shape_cast %mul3A_722 : vector<16xf32> to vector<1x16xf32>
        tpu.vector_store %arg10[%swap3A_723, %swap3A_724], %swap3A_727 {strides = array<i32>} : memref<128x128xf32, #tpu.memory_space<vmem>>, vector<1x16xf32>,
        %get3A_728 = arith.index_cast %add3A_716 : i32 to index
        %get3A_729 = arith.constant 16 : index
        %get3A_730 = tpu.vector_load %arg10[%get3A_728, %get3A_729] {strides = array<i32>} : memref<128x128xf32, #tpu.memory_space<vmem>>, vector<1x16xf32>,
        %get3A_731 = vector.shape_cast %get3A_730 : vector<1x16xf32> to vector<16xf32>
        %mul3A_732 = vector.broadcast %squeeze3A_712 : f32 to vector<16xf32>
        %mul3A_733 = arith.mulf %get3A_731, %mul3A_732 : vector<16xf32>
        %swap3A_734 = arith.index_cast %add3A_716 : i32 to index
        %swap3A_735 = arith.constant 16 : index
        %swap3A_736 = tpu.vector_load %arg10[%swap3A_734, %swap3A_735] {strides = array<i32>} : memref<128x128xf32, #tpu.memory_space<vmem>>, vector<1x16xf32>,
        %swap3A_737 = vector.shape_cast %swap3A_736 : vector<1x16xf32> to vector<16xf32>
        %swap3A_738 = vector.shape_cast %mul3A_733 : vector<16xf32> to vector<1x16xf32>
        tpu.vector_store %arg10[%swap3A_734, %swap3A_735], %swap3A_738 {strides = array<i32>} : memref<128x128xf32, #tpu.memory_space<vmem>>, vector<1x16xf32>,
        %get3A_739 = arith.index_cast %add3A_716 : i32 to index
        %get3A_740 = arith.constant 32 : index
        %get3A_741 = tpu.vector_load %arg10[%get3A_739, %get3A_740] {strides = array<i32>} : memref<128x128xf32, #tpu.memory_space<vmem>>, vector<1x16xf32>,
        %get3A_742 = vector.shape_cast %get3A_741 : vector<1x16xf32> to vector<16xf32>
        %mul3A_743 = vector.broadcast %squeeze3A_712 : f32 to vector<16xf32>
        %mul3A_744 = arith.mulf %get3A_742, %mul3A_743 : vector<16xf32>
        %swap3A_745 = arith.index_cast %add3A_716 : i32 to index
        %swap3A_746 = arith.constant 32 : index
        %swap3A_747 = tpu.vector_load %arg10[%swap3A_745, %swap3A_746] {strides = array<i32>} : memref<128x128xf32, #tpu.memory_space<vmem>>, vector<1x16xf32>,
        %swap3A_748 = vector.shape_cast %swap3A_747 : vector<1x16xf32> to vector<16xf32>
        %swap3A_749 = vector.shape_cast %mul3A_744 : vector<16xf32> to vector<1x16xf32>
        tpu.vector_store %arg10[%swap3A_745, %swap3A_746], %swap3A_749 {strides = array<i32>} : memref<128x128xf32, #tpu.memory_space<vmem>>, vector<1x16xf32>,
        %get3A_750 = arith.index_cast %add3A_716 : i32 to index
        %get3A_751 = arith.constant 48 : index
        %get3A_752 = tpu.vector_load %arg10[%get3A_750, %get3A_751] {strides = array<i32>} : memref<128x128xf32, #tpu.memory_space<vmem>>, vector<1x16xf32>,
        %get3A_753 = vector.shape_cast %get3A_752 : vector<1x16xf32> to vector<16xf32>
        %mul3A_754 = vector.broadcast %squeeze3A_712 : f32 to vector<16xf32>
        %mul3A_755 = arith.mulf %get3A_753, %mul3A_754 : vector<16xf32>
        %swap3A_756 = arith.index_cast %add3A_716 : i32 to index
        %swap3A_757 = arith.constant 48 : index
        %swap3A_758 = tpu.vector_load %arg10[%swap3A_756, %swap3A_757] {strides = array<i32>} : memref<128x128xf32, #tpu.memory_space<vmem>>, vector<1x16xf32>,
        %swap3A_759 = vector.shape_cast %swap3A_758 : vector<1x16xf32> to vector<16xf32>
        %swap3A_760 = vector.shape_cast %mul3A_755 : vector<16xf32> to vector<1x16xf32>
        tpu.vector_store %arg10[%swap3A_756, %swap3A_757], %swap3A_760 {strides = array<i32>} : memref<128x128xf32, #tpu.memory_space<vmem>>, vector<1x16xf32>,
        %get3A_761 = arith.index_cast %add3A_716 : i32 to index
        %get3A_762 = arith.constant 64 : index
        %get3A_763 = tpu.vector_load %arg10[%get3A_761, %get3A_762] {strides = array<i32>} : memref<128x128xf32, #tpu.memory_space<vmem>>, vector<1x16xf32>,
        %get3A_764 = vector.shape_cast %get3A_763 : vector<1x16xf32> to vector<16xf32>
        %mul3A_765 = vector.broadcast %squeeze3A_712 : f32 to vector<16xf32>
        %mul3A_766 = arith.mulf %get3A_764, %mul3A_765 : vector<16xf32>
        %swap3A_767 = arith.index_cast %add3A_716 : i32 to index
        %swap3A_768 = arith.constant 64 : index
        %swap3A_769 = tpu.vector_load %arg10[%swap3A_767, %swap3A_768] {strides = array<i32>} : memref<128x128xf32, #tpu.memory_space<vmem>>, vector<1x16xf32>,
        %swap3A_770 = vector.shape_cast %swap3A_769 : vector<1x16xf32> to vector<16xf32>
        %swap3A_771 = vector.shape_cast %mul3A_766 : vector<16xf32> to vector<1x16xf32>
        tpu.vector_store %arg10[%swap3A_767, %swap3A_768], %swap3A_771 {strides = array<i32>} : memref<128x128xf32, #tpu.memory_space<vmem>>, vector<1x16xf32>,
        %get3A_772 = arith.index_cast %add3A_716 : i32 to index
        %get3A_773 = arith.constant 80 : index
        %get3A_774 = tpu.vector_load %arg10[%get3A_772, %get3A_773] {strides = array<i32>} : memref<128x128xf32, #tpu.memory_space<vmem>>, vector<1x16xf32>,
        %get3A_775 = vector.shape_cast %get3A_774 : vector<1x16xf32> to vector<16xf32>
        %mul3A_776 = vector.broadcast %squeeze3A_712 : f32 to vector<16xf32>
        %mul3A_777 = arith.mulf %get3A_775, %mul3A_776 : vector<16xf32>
        %swap3A_778 = arith.index_cast %add3A_716 : i32 to index
        %swap3A_779 = arith.constant 80 : index
        %swap3A_780 = tpu.vector_load %arg10[%swap3A_778, %swap3A_779] {strides = array<i32>} : memref<128x128xf32, #tpu.memory_space<vmem>>, vector<1x16xf32>,
        %swap3A_781 = vector.shape_cast %swap3A_780 : vector<1x16xf32> to vector<16xf32>
        %swap3A_782 = vector.shape_cast %mul3A_777 : vector<16xf32> to vector<1x16xf32>
        tpu.vector_store %arg10[%swap3A_778, %swap3A_779], %swap3A_782 {strides = array<i32>} : memref<128x128xf32, #tpu.memory_space<vmem>>, vector<1x16xf32>,
        %get3A_783 = arith.index_cast %add3A_716 : i32 to index
        %get3A_784 = arith.constant 96 : index
        %get3A_785 = tpu.vector_load %arg10[%get3A_783, %get3A_784] {strides = array<i32>} : memref<128x128xf32, #tpu.memory_space<vmem>>, vector<1x16xf32>,
        %get3A_786 = vector.shape_cast %get3A_785 : vector<1x16xf32> to vector<16xf32>
        %mul3A_787 = vector.broadcast %squeeze3A_712 : f32 to vector<16xf32>
        %mul3A_788 = arith.mulf %get3A_786, %mul3A_787 : vector<16xf32>
        %swap3A_789 = arith.index_cast %add3A_716 : i32 to index
        %swap3A_790 = arith.constant 96 : index
        %swap3A_791 = tpu.vector_load %arg10[%swap3A_789, %swap3A_790] {strides = array<i32>} : memref<128x128xf32, #tpu.memory_space<vmem>>, vector<1x16xf32>,
        %swap3A_792 = vector.shape_cast %swap3A_791 : vector<1x16xf32> to vector<16xf32>
        %swap3A_793 = vector.shape_cast %mul3A_788 : vector<16xf32> to vector<1x16xf32>
        tpu.vector_store %arg10[%swap3A_789, %swap3A_790], %swap3A_793 {strides = array<i32>} : memref<128x128xf32, #tpu.memory_space<vmem>>, vector<1x16xf32>,
        %get3A_794 = arith.index_cast %add3A_716 : i32 to index
        %get3A_795 = arith.constant 112 : index
        %get3A_796 = tpu.vector_load %arg10[%get3A_794, %get3A_795] {strides = array<i32>} : memref<128x128xf32, #tpu.memory_space<vmem>>, vector<1x16xf32>,
        %get3A_797 = vector.shape_cast %get3A_796 : vector<1x16xf32> to vector<16xf32>
        %mul3A_798 = vector.broadcast %squeeze3A_712 : f32 to vector<16xf32>
        %mul3A_799 = arith.mulf %get3A_797, %mul3A_798 : vector<16xf32>
        %swap3A_800 = arith.index_cast %add3A_716 : i32 to index
        %swap3A_801 = arith.constant 112 : index
        %swap3A_802 = tpu.vector_load %arg10[%swap3A_800, %swap3A_801] {strides = array<i32>} : memref<128x128xf32, #tpu.memory_space<vmem>>, vector<1x16xf32>,
        %swap3A_803 = vector.shape_cast %swap3A_802 : vector<1x16xf32> to vector<16xf32>
        %swap3A_804 = vector.shape_cast %mul3A_799 : vector<16xf32> to vector<1x16xf32>
        tpu.vector_store %arg10[%swap3A_800, %swap3A_801], %swap3A_804 {strides = array<i32>} : memref<128x128xf32, #tpu.memory_space<vmem>>, vector<1x16xf32>,
        %slice3A_805 = vector.extract_strided_slice %get3A_55 {offsets = [8], sizes = [1], strides = [1]} : vector<16xf32> to vector<1xf32>
        %squeeze3A_806 = vector.extract %slice3A_805[0] : f32 from vector<1xf32>
        %mul3A_807 = arith.constant 16 : i32
        %mul3A_808 = arith.muli %scan3A_50, %mul3A_807 : i32
        %add3A_809 = arith.constant 8 : i32
        %add3A_810 = arith.addi %mul3A_808, %add3A_809 : i32
        %get3A_811 = arith.index_cast %add3A_810 : i32 to index
        %get3A_812 = arith.constant 0 : index
        %get3A_813 = tpu.vector_load %arg10[%get3A_811, %get3A_812] {strides = array<i32>} : memref<128x128xf32, #tpu.memory_space<vmem>>, vector<1x16xf32>,
        %get3A_814 = vector.shape_cast %get3A_813 : vector<1x16xf32> to vector<16xf32>
        %mul3A_815 = vector.broadcast %squeeze3A_806 : f32 to vector<16xf32>
        %mul3A_816 = arith.mulf %get3A_814, %mul3A_815 : vector<16xf32>
        %swap3A_817 = arith.index_cast %add3A_810 : i32 to index
        %swap3A_818 = arith.constant 0 : index
        %swap3A_819 = tpu.vector_load %arg10[%swap3A_817, %swap3A_818] {strides = array<i32>} : memref<128x128xf32, #tpu.memory_space<vmem>>, vector<1x16xf32>,
        %swap3A_820 = vector.shape_cast %swap3A_819 : vector<1x16xf32> to vector<16xf32>
        %swap3A_821 = vector.shape_cast %mul3A_816 : vector<16xf32> to vector<1x16xf32>
        tpu.vector_store %arg10[%swap3A_817, %swap3A_818], %swap3A_821 {strides = array<i32>} : memref<128x128xf32, #tpu.memory_space<vmem>>, vector<1x16xf32>,
        %get3A_822 = arith.index_cast %add3A_810 : i32 to index
        %get3A_823 = arith.constant 16 : index
        %get3A_824 = tpu.vector_load %arg10[%get3A_822, %get3A_823] {strides = array<i32>} : memref<128x128xf32, #tpu.memory_space<vmem>>, vector<1x16xf32>,
        %get3A_825 = vector.shape_cast %get3A_824 : vector<1x16xf32> to vector<16xf32>
        %mul3A_826 = vector.broadcast %squeeze3A_806 : f32 to vector<16xf32>
        %mul3A_827 = arith.mulf %get3A_825, %mul3A_826 : vector<16xf32>
        %swap3A_828 = arith.index_cast %add3A_810 : i32 to index
        %swap3A_829 = arith.constant 16 : index
        %swap3A_830 = tpu.vector_load %arg10[%swap3A_828, %swap3A_829] {strides = array<i32>} : memref<128x128xf32, #tpu.memory_space<vmem>>, vector<1x16xf32>,
        %swap3A_831 = vector.shape_cast %swap3A_830 : vector<1x16xf32> to vector<16xf32>
        %swap3A_832 = vector.shape_cast %mul3A_827 : vector<16xf32> to vector<1x16xf32>
        tpu.vector_store %arg10[%swap3A_828, %swap3A_829], %swap3A_832 {strides = array<i32>} : memref<128x128xf32, #tpu.memory_space<vmem>>, vector<1x16xf32>,
        %get3A_833 = arith.index_cast %add3A_810 : i32 to index
        %get3A_834 = arith.constant 32 : index
        %get3A_835 = tpu.vector_load %arg10[%get3A_833, %get3A_834] {strides = array<i32>} : memref<128x128xf32, #tpu.memory_space<vmem>>, vector<1x16xf32>,
        %get3A_836 = vector.shape_cast %get3A_835 : vector<1x16xf32> to vector<16xf32>
        %mul3A_837 = vector.broadcast %squeeze3A_806 : f32 to vector<16xf32>
        %mul3A_838 = arith.mulf %get3A_836, %mul3A_837 : vector<16xf32>
        %swap3A_839 = arith.index_cast %add3A_810 : i32 to index
        %swap3A_840 = arith.constant 32 : index
        %swap3A_841 = tpu.vector_load %arg10[%swap3A_839, %swap3A_840] {strides = array<i32>} : memref<128x128xf32, #tpu.memory_space<vmem>>, vector<1x16xf32>,
        %swap3A_842 = vector.shape_cast %swap3A_841 : vector<1x16xf32> to vector<16xf32>
        %swap3A_843 = vector.shape_cast %mul3A_838 : vector<16xf32> to vector<1x16xf32>
        tpu.vector_store %arg10[%swap3A_839, %swap3A_840], %swap3A_843 {strides = array<i32>} : memref<128x128xf32, #tpu.memory_space<vmem>>, vector<1x16xf32>,
        %get3A_844 = arith.index_cast %add3A_810 : i32 to index
        %get3A_845 = arith.constant 48 : index
        %get3A_846 = tpu.vector_load %arg10[%get3A_844, %get3A_845] {strides = array<i32>} : memref<128x128xf32, #tpu.memory_space<vmem>>, vector<1x16xf32>,
        %get3A_847 = vector.shape_cast %get3A_846 : vector<1x16xf32> to vector<16xf32>
        %mul3A_848 = vector.broadcast %squeeze3A_806 : f32 to vector<16xf32>
        %mul3A_849 = arith.mulf %get3A_847, %mul3A_848 : vector<16xf32>
        %swap3A_850 = arith.index_cast %add3A_810 : i32 to index
        %swap3A_851 = arith.constant 48 : index
        %swap3A_852 = tpu.vector_load %arg10[%swap3A_850, %swap3A_851] {strides = array<i32>} : memref<128x128xf32, #tpu.memory_space<vmem>>, vector<1x16xf32>,
        %swap3A_853 = vector.shape_cast %swap3A_852 : vector<1x16xf32> to vector<16xf32>
        %swap3A_854 = vector.shape_cast %mul3A_849 : vector<16xf32> to vector<1x16xf32>
        tpu.vector_store %arg10[%swap3A_850, %swap3A_851], %swap3A_854 {strides = array<i32>} : memref<128x128xf32, #tpu.memory_space<vmem>>, vector<1x16xf32>,
        %get3A_855 = arith.index_cast %add3A_810 : i32 to index
        %get3A_856 = arith.constant 64 : index
        %get3A_857 = tpu.vector_load %arg10[%get3A_855, %get3A_856] {strides = array<i32>} : memref<128x128xf32, #tpu.memory_space<vmem>>, vector<1x16xf32>,
        %get3A_858 = vector.shape_cast %get3A_857 : vector<1x16xf32> to vector<16xf32>
        %mul3A_859 = vector.broadcast %squeeze3A_806 : f32 to vector<16xf32>
        %mul3A_860 = arith.mulf %get3A_858, %mul3A_859 : vector<16xf32>
        %swap3A_861 = arith.index_cast %add3A_810 : i32 to index
        %swap3A_862 = arith.constant 64 : index
        %swap3A_863 = tpu.vector_load %arg10[%swap3A_861, %swap3A_862] {strides = array<i32>} : memref<128x128xf32, #tpu.memory_space<vmem>>, vector<1x16xf32>,
        %swap3A_864 = vector.shape_cast %swap3A_863 : vector<1x16xf32> to vector<16xf32>
        %swap3A_865 = vector.shape_cast %mul3A_860 : vector<16xf32> to vector<1x16xf32>
        tpu.vector_store %arg10[%swap3A_861, %swap3A_862], %swap3A_865 {strides = array<i32>} : memref<128x128xf32, #tpu.memory_space<vmem>>, vector<1x16xf32>,
        %get3A_866 = arith.index_cast %add3A_810 : i32 to index
        %get3A_867 = arith.constant 80 : index
        %get3A_868 = tpu.vector_load %arg10[%get3A_866, %get3A_867] {strides = array<i32>} : memref<128x128xf32, #tpu.memory_space<vmem>>, vector<1x16xf32>,
        %get3A_869 = vector.shape_cast %get3A_868 : vector<1x16xf32> to vector<16xf32>
        %mul3A_870 = vector.broadcast %squeeze3A_806 : f32 to vector<16xf32>
        %mul3A_871 = arith.mulf %get3A_869, %mul3A_870 : vector<16xf32>
        %swap3A_872 = arith.index_cast %add3A_810 : i32 to index
        %swap3A_873 = arith.constant 80 : index
        %swap3A_874 = tpu.vector_load %arg10[%swap3A_872, %swap3A_873] {strides = array<i32>} : memref<128x128xf32, #tpu.memory_space<vmem>>, vector<1x16xf32>,
        %swap3A_875 = vector.shape_cast %swap3A_874 : vector<1x16xf32> to vector<16xf32>
        %swap3A_876 = vector.shape_cast %mul3A_871 : vector<16xf32> to vector<1x16xf32>
        tpu.vector_store %arg10[%swap3A_872, %swap3A_873], %swap3A_876 {strides = array<i32>} : memref<128x128xf32, #tpu.memory_space<vmem>>, vector<1x16xf32>,
        %get3A_877 = arith.index_cast %add3A_810 : i32 to index
        %get3A_878 = arith.constant 96 : index
        %get3A_879 = tpu.vector_load %arg10[%get3A_877, %get3A_878] {strides = array<i32>} : memref<128x128xf32, #tpu.memory_space<vmem>>, vector<1x16xf32>,
        %get3A_880 = vector.shape_cast %get3A_879 : vector<1x16xf32> to vector<16xf32>
        %mul3A_881 = vector.broadcast %squeeze3A_806 : f32 to vector<16xf32>
        %mul3A_882 = arith.mulf %get3A_880, %mul3A_881 : vector<16xf32>
        %swap3A_883 = arith.index_cast %add3A_810 : i32 to index
        %swap3A_884 = arith.constant 96 : index
        %swap3A_885 = tpu.vector_load %arg10[%swap3A_883, %swap3A_884] {strides = array<i32>} : memref<128x128xf32, #tpu.memory_space<vmem>>, vector<1x16xf32>,
        %swap3A_886 = vector.shape_cast %swap3A_885 : vector<1x16xf32> to vector<16xf32>
        %swap3A_887 = vector.shape_cast %mul3A_882 : vector<16xf32> to vector<1x16xf32>
        tpu.vector_store %arg10[%swap3A_883, %swap3A_884], %swap3A_887 {strides = array<i32>} : memref<128x128xf32, #tpu.memory_space<vmem>>, vector<1x16xf32>,
        %get3A_888 = arith.index_cast %add3A_810 : i32 to index
        %get3A_889 = arith.constant 112 : index
        %get3A_890 = tpu.vector_load %arg10[%get3A_888, %get3A_889] {strides = array<i32>} : memref<128x128xf32, #tpu.memory_space<vmem>>, vector<1x16xf32>,
        %get3A_891 = vector.shape_cast %get3A_890 : vector<1x16xf32> to vector<16xf32>
        %mul3A_892 = vector.broadcast %squeeze3A_806 : f32 to vector<16xf32>
        %mul3A_893 = arith.mulf %get3A_891, %mul3A_892 : vector<16xf32>
        %swap3A_894 = arith.index_cast %add3A_810 : i32 to index
        %swap3A_895 = arith.constant 112 : index
        %swap3A_896 = tpu.vector_load %arg10[%swap3A_894, %swap3A_895] {strides = array<i32>} : memref<128x128xf32, #tpu.memory_space<vmem>>, vector<1x16xf32>,
        %swap3A_897 = vector.shape_cast %swap3A_896 : vector<1x16xf32> to vector<16xf32>
        %swap3A_898 = vector.shape_cast %mul3A_893 : vector<16xf32> to vector<1x16xf32>
        tpu.vector_store %arg10[%swap3A_894, %swap3A_895], %swap3A_898 {strides = array<i32>} : memref<128x128xf32, #tpu.memory_space<vmem>>, vector<1x16xf32>,
        %slice3A_899 = vector.extract_strided_slice %get3A_55 {offsets = [9], sizes = [1], strides = [1]} : vector<16xf32> to vector<1xf32>
        %squeeze3A_900 = vector.extract %slice3A_899[0] : f32 from vector<1xf32>
        %mul3A_901 = arith.constant 16 : i32
        %mul3A_902 = arith.muli %scan3A_50, %mul3A_901 : i32
        %add3A_903 = arith.constant 9 : i32
        %add3A_904 = arith.addi %mul3A_902, %add3A_903 : i32
        %get3A_905 = arith.index_cast %add3A_904 : i32 to index
        %get3A_906 = arith.constant 0 : index
        %get3A_907 = tpu.vector_load %arg10[%get3A_905, %get3A_906] {strides = array<i32>} : memref<128x128xf32, #tpu.memory_space<vmem>>, vector<1x16xf32>,
        %get3A_908 = vector.shape_cast %get3A_907 : vector<1x16xf32> to vector<16xf32>
        %mul3A_909 = vector.broadcast %squeeze3A_900 : f32 to vector<16xf32>
        %mul3A_910 = arith.mulf %get3A_908, %mul3A_909 : vector<16xf32>
        %swap3A_911 = arith.index_cast %add3A_904 : i32 to index
        %swap3A_912 = arith.constant 0 : index
        %swap3A_913 = tpu.vector_load %arg10[%swap3A_911, %swap3A_912] {strides = array<i32>} : memref<128x128xf32, #tpu.memory_space<vmem>>, vector<1x16xf32>,
        %swap3A_914 = vector.shape_cast %swap3A_913 : vector<1x16xf32> to vector<16xf32>
        %swap3A_915 = vector.shape_cast %mul3A_910 : vector<16xf32> to vector<1x16xf32>
        tpu.vector_store %arg10[%swap3A_911, %swap3A_912], %swap3A_915 {strides = array<i32>} : memref<128x128xf32, #tpu.memory_space<vmem>>, vector<1x16xf32>,
        %get3A_916 = arith.index_cast %add3A_904 : i32 to index
        %get3A_917 = arith.constant 16 : index
        %get3A_918 = tpu.vector_load %arg10[%get3A_916, %get3A_917] {strides = array<i32>} : memref<128x128xf32, #tpu.memory_space<vmem>>, vector<1x16xf32>,
        %get3A_919 = vector.shape_cast %get3A_918 : vector<1x16xf32> to vector<16xf32>
        %mul3A_920 = vector.broadcast %squeeze3A_900 : f32 to vector<16xf32>
        %mul3A_921 = arith.mulf %get3A_919, %mul3A_920 : vector<16xf32>
        %swap3A_922 = arith.index_cast %add3A_904 : i32 to index
        %swap3A_923 = arith.constant 16 : index
        %swap3A_924 = tpu.vector_load %arg10[%swap3A_922, %swap3A_923] {strides = array<i32>} : memref<128x128xf32, #tpu.memory_space<vmem>>, vector<1x16xf32>,
        %swap3A_925 = vector.shape_cast %swap3A_924 : vector<1x16xf32> to vector<16xf32>
        %swap3A_926 = vector.shape_cast %mul3A_921 : vector<16xf32> to vector<1x16xf32>
        tpu.vector_store %arg10[%swap3A_922, %swap3A_923], %swap3A_926 {strides = array<i32>} : memref<128x128xf32, #tpu.memory_space<vmem>>, vector<1x16xf32>,
        %get3A_927 = arith.index_cast %add3A_904 : i32 to index
        %get3A_928 = arith.constant 32 : index
        %get3A_929 = tpu.vector_load %arg10[%get3A_927, %get3A_928] {strides = array<i32>} : memref<128x128xf32, #tpu.memory_space<vmem>>, vector<1x16xf32>,
        %get3A_930 = vector.shape_cast %get3A_929 : vector<1x16xf32> to vector<16xf32>
        %mul3A_931 = vector.broadcast %squeeze3A_900 : f32 to vector<16xf32>
        %mul3A_932 = arith.mulf %get3A_930, %mul3A_931 : vector<16xf32>
        %swap3A_933 = arith.index_cast %add3A_904 : i32 to index
        %swap3A_934 = arith.constant 32 : index
        %swap3A_935 = tpu.vector_load %arg10[%swap3A_933, %swap3A_934] {strides = array<i32>} : memref<128x128xf32, #tpu.memory_space<vmem>>, vector<1x16xf32>,
        %swap3A_936 = vector.shape_cast %swap3A_935 : vector<1x16xf32> to vector<16xf32>
        %swap3A_937 = vector.shape_cast %mul3A_932 : vector<16xf32> to vector<1x16xf32>
        tpu.vector_store %arg10[%swap3A_933, %swap3A_934], %swap3A_937 {strides = array<i32>} : memref<128x128xf32, #tpu.memory_space<vmem>>, vector<1x16xf32>,
        %get3A_938 = arith.index_cast %add3A_904 : i32 to index
        %get3A_939 = arith.constant 48 : index
        %get3A_940 = tpu.vector_load %arg10[%get3A_938, %get3A_939] {strides = array<i32>} : memref<128x128xf32, #tpu.memory_space<vmem>>, vector<1x16xf32>,
        %get3A_941 = vector.shape_cast %get3A_940 : vector<1x16xf32> to vector<16xf32>
        %mul3A_942 = vector.broadcast %squeeze3A_900 : f32 to vector<16xf32>
        %mul3A_943 = arith.mulf %get3A_941, %mul3A_942 : vector<16xf32>
        %swap3A_944 = arith.index_cast %add3A_904 : i32 to index
        %swap3A_945 = arith.constant 48 : index
        %swap3A_946 = tpu.vector_load %arg10[%swap3A_944, %swap3A_945] {strides = array<i32>} : memref<128x128xf32, #tpu.memory_space<vmem>>, vector<1x16xf32>,
        %swap3A_947 = vector.shape_cast %swap3A_946 : vector<1x16xf32> to vector<16xf32>
        %swap3A_948 = vector.shape_cast %mul3A_943 : vector<16xf32> to vector<1x16xf32>
        tpu.vector_store %arg10[%swap3A_944, %swap3A_945], %swap3A_948 {strides = array<i32>} : memref<128x128xf32, #tpu.memory_space<vmem>>, vector<1x16xf32>,
        %get3A_949 = arith.index_cast %add3A_904 : i32 to index
        %get3A_950 = arith.constant 64 : index
        %get3A_951 = tpu.vector_load %arg10[%get3A_949, %get3A_950] {strides = array<i32>} : memref<128x128xf32, #tpu.memory_space<vmem>>, vector<1x16xf32>,
        %get3A_952 = vector.shape_cast %get3A_951 : vector<1x16xf32> to vector<16xf32>
        %mul3A_953 = vector.broadcast %squeeze3A_900 : f32 to vector<16xf32>
        %mul3A_954 = arith.mulf %get3A_952, %mul3A_953 : vector<16xf32>
        %swap3A_955 = arith.index_cast %add3A_904 : i32 to index
        %swap3A_956 = arith.constant 64 : index
        %swap3A_957 = tpu.vector_load %arg10[%swap3A_955, %swap3A_956] {strides = array<i32>} : memref<128x128xf32, #tpu.memory_space<vmem>>, vector<1x16xf32>,
        %swap3A_958 = vector.shape_cast %swap3A_957 : vector<1x16xf32> to vector<16xf32>
        %swap3A_959 = vector.shape_cast %mul3A_954 : vector<16xf32> to vector<1x16xf32>
        tpu.vector_store %arg10[%swap3A_955, %swap3A_956], %swap3A_959 {strides = array<i32>} : memref<128x128xf32, #tpu.memory_space<vmem>>, vector<1x16xf32>,
        %get3A_960 = arith.index_cast %add3A_904 : i32 to index
        %get3A_961 = arith.constant 80 : index
        %get3A_962 = tpu.vector_load %arg10[%get3A_960, %get3A_961] {strides = array<i32>} : memref<128x128xf32, #tpu.memory_space<vmem>>, vector<1x16xf32>,
        %get3A_963 = vector.shape_cast %get3A_962 : vector<1x16xf32> to vector<16xf32>
        %mul3A_964 = vector.broadcast %squeeze3A_900 : f32 to vector<16xf32>
        %mul3A_965 = arith.mulf %get3A_963, %mul3A_964 : vector<16xf32>
        %swap3A_966 = arith.index_cast %add3A_904 : i32 to index
        %swap3A_967 = arith.constant 80 : index
        %swap3A_968 = tpu.vector_load %arg10[%swap3A_966, %swap3A_967] {strides = array<i32>} : memref<128x128xf32, #tpu.memory_space<vmem>>, vector<1x16xf32>,
        %swap3A_969 = vector.shape_cast %swap3A_968 : vector<1x16xf32> to vector<16xf32>
        %swap3A_970 = vector.shape_cast %mul3A_965 : vector<16xf32> to vector<1x16xf32>
        tpu.vector_store %arg10[%swap3A_966, %swap3A_967], %swap3A_970 {strides = array<i32>} : memref<128x128xf32, #tpu.memory_space<vmem>>, vector<1x16xf32>,
        %get3A_971 = arith.index_cast %add3A_904 : i32 to index
        %get3A_972 = arith.constant 96 : index
        %get3A_973 = tpu.vector_load %arg10[%get3A_971, %get3A_972] {strides = array<i32>} : memref<128x128xf32, #tpu.memory_space<vmem>>, vector<1x16xf32>,
        %get3A_974 = vector.shape_cast %get3A_973 : vector<1x16xf32> to vector<16xf32>
        %mul3A_975 = vector.broadcast %squeeze3A_900 : f32 to vector<16xf32>
        %mul3A_976 = arith.mulf %get3A_974, %mul3A_975 : vector<16xf32>
        %swap3A_977 = arith.index_cast %add3A_904 : i32 to index
        %swap3A_978 = arith.constant 96 : index
        %swap3A_979 = tpu.vector_load %arg10[%swap3A_977, %swap3A_978] {strides = array<i32>} : memref<128x128xf32, #tpu.memory_space<vmem>>, vector<1x16xf32>,
        %swap3A_980 = vector.shape_cast %swap3A_979 : vector<1x16xf32> to vector<16xf32>
        %swap3A_981 = vector.shape_cast %mul3A_976 : vector<16xf32> to vector<1x16xf32>
        tpu.vector_store %arg10[%swap3A_977, %swap3A_978], %swap3A_981 {strides = array<i32>} : memref<128x128xf32, #tpu.memory_space<vmem>>, vector<1x16xf32>,
        %get3A_982 = arith.index_cast %add3A_904 : i32 to index
        %get3A_983 = arith.constant 112 : index
        %get3A_984 = tpu.vector_load %arg10[%get3A_982, %get3A_983] {strides = array<i32>} : memref<128x128xf32, #tpu.memory_space<vmem>>, vector<1x16xf32>,
        %get3A_985 = vector.shape_cast %get3A_984 : vector<1x16xf32> to vector<16xf32>
        %mul3A_986 = vector.broadcast %squeeze3A_900 : f32 to vector<16xf32>
        %mul3A_987 = arith.mulf %get3A_985, %mul3A_986 : vector<16xf32>
        %swap3A_988 = arith.index_cast %add3A_904 : i32 to index
        %swap3A_989 = arith.constant 112 : index
        %swap3A_990 = tpu.vector_load %arg10[%swap3A_988, %swap3A_989] {strides = array<i32>} : memref<128x128xf32, #tpu.memory_space<vmem>>, vector<1x16xf32>,
        %swap3A_991 = vector.shape_cast %swap3A_990 : vector<1x16xf32> to vector<16xf32>
        %swap3A_992 = vector.shape_cast %mul3A_987 : vector<16xf32> to vector<1x16xf32>
        tpu.vector_store %arg10[%swap3A_988, %swap3A_989], %swap3A_992 {strides = array<i32>} : memref<128x128xf32, #tpu.memory_space<vmem>>, vector<1x16xf32>,
        %slice3A_993 = vector.extract_strided_slice %get3A_55 {offsets = [10], sizes = [1], strides = [1]} : vector<16xf32> to vector<1xf32>
        %squeeze3A_994 = vector.extract %slice3A_993[0] : f32 from vector<1xf32>
        %mul3A_995 = arith.constant 16 : i32
        %mul3A_996 = arith.muli %scan3A_50, %mul3A_995 : i32
        %add3A_997 = arith.constant 10 : i32
        %add3A_998 = arith.addi %mul3A_996, %add3A_997 : i32
        %get3A_999 = arith.index_cast %add3A_998 : i32 to index
        %get3A_1000 = arith.constant 0 : index
        %get3A_1001 = tpu.vector_load %arg10[%get3A_999, %get3A_1000] {strides = array<i32>} : memref<128x128xf32, #tpu.memory_space<vmem>>, vector<1x16xf32>,
        %get3A_1002 = vector.shape_cast %get3A_1001 : vector<1x16xf32> to vector<16xf32>
        %mul3A_1003 = vector.broadcast %squeeze3A_994 : f32 to vector<16xf32>
        %mul3A_1004 = arith.mulf %get3A_1002, %mul3A_1003 : vector<16xf32>
        %swap3A_1005 = arith.index_cast %add3A_998 : i32 to index
        %swap3A_1006 = arith.constant 0 : index
        %swap3A_1007 = tpu.vector_load %arg10[%swap3A_1005, %swap3A_1006] {strides = array<i32>} : memref<128x128xf32, #tpu.memory_space<vmem>>, vector<1x16xf32>,
        %swap3A_1008 = vector.shape_cast %swap3A_1007 : vector<1x16xf32> to vector<16xf32>
        %swap3A_1009 = vector.shape_cast %mul3A_1004 : vector<16xf32> to vector<1x16xf32>
        tpu.vector_store %arg10[%swap3A_1005, %swap3A_1006], %swap3A_1009 {strides = array<i32>} : memref<128x128xf32, #tpu.memory_space<vmem>>, vector<1x16xf32>,
        %get3A_1010 = arith.index_cast %add3A_998 : i32 to index
        %get3A_1011 = arith.constant 16 : index
        %get3A_1012 = tpu.vector_load %arg10[%get3A_1010, %get3A_1011] {strides = array<i32>} : memref<128x128xf32, #tpu.memory_space<vmem>>, vector<1x16xf32>,
        %get3A_1013 = vector.shape_cast %get3A_1012 : vector<1x16xf32> to vector<16xf32>
        %mul3A_1014 = vector.broadcast %squeeze3A_994 : f32 to vector<16xf32>
        %mul3A_1015 = arith.mulf %get3A_1013, %mul3A_1014 : vector<16xf32>
        %swap3A_1016 = arith.index_cast %add3A_998 : i32 to index
        %swap3A_1017 = arith.constant 16 : index
        %swap3A_1018 = tpu.vector_load %arg10[%swap3A_1016, %swap3A_1017] {strides = array<i32>} : memref<128x128xf32, #tpu.memory_space<vmem>>, vector<1x16xf32>,
        %swap3A_1019 = vector.shape_cast %swap3A_1018 : vector<1x16xf32> to vector<16xf32>
        %swap3A_1020 = vector.shape_cast %mul3A_1015 : vector<16xf32> to vector<1x16xf32>
        tpu.vector_store %arg10[%swap3A_1016, %swap3A_1017], %swap3A_1020 {strides = array<i32>} : memref<128x128xf32, #tpu.memory_space<vmem>>, vector<1x16xf32>,
        %get3A_1021 = arith.index_cast %add3A_998 : i32 to index
        %get3A_1022 = arith.constant 32 : index
        %get3A_1023 = tpu.vector_load %arg10[%get3A_1021, %get3A_1022] {strides = array<i32>} : memref<128x128xf32, #tpu.memory_space<vmem>>, vector<1x16xf32>,
        %get3A_1024 = vector.shape_cast %get3A_1023 : vector<1x16xf32> to vector<16xf32>
        %mul3A_1025 = vector.broadcast %squeeze3A_994 : f32 to vector<16xf32>
        %mul3A_1026 = arith.mulf %get3A_1024, %mul3A_1025 : vector<16xf32>
        %swap3A_1027 = arith.index_cast %add3A_998 : i32 to index
        %swap3A_1028 = arith.constant 32 : index
        %swap3A_1029 = tpu.vector_load %arg10[%swap3A_1027, %swap3A_1028] {strides = array<i32>} : memref<128x128xf32, #tpu.memory_space<vmem>>, vector<1x16xf32>,
        %swap3A_1030 = vector.shape_cast %swap3A_1029 : vector<1x16xf32> to vector<16xf32>
        %swap3A_1031 = vector.shape_cast %mul3A_1026 : vector<16xf32> to vector<1x16xf32>
        tpu.vector_store %arg10[%swap3A_1027, %swap3A_1028], %swap3A_1031 {strides = array<i32>} : memref<128x128xf32, #tpu.memory_space<vmem>>, vector<1x16xf32>,
        %get3A_1032 = arith.index_cast %add3A_998 : i32 to index
        %get3A_1033 = arith.constant 48 : index
        %get3A_1034 = tpu.vector_load %arg10[%get3A_1032, %get3A_1033] {strides = array<i32>} : memref<128x128xf32, #tpu.memory_space<vmem>>, vector<1x16xf32>,
        %get3A_1035 = vector.shape_cast %get3A_1034 : vector<1x16xf32> to vector<16xf32>
        %mul3A_1036 = vector.broadcast %squeeze3A_994 : f32 to vector<16xf32>
        %mul3A_1037 = arith.mulf %get3A_1035, %mul3A_1036 : vector<16xf32>
        %swap3A_1038 = arith.index_cast %add3A_998 : i32 to index
        %swap3A_1039 = arith.constant 48 : index
        %swap3A_1040 = tpu.vector_load %arg10[%swap3A_1038, %swap3A_1039] {strides = array<i32>} : memref<128x128xf32, #tpu.memory_space<vmem>>, vector<1x16xf32>,
        %swap3A_1041 = vector.shape_cast %swap3A_1040 : vector<1x16xf32> to vector<16xf32>
        %swap3A_1042 = vector.shape_cast %mul3A_1037 : vector<16xf32> to vector<1x16xf32>
        tpu.vector_store %arg10[%swap3A_1038, %swap3A_1039], %swap3A_1042 {strides = array<i32>} : memref<128x128xf32, #tpu.memory_space<vmem>>, vector<1x16xf32>,
        %get3A_1043 = arith.index_cast %add3A_998 : i32 to index
        %get3A_1044 = arith.constant 64 : index
        %get3A_1045 = tpu.vector_load %arg10[%get3A_1043, %get3A_1044] {strides = array<i32>} : memref<128x128xf32, #tpu.memory_space<vmem>>, vector<1x16xf32>,
        %get3A_1046 = vector.shape_cast %get3A_1045 : vector<1x16xf32> to vector<16xf32>
        %mul3A_1047 = vector.broadcast %squeeze3A_994 : f32 to vector<16xf32>
        %mul3A_1048 = arith.mulf %get3A_1046, %mul3A_1047 : vector<16xf32>
        %swap3A_1049 = arith.index_cast %add3A_998 : i32 to index
        %swap3A_1050 = arith.constant 64 : index
        %swap3A_1051 = tpu.vector_load %arg10[%swap3A_1049, %swap3A_1050] {strides = array<i32>} : memref<128x128xf32, #tpu.memory_space<vmem>>, vector<1x16xf32>,
        %swap3A_1052 = vector.shape_cast %swap3A_1051 : vector<1x16xf32> to vector<16xf32>
        %swap3A_1053 = vector.shape_cast %mul3A_1048 : vector<16xf32> to vector<1x16xf32>
        tpu.vector_store %arg10[%swap3A_1049, %swap3A_1050], %swap3A_1053 {strides = array<i32>} : memref<128x128xf32, #tpu.memory_space<vmem>>, vector<1x16xf32>,
        %get3A_1054 = arith.index_cast %add3A_998 : i32 to index
        %get3A_1055 = arith.constant 80 : index
        %get3A_1056 = tpu.vector_load %arg10[%get3A_1054, %get3A_1055] {strides = array<i32>} : memref<128x128xf32, #tpu.memory_space<vmem>>, vector<1x16xf32>,
        %get3A_1057 = vector.shape_cast %get3A_1056 : vector<1x16xf32> to vector<16xf32>
        %mul3A_1058 = vector.broadcast %squeeze3A_994 : f32 to vector<16xf32>
        %mul3A_1059 = arith.mulf %get3A_1057, %mul3A_1058 : vector<16xf32>
        %swap3A_1060 = arith.index_cast %add3A_998 : i32 to index
        %swap3A_1061 = arith.constant 80 : index
        %swap3A_1062 = tpu.vector_load %arg10[%swap3A_1060, %swap3A_1061] {strides = array<i32>} : memref<128x128xf32, #tpu.memory_space<vmem>>, vector<1x16xf32>,
        %swap3A_1063 = vector.shape_cast %swap3A_1062 : vector<1x16xf32> to vector<16xf32>
        %swap3A_1064 = vector.shape_cast %mul3A_1059 : vector<16xf32> to vector<1x16xf32>
        tpu.vector_store %arg10[%swap3A_1060, %swap3A_1061], %swap3A_1064 {strides = array<i32>} : memref<128x128xf32, #tpu.memory_space<vmem>>, vector<1x16xf32>,
        %get3A_1065 = arith.index_cast %add3A_998 : i32 to index
        %get3A_1066 = arith.constant 96 : index
        %get3A_1067 = tpu.vector_load %arg10[%get3A_1065, %get3A_1066] {strides = array<i32>} : memref<128x128xf32, #tpu.memory_space<vmem>>, vector<1x16xf32>,
        %get3A_1068 = vector.shape_cast %get3A_1067 : vector<1x16xf32> to vector<16xf32>
        %mul3A_1069 = vector.broadcast %squeeze3A_994 : f32 to vector<16xf32>
        %mul3A_1070 = arith.mulf %get3A_1068, %mul3A_1069 : vector<16xf32>
        %swap3A_1071 = arith.index_cast %add3A_998 : i32 to index
        %swap3A_1072 = arith.constant 96 : index
        %swap3A_1073 = tpu.vector_load %arg10[%swap3A_1071, %swap3A_1072] {strides = array<i32>} : memref<128x128xf32, #tpu.memory_space<vmem>>, vector<1x16xf32>,
        %swap3A_1074 = vector.shape_cast %swap3A_1073 : vector<1x16xf32> to vector<16xf32>
        %swap3A_1075 = vector.shape_cast %mul3A_1070 : vector<16xf32> to vector<1x16xf32>
        tpu.vector_store %arg10[%swap3A_1071, %swap3A_1072], %swap3A_1075 {strides = array<i32>} : memref<128x128xf32, #tpu.memory_space<vmem>>, vector<1x16xf32>,
        %get3A_1076 = arith.index_cast %add3A_998 : i32 to index
        %get3A_1077 = arith.constant 112 : index
        %get3A_1078 = tpu.vector_load %arg10[%get3A_1076, %get3A_1077] {strides = array<i32>} : memref<128x128xf32, #tpu.memory_space<vmem>>, vector<1x16xf32>,
        %get3A_1079 = vector.shape_cast %get3A_1078 : vector<1x16xf32> to vector<16xf32>
        %mul3A_1080 = vector.broadcast %squeeze3A_994 : f32 to vector<16xf32>
        %mul3A_1081 = arith.mulf %get3A_1079, %mul3A_1080 : vector<16xf32>
        %swap3A_1082 = arith.index_cast %add3A_998 : i32 to index
        %swap3A_1083 = arith.constant 112 : index
        %swap3A_1084 = tpu.vector_load %arg10[%swap3A_1082, %swap3A_1083] {strides = array<i32>} : memref<128x128xf32, #tpu.memory_space<vmem>>, vector<1x16xf32>,
        %swap3A_1085 = vector.shape_cast %swap3A_1084 : vector<1x16xf32> to vector<16xf32>
        %swap3A_1086 = vector.shape_cast %mul3A_1081 : vector<16xf32> to vector<1x16xf32>
        tpu.vector_store %arg10[%swap3A_1082, %swap3A_1083], %swap3A_1086 {strides = array<i32>} : memref<128x128xf32, #tpu.memory_space<vmem>>, vector<1x16xf32>,
        %slice3A_1087 = vector.extract_strided_slice %get3A_55 {offsets = [11], sizes = [1], strides = [1]} : vector<16xf32> to vector<1xf32>
        %squeeze3A_1088 = vector.extract %slice3A_1087[0] : f32 from vector<1xf32>
        %mul3A_1089 = arith.constant 16 : i32
        %mul3A_1090 = arith.muli %scan3A_50, %mul3A_1089 : i32
        %add3A_1091 = arith.constant 11 : i32
        %add3A_1092 = arith.addi %mul3A_1090, %add3A_1091 : i32
        %get3A_1093 = arith.index_cast %add3A_1092 : i32 to index
        %get3A_1094 = arith.constant 0 : index
        %get3A_1095 = tpu.vector_load %arg10[%get3A_1093, %get3A_1094] {strides = array<i32>} : memref<128x128xf32, #tpu.memory_space<vmem>>, vector<1x16xf32>,
        %get3A_1096 = vector.shape_cast %get3A_1095 : vector<1x16xf32> to vector<16xf32>
        %mul3A_1097 = vector.broadcast %squeeze3A_1088 : f32 to vector<16xf32>
        %mul3A_1098 = arith.mulf %get3A_1096, %mul3A_1097 : vector<16xf32>
        %swap3A_1099 = arith.index_cast %add3A_1092 : i32 to index
        %swap3A_1100 = arith.constant 0 : index
        %swap3A_1101 = tpu.vector_load %arg10[%swap3A_1099, %swap3A_1100] {strides = array<i32>} : memref<128x128xf32, #tpu.memory_space<vmem>>, vector<1x16xf32>,
        %swap3A_1102 = vector.shape_cast %swap3A_1101 : vector<1x16xf32> to vector<16xf32>
        %swap3A_1103 = vector.shape_cast %mul3A_1098 : vector<16xf32> to vector<1x16xf32>
        tpu.vector_store %arg10[%swap3A_1099, %swap3A_1100], %swap3A_1103 {strides = array<i32>} : memref<128x128xf32, #tpu.memory_space<vmem>>, vector<1x16xf32>,
        %get3A_1104 = arith.index_cast %add3A_1092 : i32 to index
        %get3A_1105 = arith.constant 16 : index
        %get3A_1106 = tpu.vector_load %arg10[%get3A_1104, %get3A_1105] {strides = array<i32>} : memref<128x128xf32, #tpu.memory_space<vmem>>, vector<1x16xf32>,
        %get3A_1107 = vector.shape_cast %get3A_1106 : vector<1x16xf32> to vector<16xf32>
        %mul3A_1108 = vector.broadcast %squeeze3A_1088 : f32 to vector<16xf32>
        %mul3A_1109 = arith.mulf %get3A_1107, %mul3A_1108 : vector<16xf32>
        %swap3A_1110 = arith.index_cast %add3A_1092 : i32 to index
        %swap3A_1111 = arith.constant 16 : index
        %swap3A_1112 = tpu.vector_load %arg10[%swap3A_1110, %swap3A_1111] {strides = array<i32>} : memref<128x128xf32, #tpu.memory_space<vmem>>, vector<1x16xf32>,
        %swap3A_1113 = vector.shape_cast %swap3A_1112 : vector<1x16xf32> to vector<16xf32>
        %swap3A_1114 = vector.shape_cast %mul3A_1109 : vector<16xf32> to vector<1x16xf32>
        tpu.vector_store %arg10[%swap3A_1110, %swap3A_1111], %swap3A_1114 {strides = array<i32>} : memref<128x128xf32, #tpu.memory_space<vmem>>, vector<1x16xf32>,
        %get3A_1115 = arith.index_cast %add3A_1092 : i32 to index
        %get3A_1116 = arith.constant 32 : index
        %get3A_1117 = tpu.vector_load %arg10[%get3A_1115, %get3A_1116] {strides = array<i32>} : memref<128x128xf32, #tpu.memory_space<vmem>>, vector<1x16xf32>,
        %get3A_1118 = vector.shape_cast %get3A_1117 : vector<1x16xf32> to vector<16xf32>
        %mul3A_1119 = vector.broadcast %squeeze3A_1088 : f32 to vector<16xf32>
        %mul3A_1120 = arith.mulf %get3A_1118, %mul3A_1119 : vector<16xf32>
        %swap3A_1121 = arith.index_cast %add3A_1092 : i32 to index
        %swap3A_1122 = arith.constant 32 : index
        %swap3A_1123 = tpu.vector_load %arg10[%swap3A_1121, %swap3A_1122] {strides = array<i32>} : memref<128x128xf32, #tpu.memory_space<vmem>>, vector<1x16xf32>,
        %swap3A_1124 = vector.shape_cast %swap3A_1123 : vector<1x16xf32> to vector<16xf32>
        %swap3A_1125 = vector.shape_cast %mul3A_1120 : vector<16xf32> to vector<1x16xf32>
        tpu.vector_store %arg10[%swap3A_1121, %swap3A_1122], %swap3A_1125 {strides = array<i32>} : memref<128x128xf32, #tpu.memory_space<vmem>>, vector<1x16xf32>,
        %get3A_1126 = arith.index_cast %add3A_1092 : i32 to index
        %get3A_1127 = arith.constant 48 : index
        %get3A_1128 = tpu.vector_load %arg10[%get3A_1126, %get3A_1127] {strides = array<i32>} : memref<128x128xf32, #tpu.memory_space<vmem>>, vector<1x16xf32>,
        %get3A_1129 = vector.shape_cast %get3A_1128 : vector<1x16xf32> to vector<16xf32>
        %mul3A_1130 = vector.broadcast %squeeze3A_1088 : f32 to vector<16xf32>
        %mul3A_1131 = arith.mulf %get3A_1129, %mul3A_1130 : vector<16xf32>
        %swap3A_1132 = arith.index_cast %add3A_1092 : i32 to index
        %swap3A_1133 = arith.constant 48 : index
        %swap3A_1134 = tpu.vector_load %arg10[%swap3A_1132, %swap3A_1133] {strides = array<i32>} : memref<128x128xf32, #tpu.memory_space<vmem>>, vector<1x16xf32>,
        %swap3A_1135 = vector.shape_cast %swap3A_1134 : vector<1x16xf32> to vector<16xf32>
        %swap3A_1136 = vector.shape_cast %mul3A_1131 : vector<16xf32> to vector<1x16xf32>
        tpu.vector_store %arg10[%swap3A_1132, %swap3A_1133], %swap3A_1136 {strides = array<i32>} : memref<128x128xf32, #tpu.memory_space<vmem>>, vector<1x16xf32>,
        %get3A_1137 = arith.index_cast %add3A_1092 : i32 to index
        %get3A_1138 = arith.constant 64 : index
        %get3A_1139 = tpu.vector_load %arg10[%get3A_1137, %get3A_1138] {strides = array<i32>} : memref<128x128xf32, #tpu.memory_space<vmem>>, vector<1x16xf32>,
        %get3A_1140 = vector.shape_cast %get3A_1139 : vector<1x16xf32> to vector<16xf32>
        %mul3A_1141 = vector.broadcast %squeeze3A_1088 : f32 to vector<16xf32>
        %mul3A_1142 = arith.mulf %get3A_1140, %mul3A_1141 : vector<16xf32>
        %swap3A_1143 = arith.index_cast %add3A_1092 : i32 to index
        %swap3A_1144 = arith.constant 64 : index
        %swap3A_1145 = tpu.vector_load %arg10[%swap3A_1143, %swap3A_1144] {strides = array<i32>} : memref<128x128xf32, #tpu.memory_space<vmem>>, vector<1x16xf32>,
        %swap3A_1146 = vector.shape_cast %swap3A_1145 : vector<1x16xf32> to vector<16xf32>
        %swap3A_1147 = vector.shape_cast %mul3A_1142 : vector<16xf32> to vector<1x16xf32>
        tpu.vector_store %arg10[%swap3A_1143, %swap3A_1144], %swap3A_1147 {strides = array<i32>} : memref<128x128xf32, #tpu.memory_space<vmem>>, vector<1x16xf32>,
        %get3A_1148 = arith.index_cast %add3A_1092 : i32 to index
        %get3A_1149 = arith.constant 80 : index
        %get3A_1150 = tpu.vector_load %arg10[%get3A_1148, %get3A_1149] {strides = array<i32>} : memref<128x128xf32, #tpu.memory_space<vmem>>, vector<1x16xf32>,
        %get3A_1151 = vector.shape_cast %get3A_1150 : vector<1x16xf32> to vector<16xf32>
        %mul3A_1152 = vector.broadcast %squeeze3A_1088 : f32 to vector<16xf32>
        %mul3A_1153 = arith.mulf %get3A_1151, %mul3A_1152 : vector<16xf32>
        %swap3A_1154 = arith.index_cast %add3A_1092 : i32 to index
        %swap3A_1155 = arith.constant 80 : index
        %swap3A_1156 = tpu.vector_load %arg10[%swap3A_1154, %swap3A_1155] {strides = array<i32>} : memref<128x128xf32, #tpu.memory_space<vmem>>, vector<1x16xf32>,
        %swap3A_1157 = vector.shape_cast %swap3A_1156 : vector<1x16xf32> to vector<16xf32>
        %swap3A_1158 = vector.shape_cast %mul3A_1153 : vector<16xf32> to vector<1x16xf32>
        tpu.vector_store %arg10[%swap3A_1154, %swap3A_1155], %swap3A_1158 {strides = array<i32>} : memref<128x128xf32, #tpu.memory_space<vmem>>, vector<1x16xf32>,
        %get3A_1159 = arith.index_cast %add3A_1092 : i32 to index
        %get3A_1160 = arith.constant 96 : index
        %get3A_1161 = tpu.vector_load %arg10[%get3A_1159, %get3A_1160] {strides = array<i32>} : memref<128x128xf32, #tpu.memory_space<vmem>>, vector<1x16xf32>,
        %get3A_1162 = vector.shape_cast %get3A_1161 : vector<1x16xf32> to vector<16xf32>
        %mul3A_1163 = vector.broadcast %squeeze3A_1088 : f32 to vector<16xf32>
        %mul3A_1164 = arith.mulf %get3A_1162, %mul3A_1163 : vector<16xf32>
        %swap3A_1165 = arith.index_cast %add3A_1092 : i32 to index
        %swap3A_1166 = arith.constant 96 : index
        %swap3A_1167 = tpu.vector_load %arg10[%swap3A_1165, %swap3A_1166] {strides = array<i32>} : memref<128x128xf32, #tpu.memory_space<vmem>>, vector<1x16xf32>,
        %swap3A_1168 = vector.shape_cast %swap3A_1167 : vector<1x16xf32> to vector<16xf32>
        %swap3A_1169 = vector.shape_cast %mul3A_1164 : vector<16xf32> to vector<1x16xf32>
        tpu.vector_store %arg10[%swap3A_1165, %swap3A_1166], %swap3A_1169 {strides = array<i32>} : memref<128x128xf32, #tpu.memory_space<vmem>>, vector<1x16xf32>,
        %get3A_1170 = arith.index_cast %add3A_1092 : i32 to index
        %get3A_1171 = arith.constant 112 : index
        %get3A_1172 = tpu.vector_load %arg10[%get3A_1170, %get3A_1171] {strides = array<i32>} : memref<128x128xf32, #tpu.memory_space<vmem>>, vector<1x16xf32>,
        %get3A_1173 = vector.shape_cast %get3A_1172 : vector<1x16xf32> to vector<16xf32>
        %mul3A_1174 = vector.broadcast %squeeze3A_1088 : f32 to vector<16xf32>
        %mul3A_1175 = arith.mulf %get3A_1173, %mul3A_1174 : vector<16xf32>
        %swap3A_1176 = arith.index_cast %add3A_1092 : i32 to index
        %swap3A_1177 = arith.constant 112 : index
        %swap3A_1178 = tpu.vector_load %arg10[%swap3A_1176, %swap3A_1177] {strides = array<i32>} : memref<128x128xf32, #tpu.memory_space<vmem>>, vector<1x16xf32>,
        %swap3A_1179 = vector.shape_cast %swap3A_1178 : vector<1x16xf32> to vector<16xf32>
        %swap3A_1180 = vector.shape_cast %mul3A_1175 : vector<16xf32> to vector<1x16xf32>
        tpu.vector_store %arg10[%swap3A_1176, %swap3A_1177], %swap3A_1180 {strides = array<i32>} : memref<128x128xf32, #tpu.memory_space<vmem>>, vector<1x16xf32>,
        %slice3A_1181 = vector.extract_strided_slice %get3A_55 {offsets = [12], sizes = [1], strides = [1]} : vector<16xf32> to vector<1xf32>
        %squeeze3A_1182 = vector.extract %slice3A_1181[0] : f32 from vector<1xf32>
        %mul3A_1183 = arith.constant 16 : i32
        %mul3A_1184 = arith.muli %scan3A_50, %mul3A_1183 : i32
        %add3A_1185 = arith.constant 12 : i32
        %add3A_1186 = arith.addi %mul3A_1184, %add3A_1185 : i32
        %get3A_1187 = arith.index_cast %add3A_1186 : i32 to index
        %get3A_1188 = arith.constant 0 : index
        %get3A_1189 = tpu.vector_load %arg10[%get3A_1187, %get3A_1188] {strides = array<i32>} : memref<128x128xf32, #tpu.memory_space<vmem>>, vector<1x16xf32>,
        %get3A_1190 = vector.shape_cast %get3A_1189 : vector<1x16xf32> to vector<16xf32>
        %mul3A_1191 = vector.broadcast %squeeze3A_1182 : f32 to vector<16xf32>
        %mul3A_1192 = arith.mulf %get3A_1190, %mul3A_1191 : vector<16xf32>
        %swap3A_1193 = arith.index_cast %add3A_1186 : i32 to index
        %swap3A_1194 = arith.constant 0 : index
        %swap3A_1195 = tpu.vector_load %arg10[%swap3A_1193, %swap3A_1194] {strides = array<i32>} : memref<128x128xf32, #tpu.memory_space<vmem>>, vector<1x16xf32>,
        %swap3A_1196 = vector.shape_cast %swap3A_1195 : vector<1x16xf32> to vector<16xf32>
        %swap3A_1197 = vector.shape_cast %mul3A_1192 : vector<16xf32> to vector<1x16xf32>
        tpu.vector_store %arg10[%swap3A_1193, %swap3A_1194], %swap3A_1197 {strides = array<i32>} : memref<128x128xf32, #tpu.memory_space<vmem>>, vector<1x16xf32>,
        %get3A_1198 = arith.index_cast %add3A_1186 : i32 to index
        %get3A_1199 = arith.constant 16 : index
        %get3A_1200 = tpu.vector_load %arg10[%get3A_1198, %get3A_1199] {strides = array<i32>} : memref<128x128xf32, #tpu.memory_space<vmem>>, vector<1x16xf32>,
        %get3A_1201 = vector.shape_cast %get3A_1200 : vector<1x16xf32> to vector<16xf32>
        %mul3A_1202 = vector.broadcast %squeeze3A_1182 : f32 to vector<16xf32>
        %mul3A_1203 = arith.mulf %get3A_1201, %mul3A_1202 : vector<16xf32>
        %swap3A_1204 = arith.index_cast %add3A_1186 : i32 to index
        %swap3A_1205 = arith.constant 16 : index
        %swap3A_1206 = tpu.vector_load %arg10[%swap3A_1204, %swap3A_1205] {strides = array<i32>} : memref<128x128xf32, #tpu.memory_space<vmem>>, vector<1x16xf32>,
        %swap3A_1207 = vector.shape_cast %swap3A_1206 : vector<1x16xf32> to vector<16xf32>
        %swap3A_1208 = vector.shape_cast %mul3A_1203 : vector<16xf32> to vector<1x16xf32>
        tpu.vector_store %arg10[%swap3A_1204, %swap3A_1205], %swap3A_1208 {strides = array<i32>} : memref<128x128xf32, #tpu.memory_space<vmem>>, vector<1x16xf32>,
        %get3A_1209 = arith.index_cast %add3A_1186 : i32 to index
        %get3A_1210 = arith.constant 32 : index
        %get3A_1211 = tpu.vector_load %arg10[%get3A_1209, %get3A_1210] {strides = array<i32>} : memref<128x128xf32, #tpu.memory_space<vmem>>, vector<1x16xf32>,
        %get3A_1212 = vector.shape_cast %get3A_1211 : vector<1x16xf32> to vector<16xf32>
        %mul3A_1213 = vector.broadcast %squeeze3A_1182 : f32 to vector<16xf32>
        %mul3A_1214 = arith.mulf %get3A_1212, %mul3A_1213 : vector<16xf32>
        %swap3A_1215 = arith.index_cast %add3A_1186 : i32 to index
        %swap3A_1216 = arith.constant 32 : index
        %swap3A_1217 = tpu.vector_load %arg10[%swap3A_1215, %swap3A_1216] {strides = array<i32>} : memref<128x128xf32, #tpu.memory_space<vmem>>, vector<1x16xf32>,
        %swap3A_1218 = vector.shape_cast %swap3A_1217 : vector<1x16xf32> to vector<16xf32>
        %swap3A_1219 = vector.shape_cast %mul3A_1214 : vector<16xf32> to vector<1x16xf32>
        tpu.vector_store %arg10[%swap3A_1215, %swap3A_1216], %swap3A_1219 {strides = array<i32>} : memref<128x128xf32, #tpu.memory_space<vmem>>, vector<1x16xf32>,
        %get3A_1220 = arith.index_cast %add3A_1186 : i32 to index
        %get3A_1221 = arith.constant 48 : index
        %get3A_1222 = tpu.vector_load %arg10[%get3A_1220, %get3A_1221] {strides = array<i32>} : memref<128x128xf32, #tpu.memory_space<vmem>>, vector<1x16xf32>,
        %get3A_1223 = vector.shape_cast %get3A_1222 : vector<1x16xf32> to vector<16xf32>
        %mul3A_1224 = vector.broadcast %squeeze3A_1182 : f32 to vector<16xf32>
        %mul3A_1225 = arith.mulf %get3A_1223, %mul3A_1224 : vector<16xf32>
        %swap3A_1226 = arith.index_cast %add3A_1186 : i32 to index
        %swap3A_1227 = arith.constant 48 : index
        %swap3A_1228 = tpu.vector_load %arg10[%swap3A_1226, %swap3A_1227] {strides = array<i32>} : memref<128x128xf32, #tpu.memory_space<vmem>>, vector<1x16xf32>,
        %swap3A_1229 = vector.shape_cast %swap3A_1228 : vector<1x16xf32> to vector<16xf32>
        %swap3A_1230 = vector.shape_cast %mul3A_1225 : vector<16xf32> to vector<1x16xf32>
        tpu.vector_store %arg10[%swap3A_1226, %swap3A_1227], %swap3A_1230 {strides = array<i32>} : memref<128x128xf32, #tpu.memory_space<vmem>>, vector<1x16xf32>,
        %get3A_1231 = arith.index_cast %add3A_1186 : i32 to index
        %get3A_1232 = arith.constant 64 : index
        %get3A_1233 = tpu.vector_load %arg10[%get3A_1231, %get3A_1232] {strides = array<i32>} : memref<128x128xf32, #tpu.memory_space<vmem>>, vector<1x16xf32>,
        %get3A_1234 = vector.shape_cast %get3A_1233 : vector<1x16xf32> to vector<16xf32>
        %mul3A_1235 = vector.broadcast %squeeze3A_1182 : f32 to vector<16xf32>
        %mul3A_1236 = arith.mulf %get3A_1234, %mul3A_1235 : vector<16xf32>
        %swap3A_1237 = arith.index_cast %add3A_1186 : i32 to index
        %swap3A_1238 = arith.constant 64 : index
        %swap3A_1239 = tpu.vector_load %arg10[%swap3A_1237, %swap3A_1238] {strides = array<i32>} : memref<128x128xf32, #tpu.memory_space<vmem>>, vector<1x16xf32>,
        %swap3A_1240 = vector.shape_cast %swap3A_1239 : vector<1x16xf32> to vector<16xf32>
        %swap3A_1241 = vector.shape_cast %mul3A_1236 : vector<16xf32> to vector<1x16xf32>
        tpu.vector_store %arg10[%swap3A_1237, %swap3A_1238], %swap3A_1241 {strides = array<i32>} : memref<128x128xf32, #tpu.memory_space<vmem>>, vector<1x16xf32>,
        %get3A_1242 = arith.index_cast %add3A_1186 : i32 to index
        %get3A_1243 = arith.constant 80 : index
        %get3A_1244 = tpu.vector_load %arg10[%get3A_1242, %get3A_1243] {strides = array<i32>} : memref<128x128xf32, #tpu.memory_space<vmem>>, vector<1x16xf32>,
        %get3A_1245 = vector.shape_cast %get3A_1244 : vector<1x16xf32> to vector<16xf32>
        %mul3A_1246 = vector.broadcast %squeeze3A_1182 : f32 to vector<16xf32>
        %mul3A_1247 = arith.mulf %get3A_1245, %mul3A_1246 : vector<16xf32>
        %swap3A_1248 = arith.index_cast %add3A_1186 : i32 to index
        %swap3A_1249 = arith.constant 80 : index
        %swap3A_1250 = tpu.vector_load %arg10[%swap3A_1248, %swap3A_1249] {strides = array<i32>} : memref<128x128xf32, #tpu.memory_space<vmem>>, vector<1x16xf32>,
        %swap3A_1251 = vector.shape_cast %swap3A_1250 : vector<1x16xf32> to vector<16xf32>
        %swap3A_1252 = vector.shape_cast %mul3A_1247 : vector<16xf32> to vector<1x16xf32>
        tpu.vector_store %arg10[%swap3A_1248, %swap3A_1249], %swap3A_1252 {strides = array<i32>} : memref<128x128xf32, #tpu.memory_space<vmem>>, vector<1x16xf32>,
        %get3A_1253 = arith.index_cast %add3A_1186 : i32 to index
        %get3A_1254 = arith.constant 96 : index
        %get3A_1255 = tpu.vector_load %arg10[%get3A_1253, %get3A_1254] {strides = array<i32>} : memref<128x128xf32, #tpu.memory_space<vmem>>, vector<1x16xf32>,
        %get3A_1256 = vector.shape_cast %get3A_1255 : vector<1x16xf32> to vector<16xf32>
        %mul3A_1257 = vector.broadcast %squeeze3A_1182 : f32 to vector<16xf32>
        %mul3A_1258 = arith.mulf %get3A_1256, %mul3A_1257 : vector<16xf32>
        %swap3A_1259 = arith.index_cast %add3A_1186 : i32 to index
        %swap3A_1260 = arith.constant 96 : index
        %swap3A_1261 = tpu.vector_load %arg10[%swap3A_1259, %swap3A_1260] {strides = array<i32>} : memref<128x128xf32, #tpu.memory_space<vmem>>, vector<1x16xf32>,
        %swap3A_1262 = vector.shape_cast %swap3A_1261 : vector<1x16xf32> to vector<16xf32>
        %swap3A_1263 = vector.shape_cast %mul3A_1258 : vector<16xf32> to vector<1x16xf32>
        tpu.vector_store %arg10[%swap3A_1259, %swap3A_1260], %swap3A_1263 {strides = array<i32>} : memref<128x128xf32, #tpu.memory_space<vmem>>, vector<1x16xf32>,
        %get3A_1264 = arith.index_cast %add3A_1186 : i32 to index
        %get3A_1265 = arith.constant 112 : index
        %get3A_1266 = tpu.vector_load %arg10[%get3A_1264, %get3A_1265] {strides = array<i32>} : memref<128x128xf32, #tpu.memory_space<vmem>>, vector<1x16xf32>,
        %get3A_1267 = vector.shape_cast %get3A_1266 : vector<1x16xf32> to vector<16xf32>
        %mul3A_1268 = vector.broadcast %squeeze3A_1182 : f32 to vector<16xf32>
        %mul3A_1269 = arith.mulf %get3A_1267, %mul3A_1268 : vector<16xf32>
        %swap3A_1270 = arith.index_cast %add3A_1186 : i32 to index
        %swap3A_1271 = arith.constant 112 : index
        %swap3A_1272 = tpu.vector_load %arg10[%swap3A_1270, %swap3A_1271] {strides = array<i32>} : memref<128x128xf32, #tpu.memory_space<vmem>>, vector<1x16xf32>,
        %swap3A_1273 = vector.shape_cast %swap3A_1272 : vector<1x16xf32> to vector<16xf32>
        %swap3A_1274 = vector.shape_cast %mul3A_1269 : vector<16xf32> to vector<1x16xf32>
        tpu.vector_store %arg10[%swap3A_1270, %swap3A_1271], %swap3A_1274 {strides = array<i32>} : memref<128x128xf32, #tpu.memory_space<vmem>>, vector<1x16xf32>,
        %slice3A_1275 = vector.extract_strided_slice %get3A_55 {offsets = [13], sizes = [1], strides = [1]} : vector<16xf32> to vector<1xf32>
        %squeeze3A_1276 = vector.extract %slice3A_1275[0] : f32 from vector<1xf32>
        %mul3A_1277 = arith.constant 16 : i32
        %mul3A_1278 = arith.muli %scan3A_50, %mul3A_1277 : i32
        %add3A_1279 = arith.constant 13 : i32
        %add3A_1280 = arith.addi %mul3A_1278, %add3A_1279 : i32
        %get3A_1281 = arith.index_cast %add3A_1280 : i32 to index
        %get3A_1282 = arith.constant 0 : index
        %get3A_1283 = tpu.vector_load %arg10[%get3A_1281, %get3A_1282] {strides = array<i32>} : memref<128x128xf32, #tpu.memory_space<vmem>>, vector<1x16xf32>,
        %get3A_1284 = vector.shape_cast %get3A_1283 : vector<1x16xf32> to vector<16xf32>
        %mul3A_1285 = vector.broadcast %squeeze3A_1276 : f32 to vector<16xf32>
        %mul3A_1286 = arith.mulf %get3A_1284, %mul3A_1285 : vector<16xf32>
        %swap3A_1287 = arith.index_cast %add3A_1280 : i32 to index
        %swap3A_1288 = arith.constant 0 : index
        %swap3A_1289 = tpu.vector_load %arg10[%swap3A_1287, %swap3A_1288] {strides = array<i32>} : memref<128x128xf32, #tpu.memory_space<vmem>>, vector<1x16xf32>,
        %swap3A_1290 = vector.shape_cast %swap3A_1289 : vector<1x16xf32> to vector<16xf32>
        %swap3A_1291 = vector.shape_cast %mul3A_1286 : vector<16xf32> to vector<1x16xf32>
        tpu.vector_store %arg10[%swap3A_1287, %swap3A_1288], %swap3A_1291 {strides = array<i32>} : memref<128x128xf32, #tpu.memory_space<vmem>>, vector<1x16xf32>,
        %get3A_1292 = arith.index_cast %add3A_1280 : i32 to index
        %get3A_1293 = arith.constant 16 : index
        %get3A_1294 = tpu.vector_load %arg10[%get3A_1292, %get3A_1293] {strides = array<i32>} : memref<128x128xf32, #tpu.memory_space<vmem>>, vector<1x16xf32>,
        %get3A_1295 = vector.shape_cast %get3A_1294 : vector<1x16xf32> to vector<16xf32>
        %mul3A_1296 = vector.broadcast %squeeze3A_1276 : f32 to vector<16xf32>
        %mul3A_1297 = arith.mulf %get3A_1295, %mul3A_1296 : vector<16xf32>
        %swap3A_1298 = arith.index_cast %add3A_1280 : i32 to index
        %swap3A_1299 = arith.constant 16 : index
        %swap3A_1300 = tpu.vector_load %arg10[%swap3A_1298, %swap3A_1299] {strides = array<i32>} : memref<128x128xf32, #tpu.memory_space<vmem>>, vector<1x16xf32>,
        %swap3A_1301 = vector.shape_cast %swap3A_1300 : vector<1x16xf32> to vector<16xf32>
        %swap3A_1302 = vector.shape_cast %mul3A_1297 : vector<16xf32> to vector<1x16xf32>
        tpu.vector_store %arg10[%swap3A_1298, %swap3A_1299], %swap3A_1302 {strides = array<i32>} : memref<128x128xf32, #tpu.memory_space<vmem>>, vector<1x16xf32>,
        %get3A_1303 = arith.index_cast %add3A_1280 : i32 to index
        %get3A_1304 = arith.constant 32 : index
        %get3A_1305 = tpu.vector_load %arg10[%get3A_1303, %get3A_1304] {strides = array<i32>} : memref<128x128xf32, #tpu.memory_space<vmem>>, vector<1x16xf32>,
        %get3A_1306 = vector.shape_cast %get3A_1305 : vector<1x16xf32> to vector<16xf32>
        %mul3A_1307 = vector.broadcast %squeeze3A_1276 : f32 to vector<16xf32>
        %mul3A_1308 = arith.mulf %get3A_1306, %mul3A_1307 : vector<16xf32>
        %swap3A_1309 = arith.index_cast %add3A_1280 : i32 to index
        %swap3A_1310 = arith.constant 32 : index
        %swap3A_1311 = tpu.vector_load %arg10[%swap3A_1309, %swap3A_1310] {strides = array<i32>} : memref<128x128xf32, #tpu.memory_space<vmem>>, vector<1x16xf32>,
        %swap3A_1312 = vector.shape_cast %swap3A_1311 : vector<1x16xf32> to vector<16xf32>
        %swap3A_1313 = vector.shape_cast %mul3A_1308 : vector<16xf32> to vector<1x16xf32>
        tpu.vector_store %arg10[%swap3A_1309, %swap3A_1310], %swap3A_1313 {strides = array<i32>} : memref<128x128xf32, #tpu.memory_space<vmem>>, vector<1x16xf32>,
        %get3A_1314 = arith.index_cast %add3A_1280 : i32 to index
        %get3A_1315 = arith.constant 48 : index
        %get3A_1316 = tpu.vector_load %arg10[%get3A_1314, %get3A_1315] {strides = array<i32>} : memref<128x128xf32, #tpu.memory_space<vmem>>, vector<1x16xf32>,
        %get3A_1317 = vector.shape_cast %get3A_1316 : vector<1x16xf32> to vector<16xf32>
        %mul3A_1318 = vector.broadcast %squeeze3A_1276 : f32 to vector<16xf32>
        %mul3A_1319 = arith.mulf %get3A_1317, %mul3A_1318 : vector<16xf32>
        %swap3A_1320 = arith.index_cast %add3A_1280 : i32 to index
        %swap3A_1321 = arith.constant 48 : index
        %swap3A_1322 = tpu.vector_load %arg10[%swap3A_1320, %swap3A_1321] {strides = array<i32>} : memref<128x128xf32, #tpu.memory_space<vmem>>, vector<1x16xf32>,
        %swap3A_1323 = vector.shape_cast %swap3A_1322 : vector<1x16xf32> to vector<16xf32>
        %swap3A_1324 = vector.shape_cast %mul3A_1319 : vector<16xf32> to vector<1x16xf32>
        tpu.vector_store %arg10[%swap3A_1320, %swap3A_1321], %swap3A_1324 {strides = array<i32>} : memref<128x128xf32, #tpu.memory_space<vmem>>, vector<1x16xf32>,
        %get3A_1325 = arith.index_cast %add3A_1280 : i32 to index
        %get3A_1326 = arith.constant 64 : index
        %get3A_1327 = tpu.vector_load %arg10[%get3A_1325, %get3A_1326] {strides = array<i32>} : memref<128x128xf32, #tpu.memory_space<vmem>>, vector<1x16xf32>,
        %get3A_1328 = vector.shape_cast %get3A_1327 : vector<1x16xf32> to vector<16xf32>
        %mul3A_1329 = vector.broadcast %squeeze3A_1276 : f32 to vector<16xf32>
        %mul3A_1330 = arith.mulf %get3A_1328, %mul3A_1329 : vector<16xf32>
        %swap3A_1331 = arith.index_cast %add3A_1280 : i32 to index
        %swap3A_1332 = arith.constant 64 : index
        %swap3A_1333 = tpu.vector_load %arg10[%swap3A_1331, %swap3A_1332] {strides = array<i32>} : memref<128x128xf32, #tpu.memory_space<vmem>>, vector<1x16xf32>,
        %swap3A_1334 = vector.shape_cast %swap3A_1333 : vector<1x16xf32> to vector<16xf32>
        %swap3A_1335 = vector.shape_cast %mul3A_1330 : vector<16xf32> to vector<1x16xf32>
        tpu.vector_store %arg10[%swap3A_1331, %swap3A_1332], %swap3A_1335 {strides = array<i32>} : memref<128x128xf32, #tpu.memory_space<vmem>>, vector<1x16xf32>,
        %get3A_1336 = arith.index_cast %add3A_1280 : i32 to index
        %get3A_1337 = arith.constant 80 : index
        %get3A_1338 = tpu.vector_load %arg10[%get3A_1336, %get3A_1337] {strides = array<i32>} : memref<128x128xf32, #tpu.memory_space<vmem>>, vector<1x16xf32>,
        %get3A_1339 = vector.shape_cast %get3A_1338 : vector<1x16xf32> to vector<16xf32>
        %mul3A_1340 = vector.broadcast %squeeze3A_1276 : f32 to vector<16xf32>
        %mul3A_1341 = arith.mulf %get3A_1339, %mul3A_1340 : vector<16xf32>
        %swap3A_1342 = arith.index_cast %add3A_1280 : i32 to index
        %swap3A_1343 = arith.constant 80 : index
        %swap3A_1344 = tpu.vector_load %arg10[%swap3A_1342, %swap3A_1343] {strides = array<i32>} : memref<128x128xf32, #tpu.memory_space<vmem>>, vector<1x16xf32>,
        %swap3A_1345 = vector.shape_cast %swap3A_1344 : vector<1x16xf32> to vector<16xf32>
        %swap3A_1346 = vector.shape_cast %mul3A_1341 : vector<16xf32> to vector<1x16xf32>
        tpu.vector_store %arg10[%swap3A_1342, %swap3A_1343], %swap3A_1346 {strides = array<i32>} : memref<128x128xf32, #tpu.memory_space<vmem>>, vector<1x16xf32>,
        %get3A_1347 = arith.index_cast %add3A_1280 : i32 to index
        %get3A_1348 = arith.constant 96 : index
        %get3A_1349 = tpu.vector_load %arg10[%get3A_1347, %get3A_1348] {strides = array<i32>} : memref<128x128xf32, #tpu.memory_space<vmem>>, vector<1x16xf32>,
        %get3A_1350 = vector.shape_cast %get3A_1349 : vector<1x16xf32> to vector<16xf32>
        %mul3A_1351 = vector.broadcast %squeeze3A_1276 : f32 to vector<16xf32>
        %mul3A_1352 = arith.mulf %get3A_1350, %mul3A_1351 : vector<16xf32>
        %swap3A_1353 = arith.index_cast %add3A_1280 : i32 to index
        %swap3A_1354 = arith.constant 96 : index
        %swap3A_1355 = tpu.vector_load %arg10[%swap3A_1353, %swap3A_1354] {strides = array<i32>} : memref<128x128xf32, #tpu.memory_space<vmem>>, vector<1x16xf32>,
        %swap3A_1356 = vector.shape_cast %swap3A_1355 : vector<1x16xf32> to vector<16xf32>
        %swap3A_1357 = vector.shape_cast %mul3A_1352 : vector<16xf32> to vector<1x16xf32>
        tpu.vector_store %arg10[%swap3A_1353, %swap3A_1354], %swap3A_1357 {strides = array<i32>} : memref<128x128xf32, #tpu.memory_space<vmem>>, vector<1x16xf32>,
        %get3A_1358 = arith.index_cast %add3A_1280 : i32 to index
        %get3A_1359 = arith.constant 112 : index
        %get3A_1360 = tpu.vector_load %arg10[%get3A_1358, %get3A_1359] {strides = array<i32>} : memref<128x128xf32, #tpu.memory_space<vmem>>, vector<1x16xf32>,
        %get3A_1361 = vector.shape_cast %get3A_1360 : vector<1x16xf32> to vector<16xf32>
        %mul3A_1362 = vector.broadcast %squeeze3A_1276 : f32 to vector<16xf32>
        %mul3A_1363 = arith.mulf %get3A_1361, %mul3A_1362 : vector<16xf32>
        %swap3A_1364 = arith.index_cast %add3A_1280 : i32 to index
        %swap3A_1365 = arith.constant 112 : index
        %swap3A_1366 = tpu.vector_load %arg10[%swap3A_1364, %swap3A_1365] {strides = array<i32>} : memref<128x128xf32, #tpu.memory_space<vmem>>, vector<1x16xf32>,
        %swap3A_1367 = vector.shape_cast %swap3A_1366 : vector<1x16xf32> to vector<16xf32>
        %swap3A_1368 = vector.shape_cast %mul3A_1363 : vector<16xf32> to vector<1x16xf32>
        tpu.vector_store %arg10[%swap3A_1364, %swap3A_1365], %swap3A_1368 {strides = array<i32>} : memref<128x128xf32, #tpu.memory_space<vmem>>, vector<1x16xf32>,
        %slice3A_1369 = vector.extract_strided_slice %get3A_55 {offsets = [14], sizes = [1], strides = [1]} : vector<16xf32> to vector<1xf32>
        %squeeze3A_1370 = vector.extract %slice3A_1369[0] : f32 from vector<1xf32>
        %mul3A_1371 = arith.constant 16 : i32
        %mul3A_1372 = arith.muli %scan3A_50, %mul3A_1371 : i32
        %add3A_1373 = arith.constant 14 : i32
        %add3A_1374 = arith.addi %mul3A_1372, %add3A_1373 : i32
        %get3A_1375 = arith.index_cast %add3A_1374 : i32 to index
        %get3A_1376 = arith.constant 0 : index
        %get3A_1377 = tpu.vector_load %arg10[%get3A_1375, %get3A_1376] {strides = array<i32>} : memref<128x128xf32, #tpu.memory_space<vmem>>, vector<1x16xf32>,
        %get3A_1378 = vector.shape_cast %get3A_1377 : vector<1x16xf32> to vector<16xf32>
        %mul3A_1379 = vector.broadcast %squeeze3A_1370 : f32 to vector<16xf32>
        %mul3A_1380 = arith.mulf %get3A_1378, %mul3A_1379 : vector<16xf32>
        %swap3A_1381 = arith.index_cast %add3A_1374 : i32 to index
        %swap3A_1382 = arith.constant 0 : index
        %swap3A_1383 = tpu.vector_load %arg10[%swap3A_1381, %swap3A_1382] {strides = array<i32>} : memref<128x128xf32, #tpu.memory_space<vmem>>, vector<1x16xf32>,
        %swap3A_1384 = vector.shape_cast %swap3A_1383 : vector<1x16xf32> to vector<16xf32>
        %swap3A_1385 = vector.shape_cast %mul3A_1380 : vector<16xf32> to vector<1x16xf32>
        tpu.vector_store %arg10[%swap3A_1381, %swap3A_1382], %swap3A_1385 {strides = array<i32>} : memref<128x128xf32, #tpu.memory_space<vmem>>, vector<1x16xf32>,
        %get3A_1386 = arith.index_cast %add3A_1374 : i32 to index
        %get3A_1387 = arith.constant 16 : index
        %get3A_1388 = tpu.vector_load %arg10[%get3A_1386, %get3A_1387] {strides = array<i32>} : memref<128x128xf32, #tpu.memory_space<vmem>>, vector<1x16xf32>,
        %get3A_1389 = vector.shape_cast %get3A_1388 : vector<1x16xf32> to vector<16xf32>
        %mul3A_1390 = vector.broadcast %squeeze3A_1370 : f32 to vector<16xf32>
        %mul3A_1391 = arith.mulf %get3A_1389, %mul3A_1390 : vector<16xf32>
        %swap3A_1392 = arith.index_cast %add3A_1374 : i32 to index
        %swap3A_1393 = arith.constant 16 : index
        %swap3A_1394 = tpu.vector_load %arg10[%swap3A_1392, %swap3A_1393] {strides = array<i32>} : memref<128x128xf32, #tpu.memory_space<vmem>>, vector<1x16xf32>,
        %swap3A_1395 = vector.shape_cast %swap3A_1394 : vector<1x16xf32> to vector<16xf32>
        %swap3A_1396 = vector.shape_cast %mul3A_1391 : vector<16xf32> to vector<1x16xf32>
        tpu.vector_store %arg10[%swap3A_1392, %swap3A_1393], %swap3A_1396 {strides = array<i32>} : memref<128x128xf32, #tpu.memory_space<vmem>>, vector<1x16xf32>,
        %get3A_1397 = arith.index_cast %add3A_1374 : i32 to index
        %get3A_1398 = arith.constant 32 : index
        %get3A_1399 = tpu.vector_load %arg10[%get3A_1397, %get3A_1398] {strides = array<i32>} : memref<128x128xf32, #tpu.memory_space<vmem>>, vector<1x16xf32>,
        %get3A_1400 = vector.shape_cast %get3A_1399 : vector<1x16xf32> to vector<16xf32>
        %mul3A_1401 = vector.broadcast %squeeze3A_1370 : f32 to vector<16xf32>
        %mul3A_1402 = arith.mulf %get3A_1400, %mul3A_1401 : vector<16xf32>
        %swap3A_1403 = arith.index_cast %add3A_1374 : i32 to index
        %swap3A_1404 = arith.constant 32 : index
        %swap3A_1405 = tpu.vector_load %arg10[%swap3A_1403, %swap3A_1404] {strides = array<i32>} : memref<128x128xf32, #tpu.memory_space<vmem>>, vector<1x16xf32>,
        %swap3A_1406 = vector.shape_cast %swap3A_1405 : vector<1x16xf32> to vector<16xf32>
        %swap3A_1407 = vector.shape_cast %mul3A_1402 : vector<16xf32> to vector<1x16xf32>
        tpu.vector_store %arg10[%swap3A_1403, %swap3A_1404], %swap3A_1407 {strides = array<i32>} : memref<128x128xf32, #tpu.memory_space<vmem>>, vector<1x16xf32>,
        %get3A_1408 = arith.index_cast %add3A_1374 : i32 to index
        %get3A_1409 = arith.constant 48 : index
        %get3A_1410 = tpu.vector_load %arg10[%get3A_1408, %get3A_1409] {strides = array<i32>} : memref<128x128xf32, #tpu.memory_space<vmem>>, vector<1x16xf32>,
        %get3A_1411 = vector.shape_cast %get3A_1410 : vector<1x16xf32> to vector<16xf32>
        %mul3A_1412 = vector.broadcast %squeeze3A_1370 : f32 to vector<16xf32>
        %mul3A_1413 = arith.mulf %get3A_1411, %mul3A_1412 : vector<16xf32>
        %swap3A_1414 = arith.index_cast %add3A_1374 : i32 to index
        %swap3A_1415 = arith.constant 48 : index
        %swap3A_1416 = tpu.vector_load %arg10[%swap3A_1414, %swap3A_1415] {strides = array<i32>} : memref<128x128xf32, #tpu.memory_space<vmem>>, vector<1x16xf32>,
        %swap3A_1417 = vector.shape_cast %swap3A_1416 : vector<1x16xf32> to vector<16xf32>
        %swap3A_1418 = vector.shape_cast %mul3A_1413 : vector<16xf32> to vector<1x16xf32>
        tpu.vector_store %arg10[%swap3A_1414, %swap3A_1415], %swap3A_1418 {strides = array<i32>} : memref<128x128xf32, #tpu.memory_space<vmem>>, vector<1x16xf32>,
        %get3A_1419 = arith.index_cast %add3A_1374 : i32 to index
        %get3A_1420 = arith.constant 64 : index
        %get3A_1421 = tpu.vector_load %arg10[%get3A_1419, %get3A_1420] {strides = array<i32>} : memref<128x128xf32, #tpu.memory_space<vmem>>, vector<1x16xf32>,
        %get3A_1422 = vector.shape_cast %get3A_1421 : vector<1x16xf32> to vector<16xf32>
        %mul3A_1423 = vector.broadcast %squeeze3A_1370 : f32 to vector<16xf32>
        %mul3A_1424 = arith.mulf %get3A_1422, %mul3A_1423 : vector<16xf32>
        %swap3A_1425 = arith.index_cast %add3A_1374 : i32 to index
        %swap3A_1426 = arith.constant 64 : index
        %swap3A_1427 = tpu.vector_load %arg10[%swap3A_1425, %swap3A_1426] {strides = array<i32>} : memref<128x128xf32, #tpu.memory_space<vmem>>, vector<1x16xf32>,
        %swap3A_1428 = vector.shape_cast %swap3A_1427 : vector<1x16xf32> to vector<16xf32>
        %swap3A_1429 = vector.shape_cast %mul3A_1424 : vector<16xf32> to vector<1x16xf32>
        tpu.vector_store %arg10[%swap3A_1425, %swap3A_1426], %swap3A_1429 {strides = array<i32>} : memref<128x128xf32, #tpu.memory_space<vmem>>, vector<1x16xf32>,
        %get3A_1430 = arith.index_cast %add3A_1374 : i32 to index
        %get3A_1431 = arith.constant 80 : index
        %get3A_1432 = tpu.vector_load %arg10[%get3A_1430, %get3A_1431] {strides = array<i32>} : memref<128x128xf32, #tpu.memory_space<vmem>>, vector<1x16xf32>,
        %get3A_1433 = vector.shape_cast %get3A_1432 : vector<1x16xf32> to vector<16xf32>
        %mul3A_1434 = vector.broadcast %squeeze3A_1370 : f32 to vector<16xf32>
        %mul3A_1435 = arith.mulf %get3A_1433, %mul3A_1434 : vector<16xf32>
        %swap3A_1436 = arith.index_cast %add3A_1374 : i32 to index
        %swap3A_1437 = arith.constant 80 : index
        %swap3A_1438 = tpu.vector_load %arg10[%swap3A_1436, %swap3A_1437] {strides = array<i32>} : memref<128x128xf32, #tpu.memory_space<vmem>>, vector<1x16xf32>,
        %swap3A_1439 = vector.shape_cast %swap3A_1438 : vector<1x16xf32> to vector<16xf32>
        %swap3A_1440 = vector.shape_cast %mul3A_1435 : vector<16xf32> to vector<1x16xf32>
        tpu.vector_store %arg10[%swap3A_1436, %swap3A_1437], %swap3A_1440 {strides = array<i32>} : memref<128x128xf32, #tpu.memory_space<vmem>>, vector<1x16xf32>,
        %get3A_1441 = arith.index_cast %add3A_1374 : i32 to index
        %get3A_1442 = arith.constant 96 : index
        %get3A_1443 = tpu.vector_load %arg10[%get3A_1441, %get3A_1442] {strides = array<i32>} : memref<128x128xf32, #tpu.memory_space<vmem>>, vector<1x16xf32>,
        %get3A_1444 = vector.shape_cast %get3A_1443 : vector<1x16xf32> to vector<16xf32>
        %mul3A_1445 = vector.broadcast %squeeze3A_1370 : f32 to vector<16xf32>
        %mul3A_1446 = arith.mulf %get3A_1444, %mul3A_1445 : vector<16xf32>
        %swap3A_1447 = arith.index_cast %add3A_1374 : i32 to index
        %swap3A_1448 = arith.constant 96 : index
        %swap3A_1449 = tpu.vector_load %arg10[%swap3A_1447, %swap3A_1448] {strides = array<i32>} : memref<128x128xf32, #tpu.memory_space<vmem>>, vector<1x16xf32>,
        %swap3A_1450 = vector.shape_cast %swap3A_1449 : vector<1x16xf32> to vector<16xf32>
        %swap3A_1451 = vector.shape_cast %mul3A_1446 : vector<16xf32> to vector<1x16xf32>
        tpu.vector_store %arg10[%swap3A_1447, %swap3A_1448], %swap3A_1451 {strides = array<i32>} : memref<128x128xf32, #tpu.memory_space<vmem>>, vector<1x16xf32>,
        %get3A_1452 = arith.index_cast %add3A_1374 : i32 to index
        %get3A_1453 = arith.constant 112 : index
        %get3A_1454 = tpu.vector_load %arg10[%get3A_1452, %get3A_1453] {strides = array<i32>} : memref<128x128xf32, #tpu.memory_space<vmem>>, vector<1x16xf32>,
        %get3A_1455 = vector.shape_cast %get3A_1454 : vector<1x16xf32> to vector<16xf32>
        %mul3A_1456 = vector.broadcast %squeeze3A_1370 : f32 to vector<16xf32>
        %mul3A_1457 = arith.mulf %get3A_1455, %mul3A_1456 : vector<16xf32>
        %swap3A_1458 = arith.index_cast %add3A_1374 : i32 to index
        %swap3A_1459 = arith.constant 112 : index
        %swap3A_1460 = tpu.vector_load %arg10[%swap3A_1458, %swap3A_1459] {strides = array<i32>} : memref<128x128xf32, #tpu.memory_space<vmem>>, vector<1x16xf32>,
        %swap3A_1461 = vector.shape_cast %swap3A_1460 : vector<1x16xf32> to vector<16xf32>
        %swap3A_1462 = vector.shape_cast %mul3A_1457 : vector<16xf32> to vector<1x16xf32>
        tpu.vector_store %arg10[%swap3A_1458, %swap3A_1459], %swap3A_1462 {strides = array<i32>} : memref<128x128xf32, #tpu.memory_space<vmem>>, vector<1x16xf32>,
        %slice3A_1463 = vector.extract_strided_slice %get3A_55 {offsets = [15], sizes = [1], strides = [1]} : vector<16xf32> to vector<1xf32>
        %squeeze3A_1464 = vector.extract %slice3A_1463[0] : f32 from vector<1xf32>
        %mul3A_1465 = arith.constant 16 : i32
        %mul3A_1466 = arith.muli %scan3A_50, %mul3A_1465 : i32
        %add3A_1467 = arith.constant 15 : i32
        %add3A_1468 = arith.addi %mul3A_1466, %add3A_1467 : i32
        %get3A_1469 = arith.index_cast %add3A_1468 : i32 to index
        %get3A_1470 = arith.constant 0 : index
        %get3A_1471 = tpu.vector_load %arg10[%get3A_1469, %get3A_1470] {strides = array<i32>} : memref<128x128xf32, #tpu.memory_space<vmem>>, vector<1x16xf32>,
        %get3A_1472 = vector.shape_cast %get3A_1471 : vector<1x16xf32> to vector<16xf32>
        %mul3A_1473 = vector.broadcast %squeeze3A_1464 : f32 to vector<16xf32>
        %mul3A_1474 = arith.mulf %get3A_1472, %mul3A_1473 : vector<16xf32>
        %swap3A_1475 = arith.index_cast %add3A_1468 : i32 to index
        %swap3A_1476 = arith.constant 0 : index
        %swap3A_1477 = tpu.vector_load %arg10[%swap3A_1475, %swap3A_1476] {strides = array<i32>} : memref<128x128xf32, #tpu.memory_space<vmem>>, vector<1x16xf32>,
        %swap3A_1478 = vector.shape_cast %swap3A_1477 : vector<1x16xf32> to vector<16xf32>
        %swap3A_1479 = vector.shape_cast %mul3A_1474 : vector<16xf32> to vector<1x16xf32>
        tpu.vector_store %arg10[%swap3A_1475, %swap3A_1476], %swap3A_1479 {strides = array<i32>} : memref<128x128xf32, #tpu.memory_space<vmem>>, vector<1x16xf32>,
        %get3A_1480 = arith.index_cast %add3A_1468 : i32 to index
        %get3A_1481 = arith.constant 16 : index
        %get3A_1482 = tpu.vector_load %arg10[%get3A_1480, %get3A_1481] {strides = array<i32>} : memref<128x128xf32, #tpu.memory_space<vmem>>, vector<1x16xf32>,
        %get3A_1483 = vector.shape_cast %get3A_1482 : vector<1x16xf32> to vector<16xf32>
        %mul3A_1484 = vector.broadcast %squeeze3A_1464 : f32 to vector<16xf32>
        %mul3A_1485 = arith.mulf %get3A_1483, %mul3A_1484 : vector<16xf32>
        %swap3A_1486 = arith.index_cast %add3A_1468 : i32 to index
        %swap3A_1487 = arith.constant 16 : index
        %swap3A_1488 = tpu.vector_load %arg10[%swap3A_1486, %swap3A_1487] {strides = array<i32>} : memref<128x128xf32, #tpu.memory_space<vmem>>, vector<1x16xf32>,
        %swap3A_1489 = vector.shape_cast %swap3A_1488 : vector<1x16xf32> to vector<16xf32>
        %swap3A_1490 = vector.shape_cast %mul3A_1485 : vector<16xf32> to vector<1x16xf32>
        tpu.vector_store %arg10[%swap3A_1486, %swap3A_1487], %swap3A_1490 {strides = array<i32>} : memref<128x128xf32, #tpu.memory_space<vmem>>, vector<1x16xf32>,
        %get3A_1491 = arith.index_cast %add3A_1468 : i32 to index
        %get3A_1492 = arith.constant 32 : index
        %get3A_1493 = tpu.vector_load %arg10[%get3A_1491, %get3A_1492] {strides = array<i32>} : memref<128x128xf32, #tpu.memory_space<vmem>>, vector<1x16xf32>,
        %get3A_1494 = vector.shape_cast %get3A_1493 : vector<1x16xf32> to vector<16xf32>
        %mul3A_1495 = vector.broadcast %squeeze3A_1464 : f32 to vector<16xf32>
        %mul3A_1496 = arith.mulf %get3A_1494, %mul3A_1495 : vector<16xf32>
        %swap3A_1497 = arith.index_cast %add3A_1468 : i32 to index
        %swap3A_1498 = arith.constant 32 : index
        %swap3A_1499 = tpu.vector_load %arg10[%swap3A_1497, %swap3A_1498] {strides = array<i32>} : memref<128x128xf32, #tpu.memory_space<vmem>>, vector<1x16xf32>,
        %swap3A_1500 = vector.shape_cast %swap3A_1499 : vector<1x16xf32> to vector<16xf32>
        %swap3A_1501 = vector.shape_cast %mul3A_1496 : vector<16xf32> to vector<1x16xf32>
        tpu.vector_store %arg10[%swap3A_1497, %swap3A_1498], %swap3A_1501 {strides = array<i32>} : memref<128x128xf32, #tpu.memory_space<vmem>>, vector<1x16xf32>,
        %get3A_1502 = arith.index_cast %add3A_1468 : i32 to index
        %get3A_1503 = arith.constant 48 : index
        %get3A_1504 = tpu.vector_load %arg10[%get3A_1502, %get3A_1503] {strides = array<i32>} : memref<128x128xf32, #tpu.memory_space<vmem>>, vector<1x16xf32>,
        %get3A_1505 = vector.shape_cast %get3A_1504 : vector<1x16xf32> to vector<16xf32>
        %mul3A_1506 = vector.broadcast %squeeze3A_1464 : f32 to vector<16xf32>
        %mul3A_1507 = arith.mulf %get3A_1505, %mul3A_1506 : vector<16xf32>
        %swap3A_1508 = arith.index_cast %add3A_1468 : i32 to index
        %swap3A_1509 = arith.constant 48 : index
        %swap3A_1510 = tpu.vector_load %arg10[%swap3A_1508, %swap3A_1509] {strides = array<i32>} : memref<128x128xf32, #tpu.memory_space<vmem>>, vector<1x16xf32>,
        %swap3A_1511 = vector.shape_cast %swap3A_1510 : vector<1x16xf32> to vector<16xf32>
        %swap3A_1512 = vector.shape_cast %mul3A_1507 : vector<16xf32> to vector<1x16xf32>
        tpu.vector_store %arg10[%swap3A_1508, %swap3A_1509], %swap3A_1512 {strides = array<i32>} : memref<128x128xf32, #tpu.memory_space<vmem>>, vector<1x16xf32>,
        %get3A_1513 = arith.index_cast %add3A_1468 : i32 to index
        %get3A_1514 = arith.constant 64 : index
        %get3A_1515 = tpu.vector_load %arg10[%get3A_1513, %get3A_1514] {strides = array<i32>} : memref<128x128xf32, #tpu.memory_space<vmem>>, vector<1x16xf32>,
        %get3A_1516 = vector.shape_cast %get3A_1515 : vector<1x16xf32> to vector<16xf32>
        %mul3A_1517 = vector.broadcast %squeeze3A_1464 : f32 to vector<16xf32>
        %mul3A_1518 = arith.mulf %get3A_1516, %mul3A_1517 : vector<16xf32>
        %swap3A_1519 = arith.index_cast %add3A_1468 : i32 to index
        %swap3A_1520 = arith.constant 64 : index
        %swap3A_1521 = tpu.vector_load %arg10[%swap3A_1519, %swap3A_1520] {strides = array<i32>} : memref<128x128xf32, #tpu.memory_space<vmem>>, vector<1x16xf32>,
        %swap3A_1522 = vector.shape_cast %swap3A_1521 : vector<1x16xf32> to vector<16xf32>
        %swap3A_1523 = vector.shape_cast %mul3A_1518 : vector<16xf32> to vector<1x16xf32>
        tpu.vector_store %arg10[%swap3A_1519, %swap3A_1520], %swap3A_1523 {strides = array<i32>} : memref<128x128xf32, #tpu.memory_space<vmem>>, vector<1x16xf32>,
        %get3A_1524 = arith.index_cast %add3A_1468 : i32 to index
        %get3A_1525 = arith.constant 80 : index
        %get3A_1526 = tpu.vector_load %arg10[%get3A_1524, %get3A_1525] {strides = array<i32>} : memref<128x128xf32, #tpu.memory_space<vmem>>, vector<1x16xf32>,
        %get3A_1527 = vector.shape_cast %get3A_1526 : vector<1x16xf32> to vector<16xf32>
        %mul3A_1528 = vector.broadcast %squeeze3A_1464 : f32 to vector<16xf32>
        %mul3A_1529 = arith.mulf %get3A_1527, %mul3A_1528 : vector<16xf32>
        %swap3A_1530 = arith.index_cast %add3A_1468 : i32 to index
        %swap3A_1531 = arith.constant 80 : index
        %swap3A_1532 = tpu.vector_load %arg10[%swap3A_1530, %swap3A_1531] {strides = array<i32>} : memref<128x128xf32, #tpu.memory_space<vmem>>, vector<1x16xf32>,
        %swap3A_1533 = vector.shape_cast %swap3A_1532 : vector<1x16xf32> to vector<16xf32>
        %swap3A_1534 = vector.shape_cast %mul3A_1529 : vector<16xf32> to vector<1x16xf32>
        tpu.vector_store %arg10[%swap3A_1530, %swap3A_1531], %swap3A_1534 {strides = array<i32>} : memref<128x128xf32, #tpu.memory_space<vmem>>, vector<1x16xf32>,
        %get3A_1535 = arith.index_cast %add3A_1468 : i32 to index
        %get3A_1536 = arith.constant 96 : index
        %get3A_1537 = tpu.vector_load %arg10[%get3A_1535, %get3A_1536] {strides = array<i32>} : memref<128x128xf32, #tpu.memory_space<vmem>>, vector<1x16xf32>,
        %get3A_1538 = vector.shape_cast %get3A_1537 : vector<1x16xf32> to vector<16xf32>
        %mul3A_1539 = vector.broadcast %squeeze3A_1464 : f32 to vector<16xf32>
        %mul3A_1540 = arith.mulf %get3A_1538, %mul3A_1539 : vector<16xf32>
        %swap3A_1541 = arith.index_cast %add3A_1468 : i32 to index
        %swap3A_1542 = arith.constant 96 : index
        %swap3A_1543 = tpu.vector_load %arg10[%swap3A_1541, %swap3A_1542] {strides = array<i32>} : memref<128x128xf32, #tpu.memory_space<vmem>>, vector<1x16xf32>,
        %swap3A_1544 = vector.shape_cast %swap3A_1543 : vector<1x16xf32> to vector<16xf32>
        %swap3A_1545 = vector.shape_cast %mul3A_1540 : vector<16xf32> to vector<1x16xf32>
        tpu.vector_store %arg10[%swap3A_1541, %swap3A_1542], %swap3A_1545 {strides = array<i32>} : memref<128x128xf32, #tpu.memory_space<vmem>>, vector<1x16xf32>,
        %get3A_1546 = arith.index_cast %add3A_1468 : i32 to index
        %get3A_1547 = arith.constant 112 : index
        %get3A_1548 = tpu.vector_load %arg10[%get3A_1546, %get3A_1547] {strides = array<i32>} : memref<128x128xf32, #tpu.memory_space<vmem>>, vector<1x16xf32>,
        %get3A_1549 = vector.shape_cast %get3A_1548 : vector<1x16xf32> to vector<16xf32>
        %mul3A_1550 = vector.broadcast %squeeze3A_1464 : f32 to vector<16xf32>
        %mul3A_1551 = arith.mulf %get3A_1549, %mul3A_1550 : vector<16xf32>
        %swap3A_1552 = arith.index_cast %add3A_1468 : i32 to index
        %swap3A_1553 = arith.constant 112 : index
        %swap3A_1554 = tpu.vector_load %arg10[%swap3A_1552, %swap3A_1553] {strides = array<i32>} : memref<128x128xf32, #tpu.memory_space<vmem>>, vector<1x16xf32>,
        %swap3A_1555 = vector.shape_cast %swap3A_1554 : vector<1x16xf32> to vector<16xf32>
        %swap3A_1556 = vector.shape_cast %mul3A_1551 : vector<16xf32> to vector<1x16xf32>
        tpu.vector_store %arg10[%swap3A_1552, %swap3A_1553], %swap3A_1556 {strides = array<i32>} : memref<128x128xf32, #tpu.memory_space<vmem>>, vector<1x16xf32>,
      }
      %scan3A_49 = arith.constant 8 : i32
      "tpu.region"() ({
        %run_scoped3A = tpu.sem_alloc : memref<!tpu.dma_semaphore, #tpu.memory_space<semaphore_mem>>
        %dma_start3A_50 = arith.constant 0 : i32
        %dma_start3A_51 = tpu.memref_slice %arg8[%scan3A_33, %dma_start3A_50] : memref<79x128xi32, #tpu.memory_space<vmem>> -> memref<1x128xi32, #tpu.memory_space<vmem>>
        %dma_start3A_52 = tpu.memref_squeeze %dma_start3A_51 : memref<1x128xi32, #tpu.memory_space<vmem>> -> memref<128xi32, #tpu.memory_space<vmem>>
        %dma_start3A_53 = arith.constant 0 : i32
        %dma_start3A_54 = arith.constant 0 : i32
        %dma_start3A_55 = tpu.memref_slice %arg11[%dma_start3A_53, %dma_start3A_54] : memref<10000x128xf32, #tpu.memory_space<vmem_shared>> -> memref<10000x128xf32, #tpu.memory_space<vmem_shared>>
        tpu.enqueue_indirect_dma source(%arg10 : memref<128x128xf32, #tpu.memory_space<vmem>>) target(%dma_start3A_55 : memref<10000x128xf32, #tpu.memory_space<vmem_shared>>) offsets(%dma_start3A_52 : memref<128xi32, #tpu.memory_space<vmem>>) semaphore(%run_scoped3A : memref<!tpu.dma_semaphore, #tpu.memory_space<semaphore_mem>>) {add = true}
        %dma_wait3A_56 = arith.constant 0 : i32
        %dma_wait3A_57 = tpu.memref_slice %arg8[%scan3A_33, %dma_wait3A_56] : memref<79x128xi32, #tpu.memory_space<vmem>> -> memref<1x128xi32, #tpu.memory_space<vmem>>
        %dma_wait3A_58 = tpu.memref_squeeze %dma_wait3A_57 : memref<1x128xi32, #tpu.memory_space<vmem>> -> memref<128xi32, #tpu.memory_space<vmem>>
        %dma_wait3A_59 = arith.constant 0 : i32
        %dma_wait3A_60 = arith.constant 0 : i32
        %dma_wait3A_61 = tpu.memref_slice %arg11[%dma_wait3A_59, %dma_wait3A_60] : memref<10000x128xf32, #tpu.memory_space<vmem_shared>> -> memref<10000x128xf32, #tpu.memory_space<vmem_shared>>
        tpu.wait_indirect_dma semaphore(%run_scoped3A : memref<!tpu.dma_semaphore, #tpu.memory_space<semaphore_mem>>) src(%arg10 : memref<128x128xf32, #tpu.memory_space<vmem>>) dst(%dma_wait3A_61 : memref<10000x128xf32, #tpu.memory_space<vmem_shared>>)
        tpu.yield
      }) : () -> ()
    }
    %scan3A_26 = arith.constant 79 : i32
    %barrier3A_27 = arith.constant 0 : index
    tpu.barrier barrier_id(%barrier3A_27)
    "tpu.region"() ({
      %run_scoped3A = tpu.sem_alloc : memref<!tpu.dma_semaphore, #tpu.memory_space<semaphore_mem>>
      %dma_start3A = arith.constant 0 : i32
      %dma_start3A_33 = tpu.memref_slice %arg6[%arg0, %mul3A_8, %dma_start3A] : memref<2x10000x128xf32, #tpu.memory_space<hbm>> -> memref<1x624x128xf32, #tpu.memory_space<hbm>>
      %dma_start3A_34 = tpu.memref_squeeze %dma_start3A_33 : memref<1x624x128xf32, #tpu.memory_space<hbm>> -> memref<624x128xf32, #tpu.memory_space<hbm>>
      %dma_start3A_35 = arith.constant 0 : i32
      %dma_start3A_36 = tpu.memref_slice %arg11[%mul3A_8, %dma_start3A_35] : memref<10000x128xf32, #tpu.memory_space<vmem_shared>> -> memref<624x128xf32, #tpu.memory_space<vmem_shared>>
      tpu.enqueue_dma source(%dma_start3A_36 : memref<624x128xf32, #tpu.memory_space<vmem_shared>>) target(%dma_start3A_34 : memref<624x128xf32, #tpu.memory_space<hbm>>) target_semaphore(%run_scoped3A : memref<!tpu.dma_semaphore, #tpu.memory_space<semaphore_mem>>)
      %dma_wait3A = arith.constant 0 : i32
      %dma_wait3A_37 = tpu.memref_slice %arg6[%arg0, %mul3A_8, %dma_wait3A] : memref<2x10000x128xf32, #tpu.memory_space<hbm>> -> memref<1x624x128xf32, #tpu.memory_space<hbm>>
      %dma_wait3A_38 = tpu.memref_squeeze %dma_wait3A_37 : memref<1x624x128xf32, #tpu.memory_space<hbm>> -> memref<624x128xf32, #tpu.memory_space<hbm>>
      %dma_wait3A_39 = arith.constant 0 : i32
      %dma_wait3A_40 = tpu.memref_slice %arg11[%mul3A_8, %dma_wait3A_39] : memref<10000x128xf32, #tpu.memory_space<vmem_shared>> -> memref<624x128xf32, #tpu.memory_space<vmem_shared>>
      tpu.wait_dma2 semaphore(%run_scoped3A : memref<!tpu.dma_semaphore, #tpu.memory_space<semaphore_mem>>) src(%dma_wait3A_40 : memref<624x128xf32, #tpu.memory_space<vmem_shared>>) dst(%dma_wait3A_38 : memref<624x128xf32, #tpu.memory_space<hbm>>)
      tpu.yield
    }) : () -> ()
    %eq3A_28 = arith.constant 15 : i32
    %eq3A_29 = arith.cmpi eq, %arg1, %eq3A_28 : i32
    %convert_element_type3A_30 = arith.extui %eq3A_29 : i1 to i32
    %cond3A_31 = arith.constant 0 : i32
    %cond3A_32 = arith.cmpi ne, %convert_element_type3A_30, %cond3A_31 : i32
    scf.if %cond3A_32 {
      "tpu.region"() ({
        %run_scoped3A = tpu.sem_alloc : memref<!tpu.dma_semaphore, #tpu.memory_space<semaphore_mem>>
        %dma_start3A = arith.constant 9984 : i32
        %dma_start3A_33 = arith.constant 0 : i32
        %dma_start3A_34 = tpu.memref_slice %arg6[%arg0, %dma_start3A, %dma_start3A_33] : memref<2x10000x128xf32, #tpu.memory_space<hbm>> -> memref<1x16x128xf32, #tpu.memory_space<hbm>>
        %dma_start3A_35 = tpu.memref_squeeze %dma_start3A_34 : memref<1x16x128xf32, #tpu.memory_space<hbm>> -> memref<16x128xf32, #tpu.memory_space<hbm>>
        %dma_start3A_36 = arith.constant 9984 : i32
        %dma_start3A_37 = arith.constant 0 : i32
        %dma_start3A_38 = tpu.memref_slice %arg11[%dma_start3A_36, %dma_start3A_37] : memref<10000x128xf32, #tpu.memory_space<vmem_shared>> -> memref<16x128xf32, #tpu.memory_space<vmem_shared>>
        tpu.enqueue_dma source(%dma_start3A_38 : memref<16x128xf32, #tpu.memory_space<vmem_shared>>) target(%dma_start3A_35 : memref<16x128xf32, #tpu.memory_space<hbm>>) target_semaphore(%run_scoped3A : memref<!tpu.dma_semaphore, #tpu.memory_space<semaphore_mem>>)
        %dma_wait3A = arith.constant 9984 : i32
        %dma_wait3A_39 = arith.constant 0 : i32
        %dma_wait3A_40 = tpu.memref_slice %arg6[%arg0, %dma_wait3A, %dma_wait3A_39] : memref<2x10000x128xf32, #tpu.memory_space<hbm>> -> memref<1x16x128xf32, #tpu.memory_space<hbm>>
        %dma_wait3A_41 = tpu.memref_squeeze %dma_wait3A_40 : memref<1x16x128xf32, #tpu.memory_space<hbm>> -> memref<16x128xf32, #tpu.memory_space<hbm>>
        %dma_wait3A_42 = arith.constant 9984 : i32
        %dma_wait3A_43 = arith.constant 0 : i32
        %dma_wait3A_44 = tpu.memref_slice %arg11[%dma_wait3A_42, %dma_wait3A_43] : memref<10000x128xf32, #tpu.memory_space<vmem_shared>> -> memref<16x128xf32, #tpu.memory_space<vmem_shared>>
        tpu.wait_dma2 semaphore(%run_scoped3A : memref<!tpu.dma_semaphore, #tpu.memory_space<semaphore_mem>>) src(%dma_wait3A_44 : memref<16x128xf32, #tpu.memory_space<vmem_shared>>) dst(%dma_wait3A_41 : memref<16x128xf32, #tpu.memory_space<hbm>>)
        tpu.yield
      }) : () -> ()
    } else {
    }
    return
  }
}

module attributes {stable_mosaic.version = 14 : i64} {
  func.func @_combine_body(%arg0: i32, %arg1: memref<1x1000x128xf32, #tpu.memory_space<vmem>>, %arg2: memref<1x1000x128xf32, #tpu.memory_space<vmem>>, %arg3: memref<1000x128xf32, #tpu.memory_space<vmem>>, %arg4: memref<1000x128xf32, #tpu.memory_space<vmem>>) attributes {dimension_semantics = [#tpu.dimension_semantics<arbitrary>], iteration_bounds = array<i64: 10>, scalar_prefetch = 0 : i64, scratch_operands = 0 : i64, tpu.core_type = #tpu.core_type<tc>, window_params = [{transform_indices = @transform_0, window_bounds = array<i64: 1, 1000, 128>}, {transform_indices = @transform_1, window_bounds = array<i64: 1, 1000, 128>}, {transform_indices = @transform_2, window_bounds = array<i64: 1000, 128>}, {transform_indices = @transform_3, window_bounds = array<i64: 1000, 128>}]} {
    %get3A = arith.constant 0 : index
    %get3A_0 = arith.constant 0 : index
    %get3A_1 = arith.constant 0 : index
    %get3A_2 = vector.load %arg1[%get3A, %get3A_0, %get3A_1] : memref<1x1000x128xf32, #tpu.memory_space<vmem>>, vector<1x1000x128xf32>
    %get3A_3 = vector.shape_cast %get3A_2 : vector<1x1000x128xf32> to vector<1000x128xf32>
    %get3A_4 = arith.constant 0 : index
    %get3A_5 = arith.constant 0 : index
    %get3A_6 = arith.constant 0 : index
    %get3A_7 = vector.load %arg2[%get3A_4, %get3A_5, %get3A_6] : memref<1x1000x128xf32, #tpu.memory_space<vmem>>, vector<1x1000x128xf32>
    %get3A_8 = vector.shape_cast %get3A_7 : vector<1x1000x128xf32> to vector<1000x128xf32>
    %add3A = arith.addf %get3A_3, %get3A_8 : vector<1000x128xf32>
    %get3A_9 = arith.constant 0 : index
    %get3A_10 = arith.constant 0 : index
    %get3A_11 = vector.load %arg3[%get3A_9, %get3A_10] : memref<1000x128xf32, #tpu.memory_space<vmem>>, vector<1000x128xf32>
    %add3A_12 = arith.addf %add3A, %get3A_11 : vector<1000x128xf32>
    %swap3A = arith.constant 0 : index
    %swap3A_13 = arith.constant 0 : index
    %swap3A_14 = vector.load %arg4[%swap3A, %swap3A_13] : memref<1000x128xf32, #tpu.memory_space<vmem>>, vector<1000x128xf32>
    tpu.vector_store %arg4[%swap3A, %swap3A_13], %add3A_12 {strides = array<i32>} : memref<1000x128xf32, #tpu.memory_space<vmem>>, vector<1000x128xf32>,
    return
  }
  func.func @transform_0(%arg0: i32) -> (i32, i32, i32) {
    %c0_i32 = arith.constant 0 : i32
    %c0_i32_0 = arith.constant 0 : i32
    %c0_i32_1 = arith.constant 0 : i32
    return %c0_i32, %arg0, %c0_i32_0 : i32, i32, i32
  }
  func.func @transform_1(%arg0: i32) -> (i32, i32, i32) {
    %c1_i32 = arith.constant 1 : i32
    %c0_i32 = arith.constant 0 : i32
    %c0_i32_0 = arith.constant 0 : i32
    return %c1_i32, %arg0, %c0_i32 : i32, i32, i32
  }
  func.func @transform_2(%arg0: i32) -> (i32, i32) {
    %c0_i32 = arith.constant 0 : i32
    %c0_i32_0 = arith.constant 0 : i32
    return %arg0, %c0_i32 : i32, i32
  }
  func.func @transform_3(%arg0: i32) -> (i32, i32) {
    %c0_i32 = arith.constant 0 : i32
    %c0_i32_0 = arith.constant 0 : i32
    return %arg0, %c0_i32 : i32, i32
  }
}

</mosaic_0001>

<sc_bundles>
// kernel: kernel.4.cloned.1.call-start
scs
__scs_entry_jumppad:
0x0: {  	(pc) =	sbr.rel $0x88, $3  }
0x1: {  	(tag) =	ssettag $0x0;
	lr =	simm.s32 $0x1  }
0x2: {  	[smem:$0x3F9E] =	sst lr;
	_ =	strace $0xD0000000  }
0x3: {  	_ = 	snop  }
0x4: {  	_ = 	snop  }
0x5: {  	_ = 	snop  }
0x6: {  	_ = 	snop  }
0x7: {  	_ = 	snop  }
__scs_overlays_trampoline_lowered:
0x8: {  	[smem:$0x3FAD] =	sst s0  }
0x9: {  	[smem:$0x3FAE] =	sst s1  }
0xa: {  	[smem:$0x3FAF] =	sst s2  }
0xb: {  	[smem:$0x3FB0] =	sst s3  }
0xc: {  	[smem:$0x3FB1] =	sst s4  }
0xd: {  	[smem:$0x3FB2] =	sst s5  }
0xe: {  	[smem:$0x3FB3] =	sst s6  }
0xf: {  	[smem:$0x3FB4] =	sst s7  }
0x10: {  	[smem:$0x3FB5] =	sst s8  }
0x11: {  	[smem:$0x3FB6] =	sst s9;
	s0 =	simm.s32 @!p0 $0x0  }
0x12: {  	s1 =	sld [smem:$0x3F9C];
	s0 =	simm.s32 @p0 $0x1  }
0x13: {  	[smem:$0x3FB7] =	sst s0;
	s0 =	simm.s32 @!p1 $0x0  }
0x14: {  	s2 =	sld [smem:$0x3F9B];
	s0 =	simm.s32 @p1 $0x1  }
0x15: {  	[smem:$0x3FB8] =	sst s0;
	s0 =	simm.s32 @!p2 $0x0  }
0x16: {  	s3 =	sld [smem:$0x3FDB];
	s0 =	simm.s32 @p2 $0x1  }
0x17: {  	s4 =	simm.s32 $0x1BF5;
	[smem:$0x3FBA] =	sst s0  }
0x18: {  	s0 =	sld [smem:$0x3F9D];
	_ =	swait.ge [sflag:s4], $0x0  }
0x19: {  	s7 =	sld [smem:$0x3F9E]  }
0x1a: {  	s8 =	sadd.s32 $0xFFFFE003, lr  }
0x1b: {  	s9 =	sadd.s32 $0xFFFFFEF7, lr;
	s5 =	simm.s32 $0xFFFFFFFF;
	p2 =	slt.u32 s8, $0xFFFFF086  }
0x1c: {  	p1 =	slt.u32 s9, $0xF7A;
	s5 =	simm.s32 @!p2 $0x0  }
0x1d: {  	s5 =	simm.s32 @p1 $0x1;
	p0 =	seq.s32 s7, s2  }
0x1e: {  	s7 =	smul.u32 @!p0 $0xF7A, s2;
	p2 =	seq.s32 @!p0 s5, $0x0  }
0x1f: {  	s9 =	smul.u32 $0xF7A, s1;
	s8 =	simm.s32 @!p0 $0x1BF5;
	p2 =	por !p2, p0  }
0x20: {  	[sflag:s8] =	ssyncset.s32 @!p0 $0xFFFFF086;
	s6 =	sadd.s32 @!p0 s3, s7;
	s7 =	simm.s32 @!p0 $0x108  }
0x21: {  	s3 =	sadd.s32 s3, s9;
	s6 =	sadd.s32 @!p0 $0x88, s6;
	s7 =	simm.s32 @p2 $0x1082  }
0x22: {  	[simem:s7], [sflag:s8] =	dma.local @!p0 [hbm:s6], $0xF7A  }
0x23: {  	s9 =	sor.u32 $0xD0000000, s2;
	s6 =	simm.s32 $0x108;
	_ =	swait.ge @!p0 [sflag:s8], $0x0  }
0x24: {  	s3 =	sadd.s32 $0x88, s3;
	s6 =	simm.s32 @!p1 $0x1082;
	[sflag:s4] =	ssyncset.s32 $0xFFFFF086  }
0x25: {  	[simem:s6], [sflag:s4] =	dma.local [hbm:s3], $0xF7A  }
0x26: {  	[smem:$0x3F9E] =	sst s1;
	(tag) =	ssettag s2;
	_ =	strace s9  }
0x27: {  	s1 =	sld [smem:$0x3FAE]  }
0x28: {  	s2 =	sld [smem:$0x3FAF]  }
0x29: {  	s4 =	sld [smem:$0x3FB1]  }
0x2a: {  	p0 =	seq.s32 s5, $0x0;
	s5 =	sld [smem:$0x3FB2]  }
0x2b: {  	s6 =	sld [smem:$0x3FB3]  }
0x2c: {  	s7 =	sld [smem:$0x3FB4]  }
0x2d: {  	s3 =	simm.s32 $0x108;
	s8 =	sld [smem:$0x3FB5]  }
0x2e: {  	s3 =	simm.s32 @!p0 $0x1082;
	s9 =	sld [smem:$0x3FB6]  }
0x2f: {  	lr =	sadd.s32 s0, s3;
	s0 =	sld [smem:$0x3FAD]  }
0x30: {  	s3 =	sld [smem:$0x3FB0]  }
0x31: {  	[smem:$0x3FB9] =	sst s10  }
0x32: {  	s10 =	sld [smem:$0x3FB7];
	_ =	sdelay $0x3  }
0x33: {  	p0 =	seq.s32 s10, $0x1;
	s10 =	sld [smem:$0x3FB9];
	_ =	sdelay $0x3  }
0x34: {  	[smem:$0x3FB9] =	sst s10  }
0x35: {  	s10 =	sld [smem:$0x3FB8];
	_ =	sdelay $0x3  }
0x36: {  	p1 =	seq.s32 s10, $0x1;
	s10 =	sld [smem:$0x3FB9];
	_ =	sdelay $0x3  }
0x37: {  	[smem:$0x3FB9] =	sst s10  }
0x38: {  	s10 =	sld [smem:$0x3FBA]  }
0x39: {  	_ = 	snop;
	(pc) =	sbr.ind lr, $3  }
0x3a: {  	_ = 	snop  }
0x3b: {  	_ = 	snop  }
0x3c: {  	p2 =	seq.s32 s10, $0x1;
	s10 =	sld [smem:$0x3FB9]  }
0x3d: {  	_ =	shalt  }
0x3e: {  	_ =	shalt  }
0x3f: {  	_ =	shalt  }
0x40: {  	_ =	shalt  }
0x41: {  	_ =	shalt  }
0x42: {  	_ =	shalt  }
0x43: {  	_ =	shalt  }
0x44: {  	_ =	shalt  }
0x45: {  	_ =	shalt  }
0x46: {  	_ =	shalt  }
0x47: {  	_ =	shalt  }
0x48: {  	_ =	shalt  }
0x49: {  	_ =	shalt  }
0x4a: {  	_ =	shalt  }
0x4b: {  	_ =	shalt  }
0x4c: {  	_ =	shalt  }
0x4d: {  	_ =	shalt  }
0x4e: {  	_ =	shalt  }
0x4f: {  	_ =	shalt  }
0x50: {  	_ =	shalt  }
0x51: {  	_ =	shalt  }
0x52: {  	_ =	shalt  }
0x53: {  	_ =	shalt  }
0x54: {  	_ =	shalt  }
0x55: {  	_ =	shalt  }
0x56: {  	_ =	shalt  }
0x57: {  	_ =	shalt  }
0x58: {  	_ =	shalt  }
0x59: {  	_ =	shalt  }
0x5a: {  	_ =	shalt  }
0x5b: {  	_ =	shalt  }
0x5c: {  	_ =	shalt  }
0x5d: {  	_ =	shalt  }
0x5e: {  	_ =	shalt  }
0x5f: {  	_ =	shalt  }
0x60: {  	_ =	shalt  }
0x61: {  	_ =	shalt  }
0x62: {  	_ =	shalt  }
0x63: {  	_ =	shalt  }
0x64: {  	_ =	shalt  }
0x65: {  	_ =	shalt  }
0x66: {  	_ =	shalt  }
0x67: {  	_ =	shalt  }
0x68: {  	_ =	shalt  }
0x69: {  	_ =	shalt  }
0x6a: {  	_ =	shalt  }
0x6b: {  	_ =	shalt  }
0x6c: {  	_ =	shalt  }
0x6d: {  	_ =	shalt  }
0x6e: {  	_ =	shalt  }
0x6f: {  	_ =	shalt  }
0x70: {  	_ =	shalt  }
0x71: {  	_ =	shalt  }
0x72: {  	_ =	shalt  }
0x73: {  	_ =	shalt  }
0x74: {  	_ =	shalt  }
0x75: {  	_ =	shalt  }
0x76: {  	_ =	shalt  }
0x77: {  	_ =	shalt  }
0x78: {  	_ =	shalt  }
0x79: {  	_ =	shalt  }
0x7a: {  	_ =	shalt  }
0x7b: {  	_ =	shalt  }
0x7c: {  	_ =	shalt  }
0x7d: {  	_ =	shalt  }
0x7e: {  	_ =	shalt  }
0x7f: {  	_ =	shalt  }
0x80: {  	_ =	shalt  }
0x81: {  	_ =	shalt  }
0x82: {  	_ =	shalt  }
0x83: {  	_ =	shalt  }
0x84: {  	_ =	shalt  }
0x85: {  	_ =	shalt  }
0x86: {  	_ =	shalt  }
0x87: {  	_ =	shalt  }
.Lfunc_end0:
.L_simem_size_0:
called_computation_lowered:
.L_overlay_start_0:
0x88: {  	s2 =	sld [smem:$0x3FD9]  }
0x89: {  	s3 =	sld [smem:$0x3FFE];
	_ =	sdelay $0x1  }
0x8a: {  	s1 =	srdreg.scid  }
0x8b: {  	s0 =	sand.u32 $0x1, s1  }
0x8c: {  	s17 =	sshll.u32 s0, $0xA;
	s2 =	sadd.s32 s3, s2  }
0x8d: {  	s2 =	sadd.s32 s2, s17  }
0x8e: {  	[smem:$0x3FC5] =	sst s2  }
0x8f: {  	_ = 	snop  }
0x90: {  	s2 =	sld [smem:$0x3FC9]  }
0x91: {  	s18 =	sld [smem:$0x3FD0];
	(tm) =	ssettm $0x1  }
0x92: {  	s4 =	sld [smem:$0x3FFB];
	_ =	sdelay $0x3  }
0x93: {  	_ =	strace s4  }
0x94: {  	s4 =	sld [smem:$0x3FFC];
	_ =	sdelay $0x3  }
0x95: {  	_ =	strace s4  }
0x96: {  	s4 =	sld [smem:$0x3FFD];
	_ =	sdelay $0x3  }
0x97: {  	_ =	strace s4  }
0x98: {  	_ =	strace $0x8FFFFFFF  }
0x99: {  	s19 =	sld [smem:$0x3FDB];
	_ =	sdelay $0x1  }
0x9a: {  	s5 =	simm.s32 $_scs_section_size  }
0x9b: {  	s6 =	simm.s32 $_size__tile_overlayer_lowered;
	s7 =	simm.s32 $_tile_overlayer_lowered  }
0x9c: {  	s22 =	simm.s32 $0x1BFF;
	s21 =	sshll.u32 s7, $0x1;
	s4 =	sadd.s32 s5, s19  }
0x9d: {  	s8 =	simm.s32 $0x0;
	s20 =	sshll.u32 s6, $0x1;
	s6 =	sadd.s32 s21, s4  }
0x9e: {  	[timem:s8], [sflag:s22] =	dma.local [hbm:s6], s20  }
0x9f: {  	_ =	swait.ge [sflag:s22], s20  }
0xa0: {  	s5 =	ssub.s32 $0x0, s20;
	[sflag:s22] =	ssyncset.done $0x0  }
0xa1: {  	[sflag:s22] =	ssyncadd.s32 s5;
	_ =	sdelay $0x1  }
0xa2: {  	s23 =	simm.s32 $0x1B8B  }
0xa3: {  	_ =	swait.ge [sflag:s23], $0x1  }
0xa4: {  	[sflag:s23] =	ssyncset.done $0x0  }
0xa5: {  	s25 =	simm.s32 $0x1B8E;
	s24 =	sld [smem:$0x3FFE];
	[sflag:s23] =	ssyncadd.s32 $0xFFFFFFFF  }
0xa6: {  	s26 =	simm.s32 $execute0_lowered;
	[smem:$0x3FD2] =	sst s25  }
0xa7: {  	s6 =	sshll.u32 s26, $0x1;
	_ =	strace $0x80000046;
	[dreg:$0x1] =	wrdreg $0xFFFFFFFF  }
0xa8: {  	s28 =	simm.s32 $_size_execute0_lowered;
	s4 =	sadd.s32 s4, s6;
	[dreg:$0x0] =	wrdreg $0x0  }
0xa9: {  	s6 =	sshll.u32 s28, $0x1;
	[dreg:$0x2] =	wrdreg s4  }
0xaa: {  	[dreg:$0x3] =	wrdreg s6  }
0xab: {  	[dreg:$0x4] =	wrdreg $0xC0  }
0xac: {  	_ =	task [dreg:s8], $0x5FFFF  }
0xad: {  	[dreg:$0x1] =	wrdreg $0xFFFFFFFF  }
0xae: {  	[dreg:$0x0] =	wrdreg $0x60  }
0xaf: {  	[dreg:$0x2] =	wrdreg s2  }
0xb0: {  	[dreg:$0x3] =	wrdreg s18  }
0xb1: {  	[dreg:$0x4] =	wrdreg s24  }
0xb2: {  	[dreg:$0x5] =	wrdreg $0xB8000  }
0xb3: {  	[dreg:$0x6] =	wrdreg $0x9  }
0xb4: {  	_ =	task.clear_ibuf [dreg:s8], $0x7FFFF;
	_ =	strace $0x90000046  }
0xb5: {  	s29 =	simm.s32 $0x9;
	_ =	strace $0x80000048  }
0xb6: {  	_ =	swait.ge [sflag:s29], $0x1  }
0xb7: {  	[sflag:s29] =	ssyncadd.s32 $0xFFFFFFFF  }
0xb8: {  	_ =	strace $0x90000048  }
0xb9: {  	_ =	sfence  }
0xba: {  	s30 =	sld [smem:$0x0];
	_ =	sdelay $0x2  }
0xbb: {  	s31 =	sshll.u32 s1, $0xD;
	s1 =	sshrl.u32 s1, $0x2  }
0xbc: {  	s3 =	sand.u32 $0x4000, s31;
	s1 =	sadd.s32 s1, s30  }
0xbd: {  	s0 =	sor.u32 s3, s0;
	s1 =	sshll.u32 s1, $0x11  }
0xbe: {  	s0 =	sor.u32 s1, s0  }
0xbf: {  	s0 =	sadd.s32 $0x8F2B, s0  }
0xc0: {  	[sflag:s0] =	ssyncadd.remote.s32 $0x1  }
0xc1: {  	_ =	sfence.sel $0xFFFF  }
0xc2: {  	[dreg:$0x0] =	wrdreg $0xFFFFFFFF;
	(pc) =	sbr.abs _section_cstart, $3  }
0xc3: {  	[dreg:$0x1] =	wrdreg $0xFFFFFFFF  }
0xc4: {  	_ =	task.clear_ibuf [dreg:s8], $0x2FFFF;
	_ =	strace $0x9FFFFFFF  }
0xc5: {  	(tm) =	ssettm $0x7FFFFFFF  }
tec
execute0_lowered:
.L_overlay_start_1:
0x0: {  	(tag) =	ssettag $0x1  }
0x1: {  	s1 =	rddreg [dreg:$0x0]  }
0x2: {  	s11 =	rddreg [dreg:$0x1]  }
0x3: {  	s2 =	srdreg.scid;
	s5 =	rddreg [dreg:$0x2]  }
0x4: {  	s0 =	stileid.u32;
	s3 =	rddreg [dreg:$0x3];
	s4 =	simm.s32 $0x0  }
0x5: {  	s19 =	simm.s32 $0x2800;
	s20 =	simm.s32 $0x5000;
	s21 =	simm.s32 $0x80  }
0x6: {  	s22 =	simm.s32 $0x1;
	s6 =	sand.u32 $0x1, s2;
	s2 =	rddreg [dreg:$0x4]  }
0x7: {  	s28 =	sshll.u32 s0, $0x1;
	[smem:$0x7FF] =	sst s4;
	s29 =	smul.u32 $0x4E000, s0  }
0x8: {  	s15 =	sadd.s32 $0x14800, s5;
	s17 =	smul.u32 $0x13800, s0;
	s10 =	sadd.s32 $0x138000, s3  }
0x9: {  	s7 =	sor.u32 s6, s28;
	s8 =	ssub.s32 $0x2, s6;
	s14 =	smul.u32 $0x138800, s6  }
0xa: {  	p0 =	sne.s32 s0, $0xF;
	s12 =	smul.u32 $0x500, s7;
	s31 =	sshrl.u32 s8, $0x1  }
0xb: {  	_ =	strace $0x80000047;
	s30 =	sshrl.u32 s29, $0x2;
	s16 =	ssub.s32 s8, s31  }
0xc: {  	s17 =	sadd.s32 s17, s14;
	s18 =	sshrl.u32 s14, $0x3;
	s13 =	sadd.s32 s12, s5  }
0xd: {  	s5 =	sadd.s32 s30, s3;
	s11 =	sadd.s32 s11, s12;
	s17 =	sshrl.u32 s17, $0x3  }
0xe: {  	s16 =	smax.u32 s16, $0x1;
	s6 =	sadd.s32 $0x4000, s5;
	s7 =	sadd.s32 $0x8000, s5  }
0xf: {  	s8 =	sadd.s32 $0xC000, s5;
	s9 =	sadd.s32 $0x10000, s5;
	s12 =	sadd.s32 $0xA800, s13  }
0x10: {  	s13 =	sadd.s32 $0x800, s13;
	s14 =	sadd.s32 s15, s17;
	s15 =	sadd.s32 s15, s18  }
0x11: {  	v0 =	vimm.f32 $0.0e+00;
	s17 =	simm.s32 $0x7800;
	s18 =	simm.s32 $0x2;
	s15 =	sadd.s32 $0x27000, s15  }
.LBB2_1:
0x12: {  	s23 =	simm.s32 $0x0;
	s24 =	simm.s32 $0x200  }
.LBB2_2:
0x13: {  	p1 =	sne.s32 s24, $0xFE00;
	[tilespmem:s23+$0x7870] =	vst v0  }
0x14: {  	[tilespmem:s23+$0x7800] =	vst v0  }
0x15: {  	[tilespmem:s23+$0x7810] =	vst v0  }
.Ltmp0:
0x16: {  	[tilespmem:s23+$0x7820] =	vst v0;
	(pc) =	sbr.rel @p1 .LBB2_2-.Ltmp0, $4  }
0x17: {  	[tilespmem:s23+$0x7830] =	vst v0  }
0x18: {  	[tilespmem:s23+$0x7840] =	vst v0  }
0x19: {  	[tilespmem:s23+$0x7850] =	vst v0  }
0x1a: {  	[tilespmem:s23+$0x7860] =	vst v0;
	s23 =	sshra.s32 s24, $0x2;
	s24 =	sadd.s32 $0x200, s24  }
0x1b: {  	[tilespmem:s23+$0x7870] =	vst v0  }
0x1c: {  	[tilespmem:s23+$0x7800] =	vst v0  }
0x1d: {  	[tilespmem:s23+$0x7810] =	vst v0  }
0x1e: {  	[tilespmem:s23+$0x7820] =	vst v0  }
0x1f: {  	[tilespmem:s23+$0x7830] =	vst v0  }
0x20: {  	[tilespmem:s23+$0x7840] =	vst v0  }
0x21: {  	[tilespmem:s23+$0x7850] =	vst v0  }
0x22: {  	[tilespmem:s23+$0x7860] =	vst v0  }
0x23: {  	[spmem:s5] =	stream.linear.scatter [tilespmem:s17], [sflag:$0x2], $0x4000, $0x38;
	[tilespmem:$0x1F080] =	vst v63  }
0x24: {  	_ =	swait.ge [sflag:s18], $0x4000  }
0x25: {  	[sflag:s18] =	ssyncset.done $0x0  }
0x26: {  	[sflag:s18] =	ssyncadd.s32 $0xFFFFC000  }
0x27: {  	[spmem:s6] =	stream.linear.scatter [tilespmem:s17], [sflag:$0x2], $0x4000, $0x38;
	[tilespmem:$0x1F080] =	vst v63  }
0x28: {  	_ =	swait.ge [sflag:s18], $0x4000  }
0x29: {  	[sflag:s18] =	ssyncset.done $0x0  }
0x2a: {  	[sflag:s18] =	ssyncadd.s32 $0xFFFFC000  }
0x2b: {  	[spmem:s7] =	stream.linear.scatter [tilespmem:s17], [sflag:$0x2], $0x4000, $0x38;
	[tilespmem:$0x1F080] =	vst v63  }
0x2c: {  	_ =	swait.ge [sflag:s18], $0x4000  }
0x2d: {  	[sflag:s18] =	ssyncset.done $0x0  }
0x2e: {  	[sflag:s18] =	ssyncadd.s32 $0xFFFFC000  }
0x2f: {  	[spmem:s8] =	stream.linear.scatter [tilespmem:s17], [sflag:$0x2], $0x4000, $0x38;
	[tilespmem:$0x1F080] =	vst v63  }
0x30: {  	_ =	swait.ge [sflag:s18], $0x4000  }
0x31: {  	[sflag:s18] =	ssyncset.done $0x0  }
0x32: {  	[sflag:s18] =	ssyncadd.s32 $0xFFFFC000  }
0x33: {  	[spmem:s9] =	stream.linear.scatter [tilespmem:s17], [sflag:$0x2], $0x3800, $0x38;
	[tilespmem:$0x1F080] =	vst v63  }
0x34: {  	_ =	swait.ge [sflag:s18], $0x3800  }
0x35: {  	[sflag:s18] =	ssyncset.done $0x0  }
0x36: {  	s23 =	simm.s32 @!p0 $0x7800;
	[sflag:s18] =	ssyncadd.s32 $0xFFFFC800  }
0x37: {  	[spmem:s10] =	stream.linear.scatter @!p0 [tilespmem:s23], [sflag:$0x2], $0x800, $0x38;
	[tilespmem:$0x1F080] =	vst v63  }
0x38: {  	s23 =	simm.s32 @!p0 $0x2  }
0x39: {  	_ =	swait.ge @!p0 [sflag:s23], $0x800  }
0x3a: {  	[sflag:s23] =	ssyncset.done @!p0 $0x0  }
0x3b: {  	[sflag:s23] =	ssyncadd.s32 @!p0 $0xFFFFF800  }
0x3c: {  	s23 =	simm.s32 $0x0;
	[bflag:$0x0] =	sbarrier.arrive $0xFFFF  }
0x3d: {  	[tilespmem:s23], [sflag:$0x2] =	stream.linear.gather [hbm4b:s11+s23], $0x2780, $0x38;
	[tilespmem:$0x1F080] =	vst v63  }
0x3e: {  	_ =	swait.ge [sflag:s18], $0x2780  }
0x3f: {  	[sflag:s18] =	ssyncset.done $0x0  }
0x40: {  	[sflag:s18] =	ssyncadd.s32 $0xFFFFD880  }
0x41: {  	[tilespmem:s19], [sflag:$0x2] =	stream.linear.gather [hbm4b:s12+s23], $0x2780, $0x38;
	[tilespmem:$0x1F080] =	vst v63  }
0x42: {  	_ =	swait.ge [sflag:s18], $0x2780  }
0x43: {  	[sflag:s18] =	ssyncset.done $0x0  }
0x44: {  	[sflag:s18] =	ssyncadd.s32 $0xFFFFD880  }
0x45: {  	[tilespmem:s20], [sflag:$0x2] =	stream.linear.gather [hbm4b:s13+s23], $0x2780, $0x38;
	[tilespmem:$0x1F080] =	vst v63  }
0x46: {  	_ =	swait.ge [sflag:s18], $0x2780  }
0x47: {  	[sflag:s18] =	ssyncset.done $0x0  }
0x48: {  	[sflag:s18] =	ssyncadd.s32 $0xFFFFD880  }
.LBB2_4:
0x49: {  	s24 =	sshll.u32 s23, $0x7  }
0x4a: {  	s25 =	sadd.s32 $0x5000, s24  }
0x4b: {  	v1 =	vmov s25  }
0x4c: {  	[tilespmem:s17], [sflag:$0x1] =	stream.indirect.gather [hbm4b:s1+s21], $0x80, s24, s21, $0xb8;
	[tilespmem:$0x1F080] =	vst v63  }
0x4d: {  	_ =	swait.ge [sflag:s22], $0x4000  }
0x4e: {  	s31 =	simm.s32 $0x0;
	[sflag:s22] =	ssyncset.done $0x0  }
0x4f: {  	s26 =	simm.s32 $0x0;
	s25 =	sand.u32 $0x3FFFFFF0, s31;
	[sflag:s22] =	ssyncadd.s32 $0xFFFFC000  }
0x50: {  	v2 =	vld.idx.msk [tilespmem:v1+s25+$0x0 ss:$0x1], $0xffff;
	s25 =	sand.u32 $0x3FFFF800, s26  }
0x51: {  	v8 =	vld [tilespmem:s25+$0x78C0]  }
0x52: {  	v4 =	vld [tilespmem:s25+$0x7820]  }
0x53: {  	v5 =	vld [tilespmem:s25+$0x7830]  }
0x54: {  	v11 =	vld [tilespmem:s25+$0x7860]  }
0x55: {  	v12 =	vld [tilespmem:s25+$0x7870];
	v3 =	vbroadcast v2, $0x0  }
0x56: {  	v13 =	vld [tilespmem:s25+$0x7880]  }
0x57: {  	v14 =	vld [tilespmem:s25+$0x7890];
	v4 =	vmul.f32 v4, v3  }
0x58: {  	v15 =	vld [tilespmem:s25+$0x78A0];
	v5 =	vmul.f32 v5, v3  }
0x59: {  	v10 =	vld [tilespmem:s25+$0x78B0];
	v21 =	vbroadcast v2, $0x1;
	v20 =	vmul.f32 v11, v3;
	[tilespmem:s25+$0x7820] =	vst v4  }
0x5a: {  	v9 =	vld [tilespmem:s25+$0x78D0];
	v12 =	vmul.f32 v12, v3;
	[tilespmem:s25+$0x7830] =	vst v5  }
0x5b: {  	v7 =	vld [tilespmem:s25+$0x7D70];
	v13 =	vmul.f32 v13, v21;
	[tilespmem:s25+$0x7860] =	vst v20  }
0x5c: {  	v23 =	vld [tilespmem:s25+$0x78F0];
	v14 =	vmul.f32 v14, v21;
	[tilespmem:s25+$0x7870] =	vst v12  }
0x5d: {  	v24 =	vld [tilespmem:s25+$0x7900];
	v15 =	vmul.f32 v15, v21;
	[tilespmem:s25+$0x7880] =	vst v13  }
0x5e: {  	v25 =	vld [tilespmem:s25+$0x7910];
	v10 =	vmul.f32 v10, v21;
	[tilespmem:s25+$0x7890] =	vst v14  }
0x5f: {  	v22 =	vld [tilespmem:s25+$0x78E0];
	v8 =	vmul.f32 v8, v21;
	[tilespmem:s25+$0x78A0] =	vst v15  }
0x60: {  	v26 =	vld [tilespmem:s25+$0x7920];
	v16 =	vbroadcast v2, $0x2;
	v9 =	vmul.f32 v9, v21;
	[tilespmem:s25+$0x78B0] =	vst v10  }
0x61: {  	v27 =	vld [tilespmem:s25+$0x7930];
	v11 =	vmul.f32 v23, v21;
	[tilespmem:s25+$0x78C0] =	vst v8  }
0x62: {  	v28 =	vld [tilespmem:s25+$0x7940];
	v6 =	vbroadcast v2, $0xA;
	v30 =	vmul.f32 v24, v16;
	[tilespmem:s25+$0x78D0] =	vst v9  }
0x63: {  	v29 =	vld [tilespmem:s25+$0x7950];
	v32 =	vmul.f32 v25, v16;
	[tilespmem:s25+$0x78F0] =	vst v11  }
0x64: {  	v31 =	vld [tilespmem:s25+$0x7960];
	v4 =	vmul.f32 v7, v6;
	[tilespmem:s25+$0x7900] =	vst v30  }
0x65: {  	v33 =	vld [tilespmem:s25+$0x7970];
	v12 =	vmul.f32 v22, v21;
	[tilespmem:s25+$0x7910] =	vst v32  }
0x66: {  	v34 =	vld [tilespmem:s25+$0x7980];
	v10 =	vmul.f32 v26, v16;
	[tilespmem:s25+$0x7D70] =	vst v4  }
0x67: {  	v35 =	vld [tilespmem:s25+$0x7990];
	v8 =	vmul.f32 v27, v16;
	[tilespmem:s25+$0x78E0] =	vst v12  }
0x68: {  	v36 =	vld [tilespmem:s25+$0x79A0];
	v9 =	vmul.f32 v28, v16;
	[tilespmem:s25+$0x7920] =	vst v10  }
0x69: {  	v37 =	vld [tilespmem:s25+$0x79B0];
	v39 =	vbroadcast v2, $0x3;
	v11 =	vmul.f32 v31, v16;
	[tilespmem:s25+$0x7930] =	vst v8  }
0x6a: {  	v38 =	vld [tilespmem:s25+$0x79C0];
	v13 =	vmul.f32 v33, v16;
	[tilespmem:s25+$0x7940] =	vst v9  }
0x6b: {  	v40 =	vld [tilespmem:s25+$0x79D0];
	v14 =	vmul.f32 v34, v39;
	[tilespmem:s25+$0x7960] =	vst v11  }
0x6c: {  	v41 =	vld [tilespmem:s25+$0x79E0];
	v12 =	vmul.f32 v29, v16;
	[tilespmem:s25+$0x7970] =	vst v13  }
0x6d: {  	v42 =	vld [tilespmem:s25+$0x79F0];
	v10 =	vmul.f32 v35, v39;
	[tilespmem:s25+$0x7980] =	vst v14  }
0x6e: {  	v43 =	vld [tilespmem:s25+$0x7A00];
	v8 =	vmul.f32 v36, v39;
	[tilespmem:s25+$0x7950] =	vst v12  }
0x6f: {  	v44 =	vld [tilespmem:s25+$0x7A10];
	v9 =	vmul.f32 v37, v39;
	[tilespmem:s25+$0x7990] =	vst v10  }
0x70: {  	v45 =	vld [tilespmem:s25+$0x7A20];
	v11 =	vmul.f32 v40, v39;
	[tilespmem:s25+$0x79A0] =	vst v8  }
0x71: {  	v46 =	vld [tilespmem:s25+$0x7A30];
	v13 =	vmul.f32 v41, v39;
	[tilespmem:s25+$0x79B0] =	vst v9  }
0x72: {  	v47 =	vld [tilespmem:s25+$0x7A40];
	v48 =	vbroadcast v2, $0x4;
	v14 =	vmul.f32 v42, v39;
	[tilespmem:s25+$0x79D0] =	vst v11  }
0x73: {  	v49 =	vld [tilespmem:s25+$0x7A50];
	v12 =	vmul.f32 v38, v39;
	[tilespmem:s25+$0x79E0] =	vst v13  }
0x74: {  	v50 =	vld [tilespmem:s25+$0x7A60];
	v10 =	vmul.f32 v43, v48;
	[tilespmem:s25+$0x79F0] =	vst v14  }
0x75: {  	v51 =	vld [tilespmem:s25+$0x7A70];
	v8 =	vmul.f32 v44, v48;
	[tilespmem:s25+$0x79C0] =	vst v12  }
0x76: {  	v52 =	vld [tilespmem:s25+$0x7A80];
	v9 =	vmul.f32 v45, v48;
	[tilespmem:s25+$0x7A00] =	vst v10  }
0x77: {  	v53 =	vld [tilespmem:s25+$0x7A90];
	v11 =	vmul.f32 v47, v48;
	[tilespmem:s25+$0x7A10] =	vst v8  }
0x78: {  	v54 =	vld [tilespmem:s25+$0x7AA0];
	v13 =	vmul.f32 v49, v48;
	[tilespmem:s25+$0x7A20] =	vst v9  }
0x79: {  	v55 =	vld [tilespmem:s25+$0x7AB0];
	v14 =	vmul.f32 v50, v48;
	[tilespmem:s25+$0x7A40] =	vst v11  }
0x7a: {  	v56 =	vld [tilespmem:s25+$0x7AC0];
	v57 =	vbroadcast v2, $0x5;
	v12 =	vmul.f32 v46, v48;
	[tilespmem:s25+$0x7A50] =	vst v13  }
0x7b: {  	v58 =	vld [tilespmem:s25+$0x7AD0];
	v10 =	vmul.f32 v51, v48;
	[tilespmem:s25+$0x7A60] =	vst v14  }
0x7c: {  	v59 =	vld [tilespmem:s25+$0x7AE0];
	v8 =	vmul.f32 v52, v57;
	[tilespmem:s25+$0x7A30] =	vst v12  }
0x7d: {  	v60 =	vld [tilespmem:s25+$0x7AF0];
	v9 =	vmul.f32 v53, v57;
	[tilespmem:s25+$0x7A70] =	vst v10  }
0x7e: {  	v61 =	vld [tilespmem:s25+$0x7B00];
	v11 =	vmul.f32 v55, v57;
	[tilespmem:s25+$0x7A80] =	vst v8  }
0x7f: {  	v62 =	vld [tilespmem:s25+$0x7B10];
	v13 =	vmul.f32 v56, v57;
	[tilespmem:s25+$0x7A90] =	vst v9  }
0x80: {  	v63 =	vld [tilespmem:s25+$0x7B20];
	v14 =	vmul.f32 v58, v57;
	[tilespmem:s25+$0x7AB0] =	vst v11  }
0x81: {  	v20 =	vld [tilespmem:s25+$0x7B30];
	v12 =	vmul.f32 v54, v57;
	[tilespmem:s25+$0x7AC0] =	vst v13  }
0x82: {  	v21 =	vld [tilespmem:s25+$0x7B40];
	v22 =	vbroadcast v2, $0x6;
	v10 =	vmul.f32 v59, v57;
	[tilespmem:s25+$0x7AD0] =	vst v14  }
0x83: {  	v23 =	vld [tilespmem:s25+$0x7B50];
	v8 =	vmul.f32 v60, v57;
	[tilespmem:s25+$0x7AA0] =	vst v12  }
0x84: {  	v24 =	vld [tilespmem:s25+$0x7B60];
	v9 =	vmul.f32 v61, v22;
	[tilespmem:s25+$0x7AE0] =	vst v10  }
0x85: {  	v25 =	vld [tilespmem:s25+$0x7B70];
	v11 =	vmul.f32 v63, v22;
	[tilespmem:s25+$0x7AF0] =	vst v8  }
0x86: {  	v5 =	vld [tilespmem:s25+$0x7D80];
	v13 =	vmul.f32 v20, v22;
	[tilespmem:s25+$0x7B00] =	vst v9  }
0x87: {  	v27 =	vld [tilespmem:s25+$0x7B90];
	v14 =	vmul.f32 v21, v22;
	[tilespmem:s25+$0x7B20] =	vst v11  }
0x88: {  	v28 =	vld [tilespmem:s25+$0x7BA0];
	v12 =	vmul.f32 v62, v22;
	[tilespmem:s25+$0x7B30] =	vst v13  }
0x89: {  	v29 =	vld [tilespmem:s25+$0x7BB0];
	v10 =	vmul.f32 v23, v22;
	[tilespmem:s25+$0x7B40] =	vst v14  }
0x8a: {  	v31 =	vbroadcast v2, $0x7;
	v53 =	vld [tilespmem:s25+$0x7D00];
	v8 =	vmul.f32 v24, v22;
	[tilespmem:s25+$0x7B10] =	vst v12  }
0x8b: {  	v58 =	vld [tilespmem:s25+$0x7D50];
	v9 =	vmul.f32 v25, v22;
	[tilespmem:s25+$0x7B50] =	vst v10  }
0x8c: {  	v26 =	vld [tilespmem:s25+$0x7B80];
	v11 =	vmul.f32 v27, v31;
	[tilespmem:s25+$0x7B60] =	vst v8  }
0x8d: {  	v30 =	vld [tilespmem:s25+$0x7BC0];
	v13 =	vmul.f32 v28, v31;
	[tilespmem:s25+$0x7B70] =	vst v9  }
0x8e: {  	v32 =	vld [tilespmem:s25+$0x7BD0];
	v14 =	vmul.f32 v29, v31;
	[tilespmem:s25+$0x7B90] =	vst v11  }
0x8f: {  	v33 =	vld [tilespmem:s25+$0x7BE0];
	v59 =	vmul.f32 v53, v6;
	[tilespmem:s25+$0x7BA0] =	vst v13  }
0x90: {  	v35 =	vld [tilespmem:s25+$0x7C00];
	v21 =	vmul.f32 v58, v6;
	[tilespmem:s25+$0x7BB0] =	vst v14  }
0x91: {  	v36 =	vld [tilespmem:s25+$0x7C10];
	v12 =	vmul.f32 v26, v31;
	[tilespmem:s25+$0x7D00] =	vst v59  }
0x92: {  	v37 =	vld [tilespmem:s25+$0x7C20];
	v10 =	vmul.f32 v30, v31;
	[tilespmem:s25+$0x7D50] =	vst v21  }
0x93: {  	v7 =	vld [tilespmem:s25+$0x7D90];
	v40 =	vbroadcast v2, $0x8;
	v8 =	vmul.f32 v32, v31;
	[tilespmem:s25+$0x7B80] =	vst v12  }
0x94: {  	v34 =	vld [tilespmem:s25+$0x7BF0];
	v9 =	vmul.f32 v33, v31;
	[tilespmem:s25+$0x7BC0] =	vst v10  }
0x95: {  	v57 =	vld [tilespmem:s25+$0x7D40];
	v11 =	vmul.f32 v35, v40;
	[tilespmem:s25+$0x7BD0] =	vst v8  }
0x96: {  	v61 =	vld [tilespmem:s25+$0x7800];
	v24 =	vbroadcast v2, $0xB;
	v13 =	vmul.f32 v36, v40;
	[tilespmem:s25+$0x7BE0] =	vst v9  }
0x97: {  	v4 =	vld [tilespmem:s25+$0x7FD0];
	v14 =	vmul.f32 v37, v40;
	[tilespmem:s25+$0x7C00] =	vst v11  }
0x98: {  	v38 =	vld [tilespmem:s25+$0x7C30];
	v5 =	vmul.f32 v5, v24;
	[tilespmem:s25+$0x7C10] =	vst v13  }
0x99: {  	v39 =	vld [tilespmem:s25+$0x7C40];
	v7 =	vmul.f32 v7, v24;
	[tilespmem:s25+$0x7C20] =	vst v14  }
0x9a: {  	v41 =	vld [tilespmem:s25+$0x7C50];
	v19 =	vmul.f32 v57, v6;
	[tilespmem:s25+$0x7D80] =	vst v5  }
0x9b: {  	v43 =	vld [tilespmem:s25+$0x7C70];
	v25 =	vmul.f32 v3, v61;
	[tilespmem:s25+$0x7D90] =	vst v7  }
0x9c: {  	v44 =	vld [tilespmem:s25+$0x7C80];
	v12 =	vmul.f32 v34, v31;
	[tilespmem:s25+$0x7D40] =	vst v19  }
0x9d: {  	v45 =	vld [tilespmem:s25+$0x7C90];
	v10 =	vmul.f32 v38, v40;
	[tilespmem:s25+$0x7800] =	vst v25  }
0x9e: {  	v27 =	vld [tilespmem:s25+$0x7DD0];
	v8 =	vmul.f32 v39, v40;
	[tilespmem:s25+$0x7BF0] =	vst v12  }
0x9f: {  	v49 =	vbroadcast v2, $0x9;
	v29 =	vld [tilespmem:s25+$0x7DF0];
	v9 =	vmul.f32 v41, v40;
	[tilespmem:s25+$0x7C30] =	vst v10  }
0xa0: {  	v42 =	vld [tilespmem:s25+$0x7C60];
	v11 =	vmul.f32 v43, v40;
	[tilespmem:s25+$0x7C40] =	vst v8  }
0xa1: {  	v46 =	vld [tilespmem:s25+$0x7CA0];
	v13 =	vmul.f32 v44, v49;
	[tilespmem:s25+$0x7C50] =	vst v9  }
0xa2: {  	v47 =	vld [tilespmem:s25+$0x7CB0];
	v14 =	vmul.f32 v45, v49;
	[tilespmem:s25+$0x7C70] =	vst v11  }
0xa3: {  	v48 =	vld [tilespmem:s25+$0x7CC0];
	v32 =	vmul.f32 v27, v24;
	[tilespmem:s25+$0x7C80] =	vst v13  }
0xa4: {  	v51 =	vld [tilespmem:s25+$0x7CE0];
	v7 =	vmul.f32 v29, v24;
	[tilespmem:s25+$0x7C90] =	vst v14  }
0xa5: {  	v52 =	vld [tilespmem:s25+$0x7CF0];
	v12 =	vmul.f32 v42, v40;
	[tilespmem:s25+$0x7DD0] =	vst v32  }
0xa6: {  	v10 =	vmul.f32 v46, v49;
	[tilespmem:s25+$0x7DF0] =	vst v7  }
0xa7: {  	v28 =	vld [tilespmem:s25+$0x7DE0];
	v8 =	vmul.f32 v47, v49;
	[tilespmem:s25+$0x7C60] =	vst v12  }
0xa8: {  	v30 =	vld [tilespmem:s25+$0x7E00];
	v9 =	vmul.f32 v48, v49;
	[tilespmem:s25+$0x7CA0] =	vst v10  }
0xa9: {  	v50 =	vld [tilespmem:s25+$0x7CD0];
	v5 =	vbroadcast v2, $0xF;
	v11 =	vmul.f32 v51, v49;
	[tilespmem:s25+$0x7CB0] =	vst v8  }
0xaa: {  	v54 =	vld [tilespmem:s25+$0x7D10];
	v13 =	vmul.f32 v52, v49;
	[tilespmem:s25+$0x7CC0] =	vst v9  }
0xab: {  	v55 =	vld [tilespmem:s25+$0x7D20];
	v35 =	vbroadcast v2, $0xC;
	v4 =	vmul.f32 v4, v5;
	[tilespmem:s25+$0x7CE0] =	vst v11  }
0xac: {  	v56 =	vld [tilespmem:s25+$0x7D30];
	v40 =	vmul.f32 v28, v24;
	[tilespmem:s25+$0x7CF0] =	vst v13  }
0xad: {  	v60 =	vld [tilespmem:s25+$0x7D60];
	v16 =	vmul.f32 v30, v35;
	[tilespmem:s25+$0x7FD0] =	vst v4  }
0xae: {  	v62 =	vld [tilespmem:s25+$0x7810];
	v12 =	vmul.f32 v50, v49;
	[tilespmem:s25+$0x7DE0] =	vst v40  }
0xaf: {  	v63 =	vld [tilespmem:s25+$0x7840];
	v10 =	vmul.f32 v54, v6;
	[tilespmem:s25+$0x7E00] =	vst v16  }
0xb0: {  	v20 =	vld [tilespmem:s25+$0x7850];
	v8 =	vmul.f32 v55, v6;
	[tilespmem:s25+$0x7CD0] =	vst v12  }
0xb1: {  	v33 =	vld [tilespmem:s25+$0x7E30];
	v9 =	vmul.f32 v56, v6;
	[tilespmem:s25+$0x7D10] =	vst v10  }
0xb2: {  	v61 =	vld [tilespmem:s25+$0x7FF0];
	v6 =	vmul.f32 v60, v6;
	[tilespmem:s25+$0x7D20] =	vst v8  }
0xb3: {  	v38 =	vld [tilespmem:s25+$0x7E70];
	v13 =	vmul.f32 v62, v3;
	[tilespmem:s25+$0x7D30] =	vst v9  }
0xb4: {  	v22 =	vld [tilespmem:s25+$0x7DA0];
	v4 =	vmul.f32 v63, v3;
	[tilespmem:s25+$0x7D60] =	vst v6  }
0xb5: {  	v23 =	vld [tilespmem:s25+$0x7DB0];
	v3 =	vmul.f32 v20, v3;
	[tilespmem:s25+$0x7810] =	vst v13  }
0xb6: {  	v26 =	vld [tilespmem:s25+$0x7DC0];
	v62 =	vmul.f32 v33, v35;
	[tilespmem:s25+$0x7840] =	vst v4  }
0xb7: {  	v31 =	vld [tilespmem:s25+$0x7E10];
	v63 =	vmul.f32 v61, v5;
	[tilespmem:s25+$0x7850] =	vst v3  }
0xb8: {  	v34 =	vld [tilespmem:s25+$0x7E40];
	v16 =	vmul.f32 v38, v35;
	[tilespmem:s25+$0x7E30] =	vst v62  }
0xb9: {  	v41 =	vld [tilespmem:s25+$0x7EA0];
	v8 =	vmul.f32 v22, v24;
	[tilespmem:s25+$0x7FF0] =	vst v63  }
0xba: {  	v46 =	vld [tilespmem:s25+$0x7EE0];
	v9 =	vmul.f32 v23, v24;
	[tilespmem:s25+$0x7E70] =	vst v16  }
0xbb: {  	v6 =	vmul.f32 v26, v24;
	v3 =	vld [tilespmem:s25+$0x7E90];
	[tilespmem:s25+$0x7DA0] =	vst v8  }
0xbc: {  	v36 =	vld [tilespmem:s25+$0x7E50];
	v44 =	vbroadcast v2, $0xD;
	v10 =	vmul.f32 v31, v35;
	[tilespmem:s25+$0x7DB0] =	vst v9  }
0xbd: {  	v37 =	vld [tilespmem:s25+$0x7E60];
	v13 =	vmul.f32 v34, v35;
	[tilespmem:s25+$0x7DC0] =	vst v6  }
0xbe: {  	v39 =	vld [tilespmem:s25+$0x7E80];
	v12 =	vmul.f32 v41, v44;
	[tilespmem:s25+$0x7E10] =	vst v10  }
0xbf: {  	v42 =	vld [tilespmem:s25+$0x7EB0];
	v51 =	vmul.f32 v46, v44;
	[tilespmem:s25+$0x7E40] =	vst v13  }
0xc0: {  	v48 =	vld [tilespmem:s25+$0x7F10];
	[tilespmem:s25+$0x7EA0] =	vst v12;
	v3 =	vmul.f32 v3, v44  }
0xc1: {  	v49 =	vld [tilespmem:s25+$0x7F20];
	v9 =	vmul.f32 v36, v35;
	[tilespmem:s25+$0x7EE0] =	vst v51  }
0xc2: {  	v6 =	vmul.f32 v37, v35;
	[tilespmem:s25+$0x7E90] =	vst v3;
	v3 =	vld [tilespmem:s25+$0x7F00]  }
0xc3: {  	v2 =	vbroadcast v2, $0xE;
	v50 =	vld [tilespmem:s25+$0x7F30];
	v10 =	vmul.f32 v39, v44;
	[tilespmem:s25+$0x7E50] =	vst v9  }
0xc4: {  	v45 =	vld [tilespmem:s25+$0x7ED0];
	v13 =	vmul.f32 v42, v44;
	[tilespmem:s25+$0x7E60] =	vst v6  }
0xc5: {  	v47 =	vld [tilespmem:s25+$0x7EF0];
	v12 =	vmul.f32 v48, v2;
	[tilespmem:s25+$0x7E80] =	vst v10  }
0xc6: {  	v43 =	vld [tilespmem:s25+$0x7EC0];
	v11 =	vmul.f32 v49, v2;
	[tilespmem:s25+$0x7EB0] =	vst v13  }
0xc7: {  	v55 =	vld [tilespmem:s25+$0x7F80];
	[tilespmem:s25+$0x7F10] =	vst v12;
	v3 =	vmul.f32 v3, v2  }
0xc8: {  	v57 =	vld [tilespmem:s25+$0x7FA0];
	v7 =	vmul.f32 v50, v2;
	[tilespmem:s25+$0x7F20] =	vst v11  }
0xc9: {  	v6 =	vmul.f32 v45, v44;
	[tilespmem:s25+$0x7F00] =	vst v3;
	v3 =	vld [tilespmem:s25+$0x7F70]  }
0xca: {  	v52 =	vld [tilespmem:s25+$0x7F40];
	v10 =	vmul.f32 v47, v44;
	[tilespmem:s25+$0x7F30] =	vst v7  }
0xcb: {  	v56 =	vld [tilespmem:s25+$0x7F90];
	v9 =	vmul.f32 v43, v44;
	[tilespmem:s25+$0x7ED0] =	vst v6  }
0xcc: {  	v54 =	vld [tilespmem:s25+$0x7F60];
	v12 =	vmul.f32 v55, v5;
	[tilespmem:s25+$0x7EF0] =	vst v10  }
0xcd: {  	v58 =	vld [tilespmem:s25+$0x7FB0];
	v7 =	vmul.f32 v57, v5;
	[tilespmem:s25+$0x7EC0] =	vst v9  }
0xce: {  	v53 =	vld [tilespmem:s25+$0x7F50];
	[tilespmem:s25+$0x7F80] =	vst v12;
	v3 =	vmul.f32 v3, v2  }
0xcf: {  	v59 =	vld [tilespmem:s25+$0x7FC0];
	v6 =	vmul.f32 v52, v2;
	[tilespmem:s25+$0x7FA0] =	vst v7  }
0xd0: {  	v60 =	vld [tilespmem:s25+$0x7FE0];
	[tilespmem:s25+$0x7F70] =	vst v3;
	v3 =	vmul.f32 v56, v5  }
0xd1: {  	v10 =	vmul.f32 v54, v2;
	[tilespmem:s25+$0x7F40] =	vst v6  }
0xd2: {  	v4 =	vld [tilespmem:s25+$0x7E20];
	[tilespmem:s25+$0x7F90] =	vst v3;
	v3 =	vmul.f32 v58, v5  }
0xd3: {  	[tilespmem:s25+$0x7F60] =	vst v10;
	v2 =	vmul.f32 v53, v2  }
0xd4: {  	[tilespmem:s25+$0x7FB0] =	vst v3;
	v3 =	vmul.f32 v59, v5  }
0xd5: {  	[tilespmem:s25+$0x7F50] =	vst v2;
	v5 =	vmul.f32 v60, v5  }
0xd6: {  	[tilespmem:s25+$0x7FC0] =	vst v3  }
0xd7: {  	s26 =	simm.s32 $0x1;
	v3 =	vmul.f32 v4, v35;
	[tilespmem:s25+$0x7FE0] =	vst v5  }
.LBB2_5:
0xd8: {  	s28 =	sshll.u32 s26, $0x4  }
0xd9: {  	p1 =	sne.s32 s26, $0x7;
	[tilespmem:s25+$0x7E20] =	vst v3;
	s25 =	smov.u32 s26;
	s26 =	sadd.s32 $0x1, s26  }
0xda: {  	s28 =	sand.u32 $0x3FFFFFF0, s28  }
0xdb: {  	v2 =	vld.idx.msk [tilespmem:v1+s28+$0x0 ss:$0x1], $0xffff  }
0xdc: {  	s25 =	sshll.u32 s25, $0xB  }
0xdd: {  	s25 =	sand.u32 $0x3FFFF800, s25  }
0xde: {  	v9 =	vld [tilespmem:s25+$0x78C0]  }
0xdf: {  	v10 =	vld [tilespmem:s25+$0x78D0]  }
0xe0: {  	v11 =	vld [tilespmem:s25+$0x78B0]  }
0xe1: {  	v3 =	vbroadcast v2, $0x0;
	v8 =	vbroadcast v2, $0x4;
	v4 =	vld [tilespmem:s25+$0x7820]  }
0xe2: {  	v6 =	vld [tilespmem:s25+$0x7830]  }
0xe3: {  	v7 =	vld [tilespmem:s25+$0x7D70]  }
0xe4: {  	v12 =	vld [tilespmem:s25+$0x7860]  }
0xe5: {  	v13 =	vld [tilespmem:s25+$0x7870]  }
0xe6: {  	v5 =	vbroadcast v2, $0xA;
	v4 =	vmul.f32 v4, v3;
	v14 =	vld [tilespmem:s25+$0x7880]  }
0xe7: {  	v6 =	vmul.f32 v6, v3;
	v15 =	vld [tilespmem:s25+$0x7890]  }
0xe8: {  	[tilespmem:s25+$0x7820] =	vst v4;
	v16 =	vld [tilespmem:s25+$0x78A0];
	v4 =	vmul.f32 v7, v5  }
0xe9: {  	[tilespmem:s25+$0x7830] =	vst v6;
	v7 =	vmul.f32 v12, v3;
	v12 =	vbroadcast v2, $0x1;
	v6 =	vld [tilespmem:s25+$0x7D80]  }
0xea: {  	v13 =	vmul.f32 v13, v3;
	[tilespmem:s25+$0x7D70] =	vst v4;
	v4 =	vld [tilespmem:s25+$0x7FD0]  }
0xeb: {  	[tilespmem:s25+$0x7860] =	vst v7;
	v14 =	vmul.f32 v14, v12;
	v7 =	vld [tilespmem:s25+$0x7D90]  }
0xec: {  	[tilespmem:s25+$0x7870] =	vst v13;
	v13 =	vmul.f32 v15, v12;
	v15 =	vld [tilespmem:s25+$0x78E0]  }
0xed: {  	[tilespmem:s25+$0x7880] =	vst v14;
	v14 =	vmul.f32 v16, v12;
	v16 =	vld [tilespmem:s25+$0x78F0]  }
0xee: {  	v11 =	vmul.f32 v11, v12;
	[tilespmem:s25+$0x7890] =	vst v13;
	v13 =	vld [tilespmem:s25+$0x7900]  }
0xef: {  	v9 =	vmul.f32 v9, v12;
	[tilespmem:s25+$0x78A0] =	vst v14;
	v14 =	vld [tilespmem:s25+$0x7910]  }
0xf0: {  	v10 =	vmul.f32 v10, v12;
	[tilespmem:s25+$0x78B0] =	vst v11;
	v11 =	vld [tilespmem:s25+$0x7920]  }
0xf1: {  	[tilespmem:s25+$0x78C0] =	vst v9;
	v9 =	vmul.f32 v15, v12;
	v15 =	vbroadcast v2, $0x2;
	v17 =	vld [tilespmem:s25+$0x7930]  }
0xf2: {  	[tilespmem:s25+$0x78D0] =	vst v10;
	v10 =	vmul.f32 v16, v12;
	v12 =	vld [tilespmem:s25+$0x7940]  }
0xf3: {  	[tilespmem:s25+$0x78E0] =	vst v9;
	v9 =	vmul.f32 v13, v15;
	v13 =	vld [tilespmem:s25+$0x7950]  }
0xf4: {  	[tilespmem:s25+$0x78F0] =	vst v10;
	v10 =	vmul.f32 v14, v15;
	v14 =	vld [tilespmem:s25+$0x7960]  }
0xf5: {  	[tilespmem:s25+$0x7900] =	vst v9;
	v9 =	vmul.f32 v11, v15;
	v11 =	vld [tilespmem:s25+$0x7970]  }
0xf6: {  	[tilespmem:s25+$0x7910] =	vst v10;
	v10 =	vmul.f32 v17, v15;
	v16 =	vld [tilespmem:s25+$0x7980]  }
0xf7: {  	[tilespmem:s25+$0x7920] =	vst v9;
	v9 =	vmul.f32 v12, v15;
	v12 =	vld [tilespmem:s25+$0x7990]  }
0xf8: {  	[tilespmem:s25+$0x7930] =	vst v10;
	v10 =	vmul.f32 v13, v15;
	v13 =	vld [tilespmem:s25+$0x79A0]  }
0xf9: {  	[tilespmem:s25+$0x7940] =	vst v9;
	v9 =	vmul.f32 v14, v15;
	v14 =	vbroadcast v2, $0x3;
	v17 =	vld [tilespmem:s25+$0x79B0]  }
0xfa: {  	[tilespmem:s25+$0x7950] =	vst v10;
	v10 =	vmul.f32 v11, v15;
	v11 =	vld [tilespmem:s25+$0x79C0]  }
0xfb: {  	[tilespmem:s25+$0x7960] =	vst v9;
	v9 =	vmul.f32 v16, v14;
	v15 =	vld [tilespmem:s25+$0x79D0]  }
0xfc: {  	[tilespmem:s25+$0x7970] =	vst v10;
	v10 =	vmul.f32 v12, v14;
	v12 =	vld [tilespmem:s25+$0x79E0]  }
0xfd: {  	[tilespmem:s25+$0x7980] =	vst v9;
	v9 =	vmul.f32 v13, v14;
	v13 =	vld [tilespmem:s25+$0x79F0]  }
0xfe: {  	[tilespmem:s25+$0x7990] =	vst v10;
	v10 =	vmul.f32 v17, v14;
	v16 =	vld [tilespmem:s25+$0x7A00]  }
0xff: {  	[tilespmem:s25+$0x79A0] =	vst v9;
	v9 =	vmul.f32 v11, v14;
	v11 =	vld [tilespmem:s25+$0x7A10]  }
0x100: {  	[tilespmem:s25+$0x79B0] =	vst v10;
	v10 =	vmul.f32 v15, v14;
	v15 =	vld [tilespmem:s25+$0x7A20]  }
0x101: {  	[tilespmem:s25+$0x79C0] =	vst v9;
	v9 =	vmul.f32 v12, v14;
	v12 =	vld [tilespmem:s25+$0x7A30]  }
0x102: {  	[tilespmem:s25+$0x79D0] =	vst v10;
	v10 =	vmul.f32 v13, v14;
	v13 =	vld [tilespmem:s25+$0x7A40]  }
0x103: {  	[tilespmem:s25+$0x79E0] =	vst v9;
	v9 =	vmul.f32 v16, v8;
	v14 =	vld [tilespmem:s25+$0x7A50]  }
0x104: {  	[tilespmem:s25+$0x79F0] =	vst v10;
	v10 =	vmul.f32 v11, v8;
	v11 =	vld [tilespmem:s25+$0x7A60]  }
0x105: {  	[tilespmem:s25+$0x7A00] =	vst v9;
	v9 =	vmul.f32 v15, v8;
	v15 =	vld [tilespmem:s25+$0x7A70]  }
0x106: {  	[tilespmem:s25+$0x7A10] =	vst v10;
	v10 =	vmul.f32 v12, v8;
	v12 =	vld [tilespmem:s25+$0x7A80]  }
0x107: {  	[tilespmem:s25+$0x7A20] =	vst v9;
	v9 =	vmul.f32 v13, v8;
	v13 =	vld [tilespmem:s25+$0x7A90]  }
0x108: {  	[tilespmem:s25+$0x7A30] =	vst v10;
	v10 =	vmul.f32 v14, v8;
	v14 =	vld [tilespmem:s25+$0x7AA0]  }
0x109: {  	[tilespmem:s25+$0x7A40] =	vst v9;
	v9 =	vmul.f32 v11, v8;
	v11 =	vbroadcast v2, $0x5;
	v16 =	vld [tilespmem:s25+$0x7AB0]  }
0x10a: {  	[tilespmem:s25+$0x7A50] =	vst v10;
	v8 =	vmul.f32 v15, v8;
	v10 =	vld [tilespmem:s25+$0x7AC0]  }
0x10b: {  	[tilespmem:s25+$0x7A60] =	vst v9;
	v9 =	vmul.f32 v12, v11;
	v12 =	vld [tilespmem:s25+$0x7AD0]  }
0x10c: {  	[tilespmem:s25+$0x7A70] =	vst v8;
	v8 =	vmul.f32 v13, v11;
	v13 =	vld [tilespmem:s25+$0x7AE0]  }
0x10d: {  	[tilespmem:s25+$0x7A80] =	vst v9;
	v9 =	vmul.f32 v14, v11;
	v14 =	vld [tilespmem:s25+$0x7AF0]  }
0x10e: {  	[tilespmem:s25+$0x7A90] =	vst v8;
	v8 =	vmul.f32 v16, v11;
	v15 =	vld [tilespmem:s25+$0x7B00]  }
0x10f: {  	[tilespmem:s25+$0x7AA0] =	vst v9;
	v9 =	vmul.f32 v10, v11;
	v10 =	vld [tilespmem:s25+$0x7B10]  }
0x110: {  	[tilespmem:s25+$0x7AB0] =	vst v8;
	v8 =	vmul.f32 v12, v11;
	v12 =	vld [tilespmem:s25+$0x7B20]  }
0x111: {  	[tilespmem:s25+$0x7AC0] =	vst v9;
	v9 =	vmul.f32 v13, v11;
	v13 =	vbroadcast v2, $0x6;
	v16 =	vld [tilespmem:s25+$0x7B30]  }
0x112: {  	[tilespmem:s25+$0x7AD0] =	vst v8;
	v8 =	vmul.f32 v14, v11;
	v11 =	vld [tilespmem:s25+$0x7B40]  }
0x113: {  	[tilespmem:s25+$0x7AE0] =	vst v9;
	v9 =	vmul.f32 v15, v13;
	v14 =	vld [tilespmem:s25+$0x7B50]  }
0x114: {  	[tilespmem:s25+$0x7AF0] =	vst v8;
	v8 =	vmul.f32 v10, v13;
	v10 =	vld [tilespmem:s25+$0x7B60]  }
0x115: {  	[tilespmem:s25+$0x7B00] =	vst v9;
	v9 =	vmul.f32 v12, v13;
	v12 =	vld [tilespmem:s25+$0x7B70]  }
0x116: {  	[tilespmem:s25+$0x7B10] =	vst v8;
	v8 =	vmul.f32 v16, v13;
	v15 =	vld [tilespmem:s25+$0x7B80]  }
0x117: {  	[tilespmem:s25+$0x7B20] =	vst v9;
	v9 =	vmul.f32 v11, v13;
	v11 =	vld [tilespmem:s25+$0x7B90]  }
0x118: {  	[tilespmem:s25+$0x7B30] =	vst v8;
	v8 =	vmul.f32 v14, v13;
	v14 =	vld [tilespmem:s25+$0x7BA0]  }
0x119: {  	[tilespmem:s25+$0x7B40] =	vst v9;
	v9 =	vmul.f32 v10, v13;
	v10 =	vbroadcast v2, $0x7;
	v16 =	vld [tilespmem:s25+$0x7BB0]  }
0x11a: {  	[tilespmem:s25+$0x7B50] =	vst v8;
	v8 =	vmul.f32 v12, v13;
	v12 =	vld [tilespmem:s25+$0x7BC0]  }
0x11b: {  	[tilespmem:s25+$0x7B60] =	vst v9;
	v9 =	vmul.f32 v15, v10;
	v13 =	vld [tilespmem:s25+$0x7BD0]  }
0x11c: {  	[tilespmem:s25+$0x7B70] =	vst v8;
	v8 =	vmul.f32 v11, v10;
	v11 =	vld [tilespmem:s25+$0x7BE0]  }
0x11d: {  	[tilespmem:s25+$0x7B80] =	vst v9;
	v9 =	vmul.f32 v14, v10;
	v14 =	vld [tilespmem:s25+$0x7BF0]  }
0x11e: {  	[tilespmem:s25+$0x7B90] =	vst v8;
	v8 =	vmul.f32 v16, v10;
	v15 =	vld [tilespmem:s25+$0x7C00]  }
0x11f: {  	[tilespmem:s25+$0x7BA0] =	vst v9;
	v9 =	vmul.f32 v12, v10;
	v12 =	vld [tilespmem:s25+$0x7C10]  }
0x120: {  	[tilespmem:s25+$0x7BB0] =	vst v8;
	v8 =	vmul.f32 v13, v10;
	v13 =	vld [tilespmem:s25+$0x7C20]  }
0x121: {  	[tilespmem:s25+$0x7BC0] =	vst v9;
	v9 =	vmul.f32 v11, v10;
	v11 =	vbroadcast v2, $0x8;
	v16 =	vld [tilespmem:s25+$0x7C30]  }
0x122: {  	[tilespmem:s25+$0x7BD0] =	vst v8;
	v8 =	vmul.f32 v14, v10;
	v10 =	vld [tilespmem:s25+$0x7C40]  }
0x123: {  	[tilespmem:s25+$0x7BE0] =	vst v9;
	v9 =	vmul.f32 v15, v11;
	v14 =	vld [tilespmem:s25+$0x7C50]  }
0x124: {  	[tilespmem:s25+$0x7BF0] =	vst v8;
	v8 =	vmul.f32 v12, v11;
	v12 =	vld [tilespmem:s25+$0x7C60]  }
0x125: {  	[tilespmem:s25+$0x7C00] =	vst v9;
	v9 =	vmul.f32 v13, v11;
	v13 =	vld [tilespmem:s25+$0x7C70]  }
0x126: {  	[tilespmem:s25+$0x7C10] =	vst v8;
	v8 =	vmul.f32 v16, v11;
	v15 =	vld [tilespmem:s25+$0x7C80]  }
0x127: {  	[tilespmem:s25+$0x7C20] =	vst v9;
	v9 =	vmul.f32 v10, v11;
	v10 =	vld [tilespmem:s25+$0x7C90]  }
0x128: {  	[tilespmem:s25+$0x7C30] =	vst v8;
	v8 =	vmul.f32 v14, v11;
	v14 =	vld [tilespmem:s25+$0x7CA0]  }
0x129: {  	[tilespmem:s25+$0x7C40] =	vst v9;
	v9 =	vmul.f32 v12, v11;
	v12 =	vbroadcast v2, $0x9;
	v16 =	vld [tilespmem:s25+$0x7CB0]  }
0x12a: {  	[tilespmem:s25+$0x7C50] =	vst v8;
	v8 =	vmul.f32 v13, v11;
	v11 =	vld [tilespmem:s25+$0x7CC0]  }
0x12b: {  	[tilespmem:s25+$0x7C60] =	vst v9;
	v9 =	vmul.f32 v15, v12;
	v13 =	vld [tilespmem:s25+$0x7CD0]  }
0x12c: {  	[tilespmem:s25+$0x7C70] =	vst v8;
	v8 =	vmul.f32 v10, v12;
	v10 =	vld [tilespmem:s25+$0x7CE0]  }
0x12d: {  	[tilespmem:s25+$0x7C80] =	vst v9;
	v9 =	vmul.f32 v14, v12;
	v14 =	vld [tilespmem:s25+$0x7CF0]  }
0x12e: {  	[tilespmem:s25+$0x7C90] =	vst v8;
	v8 =	vmul.f32 v16, v12;
	v15 =	vld [tilespmem:s25+$0x7D00]  }
0x12f: {  	[tilespmem:s25+$0x7CA0] =	vst v9;
	v9 =	vmul.f32 v11, v12;
	v11 =	vld [tilespmem:s25+$0x7D10]  }
0x130: {  	[tilespmem:s25+$0x7CB0] =	vst v8;
	v8 =	vmul.f32 v13, v12;
	v13 =	vld [tilespmem:s25+$0x7D20]  }
0x131: {  	[tilespmem:s25+$0x7CC0] =	vst v9;
	v9 =	vmul.f32 v10, v12;
	v10 =	vld [tilespmem:s25+$0x7D30]  }
0x132: {  	[tilespmem:s25+$0x7CD0] =	vst v8;
	v8 =	vmul.f32 v14, v12;
	v12 =	vld [tilespmem:s25+$0x7D40]  }
0x133: {  	[tilespmem:s25+$0x7CE0] =	vst v9;
	v9 =	vmul.f32 v15, v5;
	v14 =	vld [tilespmem:s25+$0x7D50]  }
0x134: {  	[tilespmem:s25+$0x7CF0] =	vst v8;
	v8 =	vmul.f32 v11, v5;
	v11 =	vld [tilespmem:s25+$0x7D60]  }
0x135: {  	v15 =	vld [tilespmem:s25+$0x7800];
	[tilespmem:s25+$0x7D00] =	vst v9;
	v9 =	vmul.f32 v13, v5  }
0x136: {  	v13 =	vld [tilespmem:s25+$0x7810];
	[tilespmem:s25+$0x7D10] =	vst v8;
	v8 =	vmul.f32 v10, v5  }
0x137: {  	v10 =	vld [tilespmem:s25+$0x7840];
	[tilespmem:s25+$0x7D20] =	vst v9;
	v9 =	vmul.f32 v12, v5  }
0x138: {  	v12 =	vld [tilespmem:s25+$0x7850];
	[tilespmem:s25+$0x7D30] =	vst v8;
	v8 =	vmul.f32 v14, v5  }
0x139: {  	[tilespmem:s25+$0x7D40] =	vst v9;
	v9 =	vmul.f32 v11, v5;
	v11 =	vbroadcast v2, $0xB;
	v14 =	vld [tilespmem:s25+$0x7DA0]  }
0x13a: {  	v5 =	vbroadcast v2, $0xF;
	v15 =	vmul.f32 v3, v15;
	[tilespmem:s25+$0x7D50] =	vst v8;
	v8 =	vld [tilespmem:s25+$0x7DB0]  }
0x13b: {  	v13 =	vmul.f32 v13, v3;
	[tilespmem:s25+$0x7D60] =	vst v9;
	v6 =	vmul.f32 v6, v11;
	v9 =	vld [tilespmem:s25+$0x7DC0]  }
0x13c: {  	v7 =	vmul.f32 v7, v11;
	[tilespmem:s25+$0x7800] =	vst v15;
	v10 =	vmul.f32 v10, v3;
	v15 =	vld [tilespmem:s25+$0x7DD0]  }
0x13d: {  	v4 =	vmul.f32 v4, v5;
	v12 =	vmul.f32 v12, v3;
	[tilespmem:s25+$0x7D80] =	vst v6;
	v3 =	vld [tilespmem:s25+$0x7DE0]  }
0x13e: {  	[tilespmem:s25+$0x7D90] =	vst v7;
	v6 =	vmul.f32 v14, v11;
	v7 =	vld [tilespmem:s25+$0x7DF0]  }
0x13f: {  	v8 =	vmul.f32 v8, v11;
	v14 =	vld [tilespmem:s25+$0x7E00];
	[tilespmem:s25+$0x7FD0] =	vst v4  }
0x140: {  	[tilespmem:s25+$0x7810] =	vst v13;
	v4 =	vmul.f32 v9, v11;
	v9 =	vld [tilespmem:s25+$0x7E10]  }
0x141: {  	[tilespmem:s25+$0x7840] =	vst v10;
	v10 =	vmul.f32 v15, v11;
	v13 =	vld [tilespmem:s25+$0x7E20]  }
0x142: {  	v15 =	vbroadcast v2, $0xC;
	[tilespmem:s25+$0x7DA0] =	vst v6;
	v6 =	vmul.f32 v3, v11;
	v16 =	vld [tilespmem:s25+$0x7E30]  }
0x143: {  	[tilespmem:s25+$0x7DD0] =	vst v10;
	v7 =	vmul.f32 v7, v11;
	v10 =	vld [tilespmem:s25+$0x7E40]  }
0x144: {  	[tilespmem:s25+$0x7DB0] =	vst v8;
	v3 =	vmul.f32 v14, v15;
	v8 =	vld [tilespmem:s25+$0x7E50]  }
0x145: {  	[tilespmem:s25+$0x7DC0] =	vst v4;
	v4 =	vmul.f32 v9, v15;
	v9 =	vld [tilespmem:s25+$0x7E60]  }
0x146: {  	[tilespmem:s25+$0x7E00] =	vst v3;
	v3 =	vmul.f32 v13, v15;
	v11 =	vld [tilespmem:s25+$0x7E70]  }
0x147: {  	[tilespmem:s25+$0x7E10] =	vst v4;
	v4 =	vld [tilespmem:s25+$0x7E80]  }
0x148: {  	[tilespmem:s25+$0x7850] =	vst v12;
	v10 =	vmul.f32 v10, v15;
	v12 =	vld [tilespmem:s25+$0x7E90]  }
0x149: {  	[tilespmem:s25+$0x7DE0] =	vst v6;
	v6 =	vmul.f32 v8, v15;
	v8 =	vld [tilespmem:s25+$0x7EA0]  }
0x14a: {  	[tilespmem:s25+$0x7E40] =	vst v10;
	v9 =	vmul.f32 v9, v15;
	v10 =	vbroadcast v2, $0xD;
	v13 =	vld [tilespmem:s25+$0x7EB0]  }
0x14b: {  	[tilespmem:s25+$0x7E50] =	vst v6;
	v6 =	vmul.f32 v11, v15;
	v11 =	vld [tilespmem:s25+$0x7EC0]  }
0x14c: {  	[tilespmem:s25+$0x7E60] =	vst v9;
	v4 =	vmul.f32 v4, v10;
	v9 =	vld [tilespmem:s25+$0x7ED0]  }
0x14d: {  	[tilespmem:s25+$0x7E70] =	vst v6;
	v6 =	vmul.f32 v12, v10;
	v12 =	vld [tilespmem:s25+$0x7EE0]  }
0x14e: {  	[tilespmem:s25+$0x7E80] =	vst v4;
	v4 =	vmul.f32 v8, v10;
	v8 =	vld [tilespmem:s25+$0x7EF0]  }
0x14f: {  	[tilespmem:s25+$0x7E90] =	vst v6;
	v6 =	vmul.f32 v13, v10;
	v13 =	vld [tilespmem:s25+$0x7F00]  }
0x150: {  	[tilespmem:s25+$0x7EA0] =	vst v4;
	v4 =	vmul.f32 v11, v10;
	v11 =	vld [tilespmem:s25+$0x7F10]  }
0x151: {  	[tilespmem:s25+$0x7EB0] =	vst v6;
	v6 =	vmul.f32 v9, v10;
	v9 =	vld [tilespmem:s25+$0x7F20]  }
0x152: {  	v2 =	vbroadcast v2, $0xE;
	[tilespmem:s25+$0x7DF0] =	vst v7;
	v7 =	vmul.f32 v12, v10;
	v12 =	vld [tilespmem:s25+$0x7F30]  }
0x153: {  	[tilespmem:s25+$0x7ED0] =	vst v6;
	v6 =	vmul.f32 v8, v10;
	v8 =	vld [tilespmem:s25+$0x7F40]  }
0x154: {  	[tilespmem:s25+$0x7EE0] =	vst v7;
	v7 =	vmul.f32 v13, v2;
	v10 =	vld [tilespmem:s25+$0x7F50]  }
0x155: {  	[tilespmem:s25+$0x7EF0] =	vst v6;
	v6 =	vmul.f32 v11, v2;
	v11 =	vld [tilespmem:s25+$0x7F60]  }
0x156: {  	[tilespmem:s25+$0x7F00] =	vst v7;
	v7 =	vmul.f32 v9, v2;
	v9 =	vld [tilespmem:s25+$0x7F70]  }
0x157: {  	[tilespmem:s25+$0x7F10] =	vst v6;
	v6 =	vmul.f32 v12, v2;
	v12 =	vld [tilespmem:s25+$0x7F80]  }
0x158: {  	[tilespmem:s25+$0x7F20] =	vst v7;
	v7 =	vmul.f32 v8, v2;
	v8 =	vld [tilespmem:s25+$0x7F90]  }
0x159: {  	[tilespmem:s25+$0x7F30] =	vst v6;
	v6 =	vmul.f32 v10, v2;
	v10 =	vld [tilespmem:s25+$0x7FA0]  }
0x15a: {  	[tilespmem:s25+$0x7F40] =	vst v7;
	v7 =	vmul.f32 v11, v2;
	v11 =	vld [tilespmem:s25+$0x7FB0]  }
0x15b: {  	[tilespmem:s25+$0x7EC0] =	vst v4;
	v2 =	vmul.f32 v9, v2;
	v4 =	vld [tilespmem:s25+$0x7FC0]  }
0x15c: {  	[tilespmem:s25+$0x7F60] =	vst v7;
	v7 =	vmul.f32 v12, v5;
	v9 =	vld [tilespmem:s25+$0x7FE0]  }
0x15d: {  	[tilespmem:s25+$0x7F70] =	vst v2;
	v2 =	vmul.f32 v8, v5;
	v8 =	vld [tilespmem:s25+$0x7FF0]  }
0x15e: {  	[tilespmem:s25+$0x7F80] =	vst v7;
	v7 =	vmul.f32 v10, v5  }
0x15f: {  	[tilespmem:s25+$0x7F90] =	vst v2;
	v2 =	vmul.f32 v11, v5  }
0x160: {  	v10 =	vmul.f32 v16, v15;
	[tilespmem:s25+$0x7FA0] =	vst v7  }
0x161: {  	[tilespmem:s25+$0x7FB0] =	vst v2;
	v2 =	vmul.f32 v4, v5  }
.Ltmp1:
0x162: {  	[tilespmem:s25+$0x7E30] =	vst v10;
	v4 =	vmul.f32 v8, v5;
	(pc) =	sbr.rel @p1 .LBB2_5-.Ltmp1, $4  }
0x163: {  	[tilespmem:s25+$0x7FC0] =	vst v2  }
0x164: {  	v2 =	vmul.f32 v9, v5;
	[tilespmem:s25+$0x7FF0] =	vst v4  }
0x165: {  	[tilespmem:s25+$0x7F50] =	vst v6  }
0x166: {  	[tilespmem:s25+$0x7FE0] =	vst v2  }
0x167: {  	s23 =	sadd.s32 $0x1, s23  }
0x168: {  	p1 =	sne.s32 s23, $0x4F  }
.Ltmp2:
0x169: {  	[tilespmem:s25+$0x7E20] =	vst v3;
	s24 =	sadd.s32 $0x2800, s24;
	(pc) =	sbr.rel @p1 .LBB2_4-.Ltmp2, $4  }
0x16a: {  	[spmem:s3] =	stream.indirect.scatter.add.f32 [tilespmem:s17], [sflag:$0x2], $0x80, s24, s21, $0xb8;
	[tilespmem:$0x1F080] =	vst v63  }
0x16b: {  	_ =	swait.ge [sflag:s18], $0x4000  }
0x16c: {  	[sflag:s18] =	ssyncset.done $0x0  }
0x16d: {  	[sflag:s18] =	ssyncadd.s32 $0xFFFFC000  }
0x16e: {  	s23 =	sshll.u32 s0, $0x6  }
0x16f: {  	[bflag:$0x0] =	sbarrier.arrive $0xFFFF;
	s24 =	sshrl.u32 s5, $0x3;
	s23 =	sor.u32 $0x1C02, s23  }
0x170: {  	[hbm:s14], [sflag:s23] =	dma.local [spmem:s24], $0x2700  }
0x171: {  	_ =	swait.ge [sflag:s18], $0x2700  }
0x172: {  	s4 =	sadd.s32 $0x1, s4;
	[sflag:s18] =	ssyncset.done $0x0  }
0x173: {  	p1 =	sne.s32 s4, s16;
	s24 =	sshrl.u32 @!p0 s10, $0x3;
	[sflag:s18] =	ssyncadd.s32 $0xFFFFD900  }
0x174: {  	[hbm:s15], [sflag:s23] =	dma.local @!p0 [spmem:s24], $0x100  }
.Ltmp3:
0x175: {  	_ = 	snop;
	(pc) =	sbr.rel @p1 .LBB2_1-.Ltmp3, $4  }
0x176: {  	s23 =	simm.s32 @!p0 $0x2  }
0x177: {  	_ =	swait.ge @!p0 [sflag:s23], $0x100  }
0x178: {  	[sflag:s23] =	ssyncset.done @!p0 $0x0  }
0x179: {  	[sflag:s23] =	ssyncadd.s32 @!p0 $0xFFFFFF00  }
0x17a: {  	_ =	sfence.sel $0x180000  }
0x17b: {  	[bflag:$0x0] =	sbarrier.arrive $0xFFFF  }
0x17c: {  	p0 =	sne.s32 s0, $0x0;
	_ =	strace $0x90000047  }
0x17d: {  	s0 =	sadd.s32 @!p0 $0x100000, s2;
	[bflag:$0x2] =	sbarrier.arrive $0xFFFF  }
0x17e: {  	[sflag:s0] =	ssyncadd.tile.s32 @!p0 $0x1;
	_ =	shalt  }
.Lfunc_end2:
_tile_overlayer_lowered:
.L_overlay_start_2:
0x17f: {  	(tag) =	ssettag $0x2  }
0x180: {  	s0 =	rddreg [dreg:$0x0];
	s2 =	stileid.u32  }
0x181: {  	s1 =	rddreg [dreg:$0x1];
	p0 =	sne.s32 s2, $0x0  }
0x182: {  	s3 =	rddreg [dreg:$0x2];
	[bflag:$0x3] =	sbarrier.arrive $0xFFFF;
	s2 =	simm.s32 @!p0 $0x1C02  }
0x183: {  	[timem:s3], [sflag:s2] =	dma.local @!p0 [hbm:s0], s1  }
0x184: {  	s0 =	simm.s32 @!p0 $0x2  }
0x185: {  	_ =	swait.ge @!p0 [sflag:s0], s1  }
0x186: {  	s1 =	ssub.s32 @!p0 $0x0, s1;
	[sflag:s0] =	ssyncset.done @!p0 $0x0  }
0x187: {  	[sflag:s0] =	ssyncadd.s32 @!p0 s1  }
0x188: {  	[bflag:$0x3] =	sbarrier.arrive $0xFFFF  }
0x189: {  	_ =	shalt  }

</sc_bundles>
